<compile_context>
chip_gen: v7x
topology: tpu7x:2x2x1
jax: 0.10.2.dev20260603
libtpu: 0.0.44.dev20260713+nightly
codegen_flags: <defaults>
</compile_context>

<pallas_src>
import functools

import jax
import jax.numpy as jnp
from jax import lax
from jax.experimental import pallas as pl
from jax.experimental.pallas import tpu as pltpu
from jax.experimental.pallas import tpu_sc as plsc

_N = 10000
_E = 320000
_D = 128
_NC = 2
_NS = 16
_NW = _NC * _NS
_EPW = _E // _NW
_C = 80
_NCHUNK = _EPW // _C
_NBUF = 2
_NPAD = 10112
_RPT = _NPAD // _NS


def _make_sc_scatter():
    mesh = plsc.VectorSubcoreMesh(core_axis_name="c", subcore_axis_name="s")

    @functools.partial(
        pl.kernel,
        out_type=jax.ShapeDtypeStruct((_NC, _NPAD, _D), jnp.float32),
        mesh=mesh,
        scratch_types=[
            pltpu.VMEM((_EPW,), jnp.int32),
            pltpu.VMEM((_EPW,), jnp.int32),
            [pltpu.VMEM((_C, _D), jnp.float32) for _ in range(_NBUF)],
            pltpu.VMEM_SHARED((_NPAD, _D), jnp.float32),
            [pltpu.SemaphoreType.DMA for _ in range(_NBUF)],
        ],
    )
    def scat(h_hbm, src_hbm, dst_hbm, zeros_hbm, out_hbm,
             src_v, dst_v, rows_v, acc_sh, sems):
        c = lax.axis_index("c")
        s = lax.axis_index("s")
        wid = s * _NC + c
        pltpu.sync_copy(src_hbm.at[wid], src_v)
        pltpu.sync_copy(dst_hbm.at[wid], dst_v)
        for b in range(_NBUF):
            pltpu.async_copy(h_hbm.at[src_v.at[pl.ds(b * _C, _C)]],
                             rows_v[b], sems[b])
        pltpu.sync_copy(zeros_hbm.at[pl.ds(s * _RPT, _RPT)],
                        acc_sh.at[pl.ds(s * _RPT, _RPT)])
        plsc.subcore_barrier()

        def body(jo, carry):
            for b in range(_NBUF):
                chunk = jo * _NBUF + b
                pltpu.make_async_copy(h_hbm.at[src_v.at[pl.ds(chunk * _C, _C)]],
                                      rows_v[b], sems[b]).wait()
                pltpu.sync_copy(rows_v[b],
                                acc_sh.at[dst_v.at[pl.ds(chunk * _C, _C)]],
                                add=True)
                nxt = chunk + _NBUF

                @pl.when(nxt < _NCHUNK)
                def _():
                    pltpu.async_copy(h_hbm.at[src_v.at[pl.ds(nxt * _C, _C)]],
                                     rows_v[b], sems[b])
            return carry

        lax.fori_loop(0, _NCHUNK // _NBUF, body, 0)
        tail = (_NCHUNK // _NBUF) * _NBUF
        for chunk in range(tail, _NCHUNK):
            b = chunk % _NBUF
            pltpu.make_async_copy(h_hbm.at[src_v.at[pl.ds(chunk * _C, _C)]],
                                  rows_v[b], sems[b]).wait()
            pltpu.sync_copy(rows_v[b],
                            acc_sh.at[dst_v.at[pl.ds(chunk * _C, _C)]],
                            add=True)
        plsc.subcore_barrier()
        pltpu.sync_copy(acc_sh.at[pl.ds(s * _RPT, _RPT)],
                        out_hbm.at[c].at[pl.ds(s * _RPT, _RPT)])

    return scat


def _make_sc_degree():
    mesh = plsc.VectorSubcoreMesh(core_axis_name="c", subcore_axis_name="s")

    @functools.partial(
        pl.kernel,
        out_type=jax.ShapeDtypeStruct((_NW * _NPAD,), jnp.float32),
        mesh=mesh,
        scratch_types=[
            pltpu.VMEM((_EPW,), jnp.float32),
            pltpu.VMEM((_EPW,), jnp.int32),
            pltpu.VMEM((_NPAD,), jnp.float32),
        ],
        compiler_params=pltpu.CompilerParams(needs_layout_passes=False),
    )
    def deg(ew_hbm, dst_hbm, out_hbm, w_v, dst_v, hist_v):
        c = lax.axis_index("c")
        s = lax.axis_index("s")
        wid = s * _NC + c
        base = wid * _EPW
        pltpu.sync_copy(ew_hbm.at[pl.ds(base, _EPW)], w_v)
        pltpu.sync_copy(dst_hbm.at[pl.ds(base, _EPW)], dst_v)

        def zbody(i, carry):
            hist_v[pl.ds(i * 16, 16)] = jnp.zeros((16,), jnp.float32)
            return carry

        lax.fori_loop(0, _NPAD // 16, zbody, 0)

        def body(i, carry):
            idx = dst_v[pl.ds(i * 16, 16)]
            w = w_v[pl.ds(i * 16, 16)]
            plsc.addupdate_scatter(hist_v, [idx], w)
            return carry

        lax.fori_loop(0, _EPW // 16, body, 0)
        pltpu.sync_copy(hist_v, out_hbm.at[pl.ds(wid * _NPAD, _NPAD)])

    return deg


_sc_scatter = _make_sc_scatter()
_sc_degree = _make_sc_degree()



def _mm1_body(x_ref, w_ref, hists_ref, o_ref, dinv_ref, dinv2_ref):
    indeg = jnp.sum(hists_ref[...], axis=0)[:_N, None]
    dinv = lax.rsqrt(indeg + 1.0)
    dinv2 = jnp.where(indeg > 0, lax.rsqrt(indeg), 0.0)
    dinv_ref[...] = dinv
    dinv2_ref[...] = dinv2
    h = jnp.dot(x_ref[...], w_ref[...], preferred_element_type=jnp.float32)
    o_ref[...] = h * dinv


def _mid_body(s0_ref, s1_ref, hp_ref, dinv_ref, b1_ref, w2_ref,
              dinv2_ref, maskf_ref, y_ref, o_ref):
    t = (s0_ref[...] + s1_ref[...] + hp_ref[...]) * dinv_ref[...] + b1_ref[...]
    h1 = jnp.maximum(t, 0.0)
    o_ref[:, :64] = jnp.dot(h1, w2_ref[...],
                            preferred_element_type=jnp.float32) * dinv_ref[...]
    o_ref[:, 64:] = maskf_ref[...] * dinv2_ref[...] * y_ref[...]


def _lpa_combine(t0, t1, dinv2, maskf, y, lo, hi):
    val = jnp.clip((t0[:, lo:hi] + t1[:, lo:hi]) * dinv2, 0.0, 1.0)
    yh = jnp.where(maskf != 0.0, y, val)
    z = jnp.concatenate([yh * dinv2, jnp.zeros_like(yh)], axis=1)
    return z, yh


def kernel(x, edge_index, y, mask, edge_weight, W1, b1, W2, b2):
    src = edge_index[0]
    dst = edge_index[1]
    src2 = src.reshape(_NW, _EPW)
    dst3 = dst.reshape(_NW, _EPW)
    maskf = mask.astype(jnp.float32).reshape(_N, 1)
    zeros128 = jnp.zeros((_NPAD, _D), jnp.float32)

    hists = _sc_degree(edge_weight, dst).reshape(_NW, _NPAD)

    hp1, dinv, dinv2 = pl.pallas_call(
        _mm1_body,
        out_shape=(jax.ShapeDtypeStruct((_N, 128), jnp.float32),
                   jax.ShapeDtypeStruct((_N, 1), jnp.float32),
                   jax.ShapeDtypeStruct((_N, 1), jnp.float32)),
    )(x, W1, hists)
    s1 = _sc_scatter(hp1, src2, dst3, zeros128)[:, :_N]

    hpz = pl.pallas_call(
        _mid_body, out_shape=jax.ShapeDtypeStruct((_N, 128), jnp.float32),
    )(s1[0], s1[1], hp1, dinv, b1.reshape(1, 128), W2, dinv2, maskf, y)
    sB = _sc_scatter(hpz, src2, dst3, zeros128)[:, :_N]

    out = ((sB[0, :, :64] + sB[1, :, :64] + hpz[:, :64]) * dinv
           + b2.reshape(1, 64))
    z, _ = _lpa_combine(sB[0], sB[1], dinv2, maskf, y, 64, 128)

    yh = None
    for _ in range(2):
        t = _sc_scatter(z, src2, dst3, zeros128)[:, :_N]
        z, yh = _lpa_combine(t[0], t[1], dinv2, maskf, y, 0, 64)

    return (out, yh)

# --- scband reference (transcript-rebuilt; emitter-appended) ---
"""Pipeline reference for scband-gcn-lpa-21053929685140 (READ-ONLY COPY).

The authoritative reference and input builder live on the scoring server;
editing this copy changes nothing except your own understanding.
"""

import jax, jax.numpy as jnp
import numpy as np

N = 10000      # n_nodes
E = 320000     # n_edges
DIN = 128
DH = 128
DOUT = 64      # num classes
K = 3          # lpaiters


def _gcn_norm(src, dst, ew, n, add_self_loops=True):
    if add_self_loops:
        loop = jnp.arange(n, dtype=src.dtype)
        src = jnp.concatenate([src, loop])
        dst = jnp.concatenate([dst, loop])
        ew = jnp.concatenate([ew, jnp.ones((n,), dtype=ew.dtype)])
    deg = jax.ops.segment_sum(ew, dst, num_segments=n)
    dinv = jnp.where(deg > 0, deg ** -0.5, 0.0)
    norm = dinv[src] * ew * dinv[dst]
    return src, dst, norm


def setup_inputs(seed: int = 0) -> dict:
    key = jax.random.key(seed)
    ks = jax.random.split(key, 8)
    x = jax.random.normal(ks[0], (N, DIN), dtype=jnp.float32)
    edge_index = jax.random.randint(ks[1], (2, E), 0, N).astype(jnp.int32)
    y = jax.random.uniform(ks[2], (N, DOUT), dtype=jnp.float32)
    mask = jax.random.randint(ks[3], (N,), 0, 2) == 1
    edge_weight = jnp.ones((E,), dtype=jnp.float32)  # nn.Parameter(torch.ones(num_edges))
    W1 = jax.random.normal(ks[4], (DIN, DH), dtype=jnp.float32) * (1.0 / np.sqrt(DIN))
    b1 = jnp.zeros((DH,), dtype=jnp.float32)
    W2 = jax.random.normal(ks[5], (DH, DOUT), dtype=jnp.float32) * (1.0 / np.sqrt(DH))
    b2 = jnp.zeros((DOUT,), dtype=jnp.float32)
    return {"x": x, "edge_index": edge_index, "y": y, "mask": mask,
            "edge_weight": edge_weight, "W1": W1, "b1": b1, "W2": W2, "b2": b2}


def reference(x, edge_index, y, mask, edge_weight, W1, b1, W2, b2):
    src, dst = edge_index[0], edge_index[1]
    # GCNConv stack (gcnnum=2), symmetric gcn_norm with self loops, learned edge_weight
    s, d, norm = _gcn_norm(src, dst, edge_weight, N, add_self_loops=True)
    h = x @ W1
    h = jax.ops.segment_sum(norm[:, None] * h[s], d, num_segments=N) + b1
    h = jax.nn.relu(h)
    # dropout is identity in eval mode
    h = h @ W2
    out = jax.ops.segment_sum(norm[:, None] * h[s], d, num_segments=N) + b2
    # LPAconv: K rounds of label propagation with same learned edge weights (no self loops),
    # clamping to [0,1] and resetting known (masked) labels each round
    s2, d2, norm2 = _gcn_norm(src, dst, edge_weight, N, add_self_loops=False)
    yh = jnp.where(mask[:, None], y, jnp.zeros_like(y))
    for _ in range(K):
        yh = jax.ops.segment_sum(norm2[:, None] * yh[s2], d2, num_segments=N)
        yh = jnp.clip(yh, 0.0, 1.0)
        yh = jnp.where(mask[:, None], y, yh)
    return (out, yh)

if __name__ == "__main__":
    import jax
    _d = setup_inputs()
    print(jax.jit(kernel)(*tuple(_d.values())))

</pallas_src>

<mosaic_0001>
#map = affine_map<(d0, d1) -> (0, 0)>
#map1 = affine_map<(d0, d1) -> (0, 0, 0)>
module attributes {stable_mosaic.version = 14 : i64} {
  func.func @scat(%arg0: i32, %arg1: i32, %arg2: memref<10000x128xf32, #tpu.memory_space<hbm>>, %arg3: memref<32x10000xi32, #tpu.memory_space<hbm>>, %arg4: memref<32x10000xi32, #tpu.memory_space<hbm>>, %arg5: memref<10112x128xf32, #tpu.memory_space<hbm>>, %arg6: memref<2x10112x128xf32, #tpu.memory_space<hbm>>, %arg7: memref<10000xi32, #tpu.memory_space<vmem>>, %arg8: memref<10000xi32, #tpu.memory_space<vmem>>, %arg9: memref<80x128xf32, #tpu.memory_space<vmem>>, %arg10: memref<80x128xf32, #tpu.memory_space<vmem>>, %arg11: memref<10112x128xf32, #tpu.memory_space<vmem_shared>>, %arg12: memref<!tpu.dma_semaphore, #tpu.memory_space<semaphore_mem>>, %arg13: memref<!tpu.dma_semaphore, #tpu.memory_space<semaphore_mem>>) attributes {dimension_semantics = [#tpu.dimension_semantics<core_parallel>, #tpu.dimension_semantics<subcore_parallel>], iteration_bounds = array<i64: 2, 16>, scalar_prefetch = 0 : i64, scratch_operands = 7 : i64, tpu.core_type = #tpu.core_type<sc_vector_subcore>, window_params = [{transform_indices = #map}, {transform_indices = #map}, {transform_indices = #map}, {transform_indices = #map}, {transform_indices = #map1}]} {
    %mul3A = arith.constant 2 : i32
    %mul3A_0 = arith.muli %arg1, %mul3A : i32
    %add3A = arith.addi %mul3A_0, %arg0 : i32
    "tpu.region"() ({
      %run_scoped3A = tpu.sem_alloc : memref<!tpu.dma_semaphore, #tpu.memory_space<semaphore_mem>>
      %dma_start3A_28 = arith.constant 0 : i32
      %dma_start3A_29 = tpu.memref_slice %arg3[%add3A, %dma_start3A_28] : memref<32x10000xi32, #tpu.memory_space<hbm>> -> memref<1x10000xi32, #tpu.memory_space<hbm>>
      %dma_start3A_30 = tpu.memref_squeeze %dma_start3A_29 : memref<1x10000xi32, #tpu.memory_space<hbm>> -> memref<10000xi32, #tpu.memory_space<hbm>>
      %dma_start3A_31 = arith.constant 0 : i32
      %dma_start3A_32 = tpu.memref_slice %arg3[%add3A, %dma_start3A_31] : memref<32x10000xi32, #tpu.memory_space<hbm>> -> memref<1x10000xi32, #tpu.memory_space<hbm>>
      %dma_start3A_33 = tpu.memref_squeeze %dma_start3A_32 : memref<1x10000xi32, #tpu.memory_space<hbm>> -> memref<10000xi32, #tpu.memory_space<hbm>>
      tpu.enqueue_dma source(%dma_start3A_33 : memref<10000xi32, #tpu.memory_space<hbm>>) target(%arg7 : memref<10000xi32, #tpu.memory_space<vmem>>) target_semaphore(%run_scoped3A : memref<!tpu.dma_semaphore, #tpu.memory_space<semaphore_mem>>)
      %dma_wait3A_34 = arith.constant 0 : i32
      %dma_wait3A_35 = tpu.memref_slice %arg3[%add3A, %dma_wait3A_34] : memref<32x10000xi32, #tpu.memory_space<hbm>> -> memref<1x10000xi32, #tpu.memory_space<hbm>>
      %dma_wait3A_36 = tpu.memref_squeeze %dma_wait3A_35 : memref<1x10000xi32, #tpu.memory_space<hbm>> -> memref<10000xi32, #tpu.memory_space<hbm>>
      %dma_wait3A_37 = arith.constant 0 : i32
      %dma_wait3A_38 = tpu.memref_slice %arg3[%add3A, %dma_wait3A_37] : memref<32x10000xi32, #tpu.memory_space<hbm>> -> memref<1x10000xi32, #tpu.memory_space<hbm>>
      %dma_wait3A_39 = tpu.memref_squeeze %dma_wait3A_38 : memref<1x10000xi32, #tpu.memory_space<hbm>> -> memref<10000xi32, #tpu.memory_space<hbm>>
      tpu.wait_dma2 semaphore(%run_scoped3A : memref<!tpu.dma_semaphore, #tpu.memory_space<semaphore_mem>>) src(%dma_wait3A_39 : memref<10000xi32, #tpu.memory_space<hbm>>) dst(%arg7 : memref<10000xi32, #tpu.memory_space<vmem>>)
      tpu.yield
    }) : () -> ()
    "tpu.region"() ({
      %run_scoped3A = tpu.sem_alloc : memref<!tpu.dma_semaphore, #tpu.memory_space<semaphore_mem>>
      %dma_start3A_28 = arith.constant 0 : i32
      %dma_start3A_29 = tpu.memref_slice %arg4[%add3A, %dma_start3A_28] : memref<32x10000xi32, #tpu.memory_space<hbm>> -> memref<1x10000xi32, #tpu.memory_space<hbm>>
      %dma_start3A_30 = tpu.memref_squeeze %dma_start3A_29 : memref<1x10000xi32, #tpu.memory_space<hbm>> -> memref<10000xi32, #tpu.memory_space<hbm>>
      %dma_start3A_31 = arith.constant 0 : i32
      %dma_start3A_32 = tpu.memref_slice %arg4[%add3A, %dma_start3A_31] : memref<32x10000xi32, #tpu.memory_space<hbm>> -> memref<1x10000xi32, #tpu.memory_space<hbm>>
      %dma_start3A_33 = tpu.memref_squeeze %dma_start3A_32 : memref<1x10000xi32, #tpu.memory_space<hbm>> -> memref<10000xi32, #tpu.memory_space<hbm>>
      tpu.enqueue_dma source(%dma_start3A_33 : memref<10000xi32, #tpu.memory_space<hbm>>) target(%arg8 : memref<10000xi32, #tpu.memory_space<vmem>>) target_semaphore(%run_scoped3A : memref<!tpu.dma_semaphore, #tpu.memory_space<semaphore_mem>>)
      %dma_wait3A_34 = arith.constant 0 : i32
      %dma_wait3A_35 = tpu.memref_slice %arg4[%add3A, %dma_wait3A_34] : memref<32x10000xi32, #tpu.memory_space<hbm>> -> memref<1x10000xi32, #tpu.memory_space<hbm>>
      %dma_wait3A_36 = tpu.memref_squeeze %dma_wait3A_35 : memref<1x10000xi32, #tpu.memory_space<hbm>> -> memref<10000xi32, #tpu.memory_space<hbm>>
      %dma_wait3A_37 = arith.constant 0 : i32
      %dma_wait3A_38 = tpu.memref_slice %arg4[%add3A, %dma_wait3A_37] : memref<32x10000xi32, #tpu.memory_space<hbm>> -> memref<1x10000xi32, #tpu.memory_space<hbm>>
      %dma_wait3A_39 = tpu.memref_squeeze %dma_wait3A_38 : memref<1x10000xi32, #tpu.memory_space<hbm>> -> memref<10000xi32, #tpu.memory_space<hbm>>
      tpu.wait_dma2 semaphore(%run_scoped3A : memref<!tpu.dma_semaphore, #tpu.memory_space<semaphore_mem>>) src(%dma_wait3A_39 : memref<10000xi32, #tpu.memory_space<hbm>>) dst(%arg8 : memref<10000xi32, #tpu.memory_space<vmem>>)
      tpu.yield
    }) : () -> ()
    %dma_start3A = arith.constant 0 : i32
    %dma_start3A_1 = tpu.memref_slice %arg7[%dma_start3A] : memref<10000xi32, #tpu.memory_space<vmem>> -> memref<80xi32, #tpu.memory_space<vmem>>
    %dma_start3A_2 = arith.constant 0 : i32
    %dma_start3A_3 = arith.constant 0 : i32
    %dma_start3A_4 = tpu.memref_slice %arg2[%dma_start3A_2, %dma_start3A_3] : memref<10000x128xf32, #tpu.memory_space<hbm>> -> memref<10000x128xf32, #tpu.memory_space<hbm>>
    tpu.enqueue_indirect_dma source(%dma_start3A_4 : memref<10000x128xf32, #tpu.memory_space<hbm>>) target(%arg9 : memref<80x128xf32, #tpu.memory_space<vmem>>) offsets(%dma_start3A_1 : memref<80xi32, #tpu.memory_space<vmem>>) semaphore(%arg12 : memref<!tpu.dma_semaphore, #tpu.memory_space<semaphore_mem>>)
    %dma_start3A_5 = arith.constant 80 : i32
    %dma_start3A_6 = tpu.memref_slice %arg7[%dma_start3A_5] : memref<10000xi32, #tpu.memory_space<vmem>> -> memref<80xi32, #tpu.memory_space<vmem>>
    %dma_start3A_7 = arith.constant 0 : i32
    %dma_start3A_8 = arith.constant 0 : i32
    %dma_start3A_9 = tpu.memref_slice %arg2[%dma_start3A_7, %dma_start3A_8] : memref<10000x128xf32, #tpu.memory_space<hbm>> -> memref<10000x128xf32, #tpu.memory_space<hbm>>
    tpu.enqueue_indirect_dma source(%dma_start3A_9 : memref<10000x128xf32, #tpu.memory_space<hbm>>) target(%arg10 : memref<80x128xf32, #tpu.memory_space<vmem>>) offsets(%dma_start3A_6 : memref<80xi32, #tpu.memory_space<vmem>>) semaphore(%arg13 : memref<!tpu.dma_semaphore, #tpu.memory_space<semaphore_mem>>)
    %mul3A_10 = arith.constant 632 : i32
    %mul3A_11 = arith.muli %arg1, %mul3A_10 : i32
    %mul3A_12 = arith.constant 632 : i32
    %mul3A_13 = arith.muli %arg1, %mul3A_12 : i32
    "tpu.region"() ({
      %run_scoped3A = tpu.sem_alloc : memref<!tpu.dma_semaphore, #tpu.memory_space<semaphore_mem>>
      %dma_start3A_28 = arith.constant 0 : i32
      %dma_start3A_29 = tpu.memref_slice %arg11[%mul3A_13, %dma_start3A_28] : memref<10112x128xf32, #tpu.memory_space<vmem_shared>> -> memref<632x128xf32, #tpu.memory_space<vmem_shared>>
      %dma_start3A_30 = arith.constant 0 : i32
      %dma_start3A_31 = tpu.memref_slice %arg5[%mul3A_11, %dma_start3A_30] : memref<10112x128xf32, #tpu.memory_space<hbm>> -> memref<632x128xf32, #tpu.memory_space<hbm>>
      tpu.enqueue_dma source(%dma_start3A_31 : memref<632x128xf32, #tpu.memory_space<hbm>>) target(%dma_start3A_29 : memref<632x128xf32, #tpu.memory_space<vmem_shared>>) target_semaphore(%run_scoped3A : memref<!tpu.dma_semaphore, #tpu.memory_space<semaphore_mem>>)
      %dma_wait3A_32 = arith.constant 0 : i32
      %dma_wait3A_33 = tpu.memref_slice %arg11[%mul3A_13, %dma_wait3A_32] : memref<10112x128xf32, #tpu.memory_space<vmem_shared>> -> memref<632x128xf32, #tpu.memory_space<vmem_shared>>
      %dma_wait3A_34 = arith.constant 0 : i32
      %dma_wait3A_35 = tpu.memref_slice %arg5[%mul3A_11, %dma_wait3A_34] : memref<10112x128xf32, #tpu.memory_space<hbm>> -> memref<632x128xf32, #tpu.memory_space<hbm>>
      tpu.wait_dma2 semaphore(%run_scoped3A : memref<!tpu.dma_semaphore, #tpu.memory_space<semaphore_mem>>) src(%dma_wait3A_35 : memref<632x128xf32, #tpu.memory_space<hbm>>) dst(%dma_wait3A_33 : memref<632x128xf32, #tpu.memory_space<vmem_shared>>)
      tpu.yield
    }) : () -> ()
    %barrier3A = arith.constant 0 : index
    tpu.barrier barrier_id(%barrier3A)
    %scan3A = arith.constant 0 : i32
    %scan3A_14 = arith.constant 0 : i32
    %scan3A_15 = arith.constant 62 : i32
    %scan3A_16 = arith.addi %scan3A_14, %scan3A_15 : i32
    %scan3A_17 = arith.constant 1 : i32
    scf.for %scan3A_28 = %scan3A_14 to %scan3A_16 step %scan3A_17  : i32 {
      %mul3A_29 = arith.constant 2 : i32
      %mul3A_30 = arith.muli %scan3A_28, %mul3A_29 : i32
      %add3A_31 = arith.constant 0 : i32
      %add3A_32 = arith.addi %mul3A_30, %add3A_31 : i32
      %mul3A_33 = arith.constant 80 : i32
      %mul3A_34 = arith.muli %add3A_32, %mul3A_33 : i32
      %dma_wait3A_35 = tpu.memref_slice %arg7[%mul3A_34] : memref<10000xi32, #tpu.memory_space<vmem>> -> memref<80xi32, #tpu.memory_space<vmem>>
      %dma_wait3A_36 = arith.constant 0 : i32
      %dma_wait3A_37 = arith.constant 0 : i32
      %dma_wait3A_38 = tpu.memref_slice %arg2[%dma_wait3A_36, %dma_wait3A_37] : memref<10000x128xf32, #tpu.memory_space<hbm>> -> memref<10000x128xf32, #tpu.memory_space<hbm>>
      tpu.wait_indirect_dma semaphore(%arg12 : memref<!tpu.dma_semaphore, #tpu.memory_space<semaphore_mem>>) src(%dma_wait3A_38 : memref<10000x128xf32, #tpu.memory_space<hbm>>) dst(%arg9 : memref<80x128xf32, #tpu.memory_space<vmem>>)
      %mul3A_39 = arith.constant 80 : i32
      %mul3A_40 = arith.muli %add3A_32, %mul3A_39 : i32
      "tpu.region"() ({
        %run_scoped3A = tpu.sem_alloc : memref<!tpu.dma_semaphore, #tpu.memory_space<semaphore_mem>>
        %dma_start3A_64 = tpu.memref_slice %arg8[%mul3A_40] : memref<10000xi32, #tpu.memory_space<vmem>> -> memref<80xi32, #tpu.memory_space<vmem>>
        %dma_start3A_65 = arith.constant 0 : i32
        %dma_start3A_66 = arith.constant 0 : i32
        %dma_start3A_67 = tpu.memref_slice %arg11[%dma_start3A_65, %dma_start3A_66] : memref<10112x128xf32, #tpu.memory_space<vmem_shared>> -> memref<10112x128xf32, #tpu.memory_space<vmem_shared>>
        tpu.enqueue_indirect_dma source(%arg9 : memref<80x128xf32, #tpu.memory_space<vmem>>) target(%dma_start3A_67 : memref<10112x128xf32, #tpu.memory_space<vmem_shared>>) offsets(%dma_start3A_64 : memref<80xi32, #tpu.memory_space<vmem>>) semaphore(%run_scoped3A : memref<!tpu.dma_semaphore, #tpu.memory_space<semaphore_mem>>) {add = true}
        %dma_wait3A_68 = tpu.memref_slice %arg8[%mul3A_40] : memref<10000xi32, #tpu.memory_space<vmem>> -> memref<80xi32, #tpu.memory_space<vmem>>
        %dma_wait3A_69 = arith.constant 0 : i32
        %dma_wait3A_70 = arith.constant 0 : i32
        %dma_wait3A_71 = tpu.memref_slice %arg11[%dma_wait3A_69, %dma_wait3A_70] : memref<10112x128xf32, #tpu.memory_space<vmem_shared>> -> memref<10112x128xf32, #tpu.memory_space<vmem_shared>>
        tpu.wait_indirect_dma semaphore(%run_scoped3A : memref<!tpu.dma_semaphore, #tpu.memory_space<semaphore_mem>>) src(%arg9 : memref<80x128xf32, #tpu.memory_space<vmem>>) dst(%dma_wait3A_71 : memref<10112x128xf32, #tpu.memory_space<vmem_shared>>)
        tpu.yield
      }) : () -> ()
      %add3A_41 = arith.constant 2 : i32
      %add3A_42 = arith.addi %add3A_32, %add3A_41 : i32
      %lt3A = arith.constant 125 : i32
      %lt3A_43 = arith.cmpi slt, %add3A_42, %lt3A : i32
      %convert_element_type3A = arith.extui %lt3A_43 : i1 to i32
      %cond3A = arith.constant 0 : i32
      %cond3A_44 = arith.cmpi ne, %convert_element_type3A, %cond3A : i32
      scf.if %cond3A_44 {
        %mul3A_64 = arith.constant 80 : i32
        %mul3A_65 = arith.muli %add3A_42, %mul3A_64 : i32
        %dma_start3A_66 = tpu.memref_slice %arg7[%mul3A_65] : memref<10000xi32, #tpu.memory_space<vmem>> -> memref<80xi32, #tpu.memory_space<vmem>>
        %dma_start3A_67 = arith.constant 0 : i32
        %dma_start3A_68 = arith.constant 0 : i32
        %dma_start3A_69 = tpu.memref_slice %arg2[%dma_start3A_67, %dma_start3A_68] : memref<10000x128xf32, #tpu.memory_space<hbm>> -> memref<10000x128xf32, #tpu.memory_space<hbm>>
        tpu.enqueue_indirect_dma source(%dma_start3A_69 : memref<10000x128xf32, #tpu.memory_space<hbm>>) target(%arg9 : memref<80x128xf32, #tpu.memory_space<vmem>>) offsets(%dma_start3A_66 : memref<80xi32, #tpu.memory_space<vmem>>) semaphore(%arg12 : memref<!tpu.dma_semaphore, #tpu.memory_space<semaphore_mem>>)
      } else {
      }
      %mul3A_45 = arith.constant 2 : i32
      %mul3A_46 = arith.muli %scan3A_28, %mul3A_45 : i32
      %add3A_47 = arith.constant 1 : i32
      %add3A_48 = arith.addi %mul3A_46, %add3A_47 : i32
      %mul3A_49 = arith.constant 80 : i32
      %mul3A_50 = arith.muli %add3A_48, %mul3A_49 : i32
      %dma_wait3A_51 = tpu.memref_slice %arg7[%mul3A_50] : memref<10000xi32, #tpu.memory_space<vmem>> -> memref<80xi32, #tpu.memory_space<vmem>>
      %dma_wait3A_52 = arith.constant 0 : i32
      %dma_wait3A_53 = arith.constant 0 : i32
      %dma_wait3A_54 = tpu.memref_slice %arg2[%dma_wait3A_52, %dma_wait3A_53] : memref<10000x128xf32, #tpu.memory_space<hbm>> -> memref<10000x128xf32, #tpu.memory_space<hbm>>
      tpu.wait_indirect_dma semaphore(%arg13 : memref<!tpu.dma_semaphore, #tpu.memory_space<semaphore_mem>>) src(%dma_wait3A_54 : memref<10000x128xf32, #tpu.memory_space<hbm>>) dst(%arg10 : memref<80x128xf32, #tpu.memory_space<vmem>>)
      %mul3A_55 = arith.constant 80 : i32
      %mul3A_56 = arith.muli %add3A_48, %mul3A_55 : i32
      "tpu.region"() ({
        %run_scoped3A = tpu.sem_alloc : memref<!tpu.dma_semaphore, #tpu.memory_space<semaphore_mem>>
        %dma_start3A_64 = tpu.memref_slice %arg8[%mul3A_56] : memref<10000xi32, #tpu.memory_space<vmem>> -> memref<80xi32, #tpu.memory_space<vmem>>
        %dma_start3A_65 = arith.constant 0 : i32
        %dma_start3A_66 = arith.constant 0 : i32
        %dma_start3A_67 = tpu.memref_slice %arg11[%dma_start3A_65, %dma_start3A_66] : memref<10112x128xf32, #tpu.memory_space<vmem_shared>> -> memref<10112x128xf32, #tpu.memory_space<vmem_shared>>
        tpu.enqueue_indirect_dma source(%arg10 : memref<80x128xf32, #tpu.memory_space<vmem>>) target(%dma_start3A_67 : memref<10112x128xf32, #tpu.memory_space<vmem_shared>>) offsets(%dma_start3A_64 : memref<80xi32, #tpu.memory_space<vmem>>) semaphore(%run_scoped3A : memref<!tpu.dma_semaphore, #tpu.memory_space<semaphore_mem>>) {add = true}
        %dma_wait3A_68 = tpu.memref_slice %arg8[%mul3A_56] : memref<10000xi32, #tpu.memory_space<vmem>> -> memref<80xi32, #tpu.memory_space<vmem>>
        %dma_wait3A_69 = arith.constant 0 : i32
        %dma_wait3A_70 = arith.constant 0 : i32
        %dma_wait3A_71 = tpu.memref_slice %arg11[%dma_wait3A_69, %dma_wait3A_70] : memref<10112x128xf32, #tpu.memory_space<vmem_shared>> -> memref<10112x128xf32, #tpu.memory_space<vmem_shared>>
        tpu.wait_indirect_dma semaphore(%run_scoped3A : memref<!tpu.dma_semaphore, #tpu.memory_space<semaphore_mem>>) src(%arg10 : memref<80x128xf32, #tpu.memory_space<vmem>>) dst(%dma_wait3A_71 : memref<10112x128xf32, #tpu.memory_space<vmem_shared>>)
        tpu.yield
      }) : () -> ()
      %add3A_57 = arith.constant 2 : i32
      %add3A_58 = arith.addi %add3A_48, %add3A_57 : i32
      %lt3A_59 = arith.constant 125 : i32
      %lt3A_60 = arith.cmpi slt, %add3A_58, %lt3A_59 : i32
      %convert_element_type3A_61 = arith.extui %lt3A_60 : i1 to i32
      %cond3A_62 = arith.constant 0 : i32
      %cond3A_63 = arith.cmpi ne, %convert_element_type3A_61, %cond3A_62 : i32
      scf.if %cond3A_63 {
        %mul3A_64 = arith.constant 80 : i32
        %mul3A_65 = arith.muli %add3A_58, %mul3A_64 : i32
        %dma_start3A_66 = tpu.memref_slice %arg7[%mul3A_65] : memref<10000xi32, #tpu.memory_space<vmem>> -> memref<80xi32, #tpu.memory_space<vmem>>
        %dma_start3A_67 = arith.constant 0 : i32
        %dma_start3A_68 = arith.constant 0 : i32
        %dma_start3A_69 = tpu.memref_slice %arg2[%dma_start3A_67, %dma_start3A_68] : memref<10000x128xf32, #tpu.memory_space<hbm>> -> memref<10000x128xf32, #tpu.memory_space<hbm>>
        tpu.enqueue_indirect_dma source(%dma_start3A_69 : memref<10000x128xf32, #tpu.memory_space<hbm>>) target(%arg10 : memref<80x128xf32, #tpu.memory_space<vmem>>) offsets(%dma_start3A_66 : memref<80xi32, #tpu.memory_space<vmem>>) semaphore(%arg13 : memref<!tpu.dma_semaphore, #tpu.memory_space<semaphore_mem>>)
      } else {
      }
    }
    %scan3A_18 = arith.constant 62 : i32
    %dma_wait3A = arith.constant 9920 : i32
    %dma_wait3A_19 = tpu.memref_slice %arg7[%dma_wait3A] : memref<10000xi32, #tpu.memory_space<vmem>> -> memref<80xi32, #tpu.memory_space<vmem>>
    %dma_wait3A_20 = arith.constant 0 : i32
    %dma_wait3A_21 = arith.constant 0 : i32
    %dma_wait3A_22 = tpu.memref_slice %arg2[%dma_wait3A_20, %dma_wait3A_21] : memref<10000x128xf32, #tpu.memory_space<hbm>> -> memref<10000x128xf32, #tpu.memory_space<hbm>>
    tpu.wait_indirect_dma semaphore(%arg12 : memref<!tpu.dma_semaphore, #tpu.memory_space<semaphore_mem>>) src(%dma_wait3A_22 : memref<10000x128xf32, #tpu.memory_space<hbm>>) dst(%arg9 : memref<80x128xf32, #tpu.memory_space<vmem>>)
    "tpu.region"() ({
      %run_scoped3A = tpu.sem_alloc : memref<!tpu.dma_semaphore, #tpu.memory_space<semaphore_mem>>
      %dma_start3A_28 = arith.constant 9920 : i32
      %dma_start3A_29 = tpu.memref_slice %arg8[%dma_start3A_28] : memref<10000xi32, #tpu.memory_space<vmem>> -> memref<80xi32, #tpu.memory_space<vmem>>
      %dma_start3A_30 = arith.constant 0 : i32
      %dma_start3A_31 = arith.constant 0 : i32
      %dma_start3A_32 = tpu.memref_slice %arg11[%dma_start3A_30, %dma_start3A_31] : memref<10112x128xf32, #tpu.memory_space<vmem_shared>> -> memref<10112x128xf32, #tpu.memory_space<vmem_shared>>
      tpu.enqueue_indirect_dma source(%arg9 : memref<80x128xf32, #tpu.memory_space<vmem>>) target(%dma_start3A_32 : memref<10112x128xf32, #tpu.memory_space<vmem_shared>>) offsets(%dma_start3A_29 : memref<80xi32, #tpu.memory_space<vmem>>) semaphore(%run_scoped3A : memref<!tpu.dma_semaphore, #tpu.memory_space<semaphore_mem>>) {add = true}
      %dma_wait3A_33 = arith.constant 9920 : i32
      %dma_wait3A_34 = tpu.memref_slice %arg8[%dma_wait3A_33] : memref<10000xi32, #tpu.memory_space<vmem>> -> memref<80xi32, #tpu.memory_space<vmem>>
      %dma_wait3A_35 = arith.constant 0 : i32
      %dma_wait3A_36 = arith.constant 0 : i32
      %dma_wait3A_37 = tpu.memref_slice %arg11[%dma_wait3A_35, %dma_wait3A_36] : memref<10112x128xf32, #tpu.memory_space<vmem_shared>> -> memref<10112x128xf32, #tpu.memory_space<vmem_shared>>
      tpu.wait_indirect_dma semaphore(%run_scoped3A : memref<!tpu.dma_semaphore, #tpu.memory_space<semaphore_mem>>) src(%arg9 : memref<80x128xf32, #tpu.memory_space<vmem>>) dst(%dma_wait3A_37 : memref<10112x128xf32, #tpu.memory_space<vmem_shared>>)
      tpu.yield
    }) : () -> ()
    %barrier3A_23 = arith.constant 0 : index
    tpu.barrier barrier_id(%barrier3A_23)
    %mul3A_24 = arith.constant 632 : i32
    %mul3A_25 = arith.muli %arg1, %mul3A_24 : i32
    %mul3A_26 = arith.constant 632 : i32
    %mul3A_27 = arith.muli %arg1, %mul3A_26 : i32
    "tpu.region"() ({
      %run_scoped3A = tpu.sem_alloc : memref<!tpu.dma_semaphore, #tpu.memory_space<semaphore_mem>>
      %dma_start3A_28 = arith.constant 0 : i32
      %dma_start3A_29 = arith.constant 0 : i32
      %dma_start3A_30 = tpu.memref_slice %arg6[%arg0, %dma_start3A_28, %dma_start3A_29] : memref<2x10112x128xf32, #tpu.memory_space<hbm>> -> memref<1x10112x128xf32, #tpu.memory_space<hbm>>
      %dma_start3A_31 = tpu.memref_squeeze %dma_start3A_30 : memref<1x10112x128xf32, #tpu.memory_space<hbm>> -> memref<10112x128xf32, #tpu.memory_space<hbm>>
      %dma_start3A_32 = arith.constant 0 : i32
      %dma_start3A_33 = tpu.memref_slice %dma_start3A_31[%mul3A_27, %dma_start3A_32] : memref<10112x128xf32, #tpu.memory_space<hbm>> -> memref<632x128xf32, #tpu.memory_space<hbm>>
      %dma_start3A_34 = arith.constant 0 : i32
      %dma_start3A_35 = tpu.memref_slice %arg11[%mul3A_25, %dma_start3A_34] : memref<10112x128xf32, #tpu.memory_space<vmem_shared>> -> memref<632x128xf32, #tpu.memory_space<vmem_shared>>
      tpu.enqueue_dma source(%dma_start3A_35 : memref<632x128xf32, #tpu.memory_space<vmem_shared>>) target(%dma_start3A_33 : memref<632x128xf32, #tpu.memory_space<hbm>>) target_semaphore(%run_scoped3A : memref<!tpu.dma_semaphore, #tpu.memory_space<semaphore_mem>>)
      %dma_wait3A_36 = arith.constant 0 : i32
      %dma_wait3A_37 = arith.constant 0 : i32
      %dma_wait3A_38 = tpu.memref_slice %arg6[%arg0, %dma_wait3A_36, %dma_wait3A_37] : memref<2x10112x128xf32, #tpu.memory_space<hbm>> -> memref<1x10112x128xf32, #tpu.memory_space<hbm>>
      %dma_wait3A_39 = tpu.memref_squeeze %dma_wait3A_38 : memref<1x10112x128xf32, #tpu.memory_space<hbm>> -> memref<10112x128xf32, #tpu.memory_space<hbm>>
      %dma_wait3A_40 = arith.constant 0 : i32
      %dma_wait3A_41 = tpu.memref_slice %dma_wait3A_39[%mul3A_27, %dma_wait3A_40] : memref<10112x128xf32, #tpu.memory_space<hbm>> -> memref<632x128xf32, #tpu.memory_space<hbm>>
      %dma_wait3A_42 = arith.constant 0 : i32
      %dma_wait3A_43 = tpu.memref_slice %arg11[%mul3A_25, %dma_wait3A_42] : memref<10112x128xf32, #tpu.memory_space<vmem_shared>> -> memref<632x128xf32, #tpu.memory_space<vmem_shared>>
      tpu.wait_dma2 semaphore(%run_scoped3A : memref<!tpu.dma_semaphore, #tpu.memory_space<semaphore_mem>>) src(%dma_wait3A_43 : memref<632x128xf32, #tpu.memory_space<vmem_shared>>) dst(%dma_wait3A_41 : memref<632x128xf32, #tpu.memory_space<hbm>>)
      tpu.yield
    }) : () -> ()
    return
  }
}

#map = affine_map<(d0, d1) -> (0, 0)>
#map1 = affine_map<(d0, d1) -> (0, 0, 0)>
module attributes {stable_mosaic.version = 14 : i64} {
  func.func @scat(%arg0: i32, %arg1: i32, %arg2: memref<10000x128xf32, #tpu.memory_space<hbm>>, %arg3: memref<32x10000xi32, #tpu.memory_space<hbm>>, %arg4: memref<32x10000xi32, #tpu.memory_space<hbm>>, %arg5: memref<10112x128xf32, #tpu.memory_space<hbm>>, %arg6: memref<2x10112x128xf32, #tpu.memory_space<hbm>>, %arg7: memref<10000xi32, #tpu.memory_space<vmem>>, %arg8: memref<10000xi32, #tpu.memory_space<vmem>>, %arg9: memref<80x128xf32, #tpu.memory_space<vmem>>, %arg10: memref<80x128xf32, #tpu.memory_space<vmem>>, %arg11: memref<10112x128xf32, #tpu.memory_space<vmem_shared>>, %arg12: memref<!tpu.dma_semaphore, #tpu.memory_space<semaphore_mem>>, %arg13: memref<!tpu.dma_semaphore, #tpu.memory_space<semaphore_mem>>) attributes {dimension_semantics = [#tpu.dimension_semantics<core_parallel>, #tpu.dimension_semantics<subcore_parallel>], iteration_bounds = array<i64: 2, 16>, scalar_prefetch = 0 : i64, scratch_operands = 7 : i64, tpu.core_type = #tpu.core_type<sc_vector_subcore>, window_params = [{transform_indices = #map}, {transform_indices = #map}, {transform_indices = #map}, {transform_indices = #map}, {transform_indices = #map1}]} {
    %mul3A = arith.constant 2 : i32
    %mul3A_0 = arith.muli %arg1, %mul3A : i32
    %add3A = arith.addi %mul3A_0, %arg0 : i32
    "tpu.region"() ({
      %run_scoped3A = tpu.sem_alloc : memref<!tpu.dma_semaphore, #tpu.memory_space<semaphore_mem>>
      %dma_start3A_28 = arith.constant 0 : i32
      %dma_start3A_29 = tpu.memref_slice %arg3[%add3A, %dma_start3A_28] : memref<32x10000xi32, #tpu.memory_space<hbm>> -> memref<1x10000xi32, #tpu.memory_space<hbm>>
      %dma_start3A_30 = tpu.memref_squeeze %dma_start3A_29 : memref<1x10000xi32, #tpu.memory_space<hbm>> -> memref<10000xi32, #tpu.memory_space<hbm>>
      %dma_start3A_31 = arith.constant 0 : i32
      %dma_start3A_32 = tpu.memref_slice %arg3[%add3A, %dma_start3A_31] : memref<32x10000xi32, #tpu.memory_space<hbm>> -> memref<1x10000xi32, #tpu.memory_space<hbm>>
      %dma_start3A_33 = tpu.memref_squeeze %dma_start3A_32 : memref<1x10000xi32, #tpu.memory_space<hbm>> -> memref<10000xi32, #tpu.memory_space<hbm>>
      tpu.enqueue_dma source(%dma_start3A_33 : memref<10000xi32, #tpu.memory_space<hbm>>) target(%arg7 : memref<10000xi32, #tpu.memory_space<vmem>>) target_semaphore(%run_scoped3A : memref<!tpu.dma_semaphore, #tpu.memory_space<semaphore_mem>>)
      %dma_wait3A_34 = arith.constant 0 : i32
      %dma_wait3A_35 = tpu.memref_slice %arg3[%add3A, %dma_wait3A_34] : memref<32x10000xi32, #tpu.memory_space<hbm>> -> memref<1x10000xi32, #tpu.memory_space<hbm>>
      %dma_wait3A_36 = tpu.memref_squeeze %dma_wait3A_35 : memref<1x10000xi32, #tpu.memory_space<hbm>> -> memref<10000xi32, #tpu.memory_space<hbm>>
      %dma_wait3A_37 = arith.constant 0 : i32
      %dma_wait3A_38 = tpu.memref_slice %arg3[%add3A, %dma_wait3A_37] : memref<32x10000xi32, #tpu.memory_space<hbm>> -> memref<1x10000xi32, #tpu.memory_space<hbm>>
      %dma_wait3A_39 = tpu.memref_squeeze %dma_wait3A_38 : memref<1x10000xi32, #tpu.memory_space<hbm>> -> memref<10000xi32, #tpu.memory_space<hbm>>
      tpu.wait_dma2 semaphore(%run_scoped3A : memref<!tpu.dma_semaphore, #tpu.memory_space<semaphore_mem>>) src(%dma_wait3A_39 : memref<10000xi32, #tpu.memory_space<hbm>>) dst(%arg7 : memref<10000xi32, #tpu.memory_space<vmem>>)
      tpu.yield
    }) : () -> ()
    "tpu.region"() ({
      %run_scoped3A = tpu.sem_alloc : memref<!tpu.dma_semaphore, #tpu.memory_space<semaphore_mem>>
      %dma_start3A_28 = arith.constant 0 : i32
      %dma_start3A_29 = tpu.memref_slice %arg4[%add3A, %dma_start3A_28] : memref<32x10000xi32, #tpu.memory_space<hbm>> -> memref<1x10000xi32, #tpu.memory_space<hbm>>
      %dma_start3A_30 = tpu.memref_squeeze %dma_start3A_29 : memref<1x10000xi32, #tpu.memory_space<hbm>> -> memref<10000xi32, #tpu.memory_space<hbm>>
      %dma_start3A_31 = arith.constant 0 : i32
      %dma_start3A_32 = tpu.memref_slice %arg4[%add3A, %dma_start3A_31] : memref<32x10000xi32, #tpu.memory_space<hbm>> -> memref<1x10000xi32, #tpu.memory_space<hbm>>
      %dma_start3A_33 = tpu.memref_squeeze %dma_start3A_32 : memref<1x10000xi32, #tpu.memory_space<hbm>> -> memref<10000xi32, #tpu.memory_space<hbm>>
      tpu.enqueue_dma source(%dma_start3A_33 : memref<10000xi32, #tpu.memory_space<hbm>>) target(%arg8 : memref<10000xi32, #tpu.memory_space<vmem>>) target_semaphore(%run_scoped3A : memref<!tpu.dma_semaphore, #tpu.memory_space<semaphore_mem>>)
      %dma_wait3A_34 = arith.constant 0 : i32
      %dma_wait3A_35 = tpu.memref_slice %arg4[%add3A, %dma_wait3A_34] : memref<32x10000xi32, #tpu.memory_space<hbm>> -> memref<1x10000xi32, #tpu.memory_space<hbm>>
      %dma_wait3A_36 = tpu.memref_squeeze %dma_wait3A_35 : memref<1x10000xi32, #tpu.memory_space<hbm>> -> memref<10000xi32, #tpu.memory_space<hbm>>
      %dma_wait3A_37 = arith.constant 0 : i32
      %dma_wait3A_38 = tpu.memref_slice %arg4[%add3A, %dma_wait3A_37] : memref<32x10000xi32, #tpu.memory_space<hbm>> -> memref<1x10000xi32, #tpu.memory_space<hbm>>
      %dma_wait3A_39 = tpu.memref_squeeze %dma_wait3A_38 : memref<1x10000xi32, #tpu.memory_space<hbm>> -> memref<10000xi32, #tpu.memory_space<hbm>>
      tpu.wait_dma2 semaphore(%run_scoped3A : memref<!tpu.dma_semaphore, #tpu.memory_space<semaphore_mem>>) src(%dma_wait3A_39 : memref<10000xi32, #tpu.memory_space<hbm>>) dst(%arg8 : memref<10000xi32, #tpu.memory_space<vmem>>)
      tpu.yield
    }) : () -> ()
    %dma_start3A = arith.constant 0 : i32
    %dma_start3A_1 = tpu.memref_slice %arg7[%dma_start3A] : memref<10000xi32, #tpu.memory_space<vmem>> -> memref<80xi32, #tpu.memory_space<vmem>>
    %dma_start3A_2 = arith.constant 0 : i32
    %dma_start3A_3 = arith.constant 0 : i32
    %dma_start3A_4 = tpu.memref_slice %arg2[%dma_start3A_2, %dma_start3A_3] : memref<10000x128xf32, #tpu.memory_space<hbm>> -> memref<10000x128xf32, #tpu.memory_space<hbm>>
    tpu.enqueue_indirect_dma source(%dma_start3A_4 : memref<10000x128xf32, #tpu.memory_space<hbm>>) target(%arg9 : memref<80x128xf32, #tpu.memory_space<vmem>>) offsets(%dma_start3A_1 : memref<80xi32, #tpu.memory_space<vmem>>) semaphore(%arg12 : memref<!tpu.dma_semaphore, #tpu.memory_space<semaphore_mem>>)
    %dma_start3A_5 = arith.constant 80 : i32
    %dma_start3A_6 = tpu.memref_slice %arg7[%dma_start3A_5] : memref<10000xi32, #tpu.memory_space<vmem>> -> memref<80xi32, #tpu.memory_space<vmem>>
    %dma_start3A_7 = arith.constant 0 : i32
    %dma_start3A_8 = arith.constant 0 : i32
    %dma_start3A_9 = tpu.memref_slice %arg2[%dma_start3A_7, %dma_start3A_8] : memref<10000x128xf32, #tpu.memory_space<hbm>> -> memref<10000x128xf32, #tpu.memory_space<hbm>>
    tpu.enqueue_indirect_dma source(%dma_start3A_9 : memref<10000x128xf32, #tpu.memory_space<hbm>>) target(%arg10 : memref<80x128xf32, #tpu.memory_space<vmem>>) offsets(%dma_start3A_6 : memref<80xi32, #tpu.memory_space<vmem>>) semaphore(%arg13 : memref<!tpu.dma_semaphore, #tpu.memory_space<semaphore_mem>>)
    %mul3A_10 = arith.constant 632 : i32
    %mul3A_11 = arith.muli %arg1, %mul3A_10 : i32
    %mul3A_12 = arith.constant 632 : i32
    %mul3A_13 = arith.muli %arg1, %mul3A_12 : i32
    "tpu.region"() ({
      %run_scoped3A = tpu.sem_alloc : memref<!tpu.dma_semaphore, #tpu.memory_space<semaphore_mem>>
      %dma_start3A_28 = arith.constant 0 : i32
      %dma_start3A_29 = tpu.memref_slice %arg11[%mul3A_13, %dma_start3A_28] : memref<10112x128xf32, #tpu.memory_space<vmem_shared>> -> memref<632x128xf32, #tpu.memory_space<vmem_shared>>
      %dma_start3A_30 = arith.constant 0 : i32
      %dma_start3A_31 = tpu.memref_slice %arg5[%mul3A_11, %dma_start3A_30] : memref<10112x128xf32, #tpu.memory_space<hbm>> -> memref<632x128xf32, #tpu.memory_space<hbm>>
      tpu.enqueue_dma source(%dma_start3A_31 : memref<632x128xf32, #tpu.memory_space<hbm>>) target(%dma_start3A_29 : memref<632x128xf32, #tpu.memory_space<vmem_shared>>) target_semaphore(%run_scoped3A : memref<!tpu.dma_semaphore, #tpu.memory_space<semaphore_mem>>)
      %dma_wait3A_32 = arith.constant 0 : i32
      %dma_wait3A_33 = tpu.memref_slice %arg11[%mul3A_13, %dma_wait3A_32] : memref<10112x128xf32, #tpu.memory_space<vmem_shared>> -> memref<632x128xf32, #tpu.memory_space<vmem_shared>>
      %dma_wait3A_34 = arith.constant 0 : i32
      %dma_wait3A_35 = tpu.memref_slice %arg5[%mul3A_11, %dma_wait3A_34] : memref<10112x128xf32, #tpu.memory_space<hbm>> -> memref<632x128xf32, #tpu.memory_space<hbm>>
      tpu.wait_dma2 semaphore(%run_scoped3A : memref<!tpu.dma_semaphore, #tpu.memory_space<semaphore_mem>>) src(%dma_wait3A_35 : memref<632x128xf32, #tpu.memory_space<hbm>>) dst(%dma_wait3A_33 : memref<632x128xf32, #tpu.memory_space<vmem_shared>>)
      tpu.yield
    }) : () -> ()
    %barrier3A = arith.constant 0 : index
    tpu.barrier barrier_id(%barrier3A)
    %scan3A = arith.constant 0 : i32
    %scan3A_14 = arith.constant 0 : i32
    %scan3A_15 = arith.constant 62 : i32
    %scan3A_16 = arith.addi %scan3A_14, %scan3A_15 : i32
    %scan3A_17 = arith.constant 1 : i32
    scf.for %scan3A_28 = %scan3A_14 to %scan3A_16 step %scan3A_17  : i32 {
      %mul3A_29 = arith.constant 2 : i32
      %mul3A_30 = arith.muli %scan3A_28, %mul3A_29 : i32
      %add3A_31 = arith.constant 0 : i32
      %add3A_32 = arith.addi %mul3A_30, %add3A_31 : i32
      %mul3A_33 = arith.constant 80 : i32
      %mul3A_34 = arith.muli %add3A_32, %mul3A_33 : i32
      %dma_wait3A_35 = tpu.memref_slice %arg7[%mul3A_34] : memref<10000xi32, #tpu.memory_space<vmem>> -> memref<80xi32, #tpu.memory_space<vmem>>
      %dma_wait3A_36 = arith.constant 0 : i32
      %dma_wait3A_37 = arith.constant 0 : i32
      %dma_wait3A_38 = tpu.memref_slice %arg2[%dma_wait3A_36, %dma_wait3A_37] : memref<10000x128xf32, #tpu.memory_space<hbm>> -> memref<10000x128xf32, #tpu.memory_space<hbm>>
      tpu.wait_indirect_dma semaphore(%arg12 : memref<!tpu.dma_semaphore, #tpu.memory_space<semaphore_mem>>) src(%dma_wait3A_38 : memref<10000x128xf32, #tpu.memory_space<hbm>>) dst(%arg9 : memref<80x128xf32, #tpu.memory_space<vmem>>)
      %mul3A_39 = arith.constant 80 : i32
      %mul3A_40 = arith.muli %add3A_32, %mul3A_39 : i32
      "tpu.region"() ({
        %run_scoped3A = tpu.sem_alloc : memref<!tpu.dma_semaphore, #tpu.memory_space<semaphore_mem>>
        %dma_start3A_64 = tpu.memref_slice %arg8[%mul3A_40] : memref<10000xi32, #tpu.memory_space<vmem>> -> memref<80xi32, #tpu.memory_space<vmem>>
        %dma_start3A_65 = arith.constant 0 : i32
        %dma_start3A_66 = arith.constant 0 : i32
        %dma_start3A_67 = tpu.memref_slice %arg11[%dma_start3A_65, %dma_start3A_66] : memref<10112x128xf32, #tpu.memory_space<vmem_shared>> -> memref<10112x128xf32, #tpu.memory_space<vmem_shared>>
        tpu.enqueue_indirect_dma source(%arg9 : memref<80x128xf32, #tpu.memory_space<vmem>>) target(%dma_start3A_67 : memref<10112x128xf32, #tpu.memory_space<vmem_shared>>) offsets(%dma_start3A_64 : memref<80xi32, #tpu.memory_space<vmem>>) semaphore(%run_scoped3A : memref<!tpu.dma_semaphore, #tpu.memory_space<semaphore_mem>>) {add = true}
        %dma_wait3A_68 = tpu.memref_slice %arg8[%mul3A_40] : memref<10000xi32, #tpu.memory_space<vmem>> -> memref<80xi32, #tpu.memory_space<vmem>>
        %dma_wait3A_69 = arith.constant 0 : i32
        %dma_wait3A_70 = arith.constant 0 : i32
        %dma_wait3A_71 = tpu.memref_slice %arg11[%dma_wait3A_69, %dma_wait3A_70] : memref<10112x128xf32, #tpu.memory_space<vmem_shared>> -> memref<10112x128xf32, #tpu.memory_space<vmem_shared>>
        tpu.wait_indirect_dma semaphore(%run_scoped3A : memref<!tpu.dma_semaphore, #tpu.memory_space<semaphore_mem>>) src(%arg9 : memref<80x128xf32, #tpu.memory_space<vmem>>) dst(%dma_wait3A_71 : memref<10112x128xf32, #tpu.memory_space<vmem_shared>>)
        tpu.yield
      }) : () -> ()
      %add3A_41 = arith.constant 2 : i32
      %add3A_42 = arith.addi %add3A_32, %add3A_41 : i32
      %lt3A = arith.constant 125 : i32
      %lt3A_43 = arith.cmpi slt, %add3A_42, %lt3A : i32
      %convert_element_type3A = arith.extui %lt3A_43 : i1 to i32
      %cond3A = arith.constant 0 : i32
      %cond3A_44 = arith.cmpi ne, %convert_element_type3A, %cond3A : i32
      scf.if %cond3A_44 {
        %mul3A_64 = arith.constant 80 : i32
        %mul3A_65 = arith.muli %add3A_42, %mul3A_64 : i32
        %dma_start3A_66 = tpu.memref_slice %arg7[%mul3A_65] : memref<10000xi32, #tpu.memory_space<vmem>> -> memref<80xi32, #tpu.memory_space<vmem>>
        %dma_start3A_67 = arith.constant 0 : i32
        %dma_start3A_68 = arith.constant 0 : i32
        %dma_start3A_69 = tpu.memref_slice %arg2[%dma_start3A_67, %dma_start3A_68] : memref<10000x128xf32, #tpu.memory_space<hbm>> -> memref<10000x128xf32, #tpu.memory_space<hbm>>
        tpu.enqueue_indirect_dma source(%dma_start3A_69 : memref<10000x128xf32, #tpu.memory_space<hbm>>) target(%arg9 : memref<80x128xf32, #tpu.memory_space<vmem>>) offsets(%dma_start3A_66 : memref<80xi32, #tpu.memory_space<vmem>>) semaphore(%arg12 : memref<!tpu.dma_semaphore, #tpu.memory_space<semaphore_mem>>)
      } else {
      }
      %mul3A_45 = arith.constant 2 : i32
      %mul3A_46 = arith.muli %scan3A_28, %mul3A_45 : i32
      %add3A_47 = arith.constant 1 : i32
      %add3A_48 = arith.addi %mul3A_46, %add3A_47 : i32
      %mul3A_49 = arith.constant 80 : i32
      %mul3A_50 = arith.muli %add3A_48, %mul3A_49 : i32
      %dma_wait3A_51 = tpu.memref_slice %arg7[%mul3A_50] : memref<10000xi32, #tpu.memory_space<vmem>> -> memref<80xi32, #tpu.memory_space<vmem>>
      %dma_wait3A_52 = arith.constant 0 : i32
      %dma_wait3A_53 = arith.constant 0 : i32
      %dma_wait3A_54 = tpu.memref_slice %arg2[%dma_wait3A_52, %dma_wait3A_53] : memref<10000x128xf32, #tpu.memory_space<hbm>> -> memref<10000x128xf32, #tpu.memory_space<hbm>>
      tpu.wait_indirect_dma semaphore(%arg13 : memref<!tpu.dma_semaphore, #tpu.memory_space<semaphore_mem>>) src(%dma_wait3A_54 : memref<10000x128xf32, #tpu.memory_space<hbm>>) dst(%arg10 : memref<80x128xf32, #tpu.memory_space<vmem>>)
      %mul3A_55 = arith.constant 80 : i32
      %mul3A_56 = arith.muli %add3A_48, %mul3A_55 : i32
      "tpu.region"() ({
        %run_scoped3A = tpu.sem_alloc : memref<!tpu.dma_semaphore, #tpu.memory_space<semaphore_mem>>
        %dma_start3A_64 = tpu.memref_slice %arg8[%mul3A_56] : memref<10000xi32, #tpu.memory_space<vmem>> -> memref<80xi32, #tpu.memory_space<vmem>>
        %dma_start3A_65 = arith.constant 0 : i32
        %dma_start3A_66 = arith.constant 0 : i32
        %dma_start3A_67 = tpu.memref_slice %arg11[%dma_start3A_65, %dma_start3A_66] : memref<10112x128xf32, #tpu.memory_space<vmem_shared>> -> memref<10112x128xf32, #tpu.memory_space<vmem_shared>>
        tpu.enqueue_indirect_dma source(%arg10 : memref<80x128xf32, #tpu.memory_space<vmem>>) target(%dma_start3A_67 : memref<10112x128xf32, #tpu.memory_space<vmem_shared>>) offsets(%dma_start3A_64 : memref<80xi32, #tpu.memory_space<vmem>>) semaphore(%run_scoped3A : memref<!tpu.dma_semaphore, #tpu.memory_space<semaphore_mem>>) {add = true}
        %dma_wait3A_68 = tpu.memref_slice %arg8[%mul3A_56] : memref<10000xi32, #tpu.memory_space<vmem>> -> memref<80xi32, #tpu.memory_space<vmem>>
        %dma_wait3A_69 = arith.constant 0 : i32
        %dma_wait3A_70 = arith.constant 0 : i32
        %dma_wait3A_71 = tpu.memref_slice %arg11[%dma_wait3A_69, %dma_wait3A_70] : memref<10112x128xf32, #tpu.memory_space<vmem_shared>> -> memref<10112x128xf32, #tpu.memory_space<vmem_shared>>
        tpu.wait_indirect_dma semaphore(%run_scoped3A : memref<!tpu.dma_semaphore, #tpu.memory_space<semaphore_mem>>) src(%arg10 : memref<80x128xf32, #tpu.memory_space<vmem>>) dst(%dma_wait3A_71 : memref<10112x128xf32, #tpu.memory_space<vmem_shared>>)
        tpu.yield
      }) : () -> ()
      %add3A_57 = arith.constant 2 : i32
      %add3A_58 = arith.addi %add3A_48, %add3A_57 : i32
      %lt3A_59 = arith.constant 125 : i32
      %lt3A_60 = arith.cmpi slt, %add3A_58, %lt3A_59 : i32
      %convert_element_type3A_61 = arith.extui %lt3A_60 : i1 to i32
      %cond3A_62 = arith.constant 0 : i32
      %cond3A_63 = arith.cmpi ne, %convert_element_type3A_61, %cond3A_62 : i32
      scf.if %cond3A_63 {
        %mul3A_64 = arith.constant 80 : i32
        %mul3A_65 = arith.muli %add3A_58, %mul3A_64 : i32
        %dma_start3A_66 = tpu.memref_slice %arg7[%mul3A_65] : memref<10000xi32, #tpu.memory_space<vmem>> -> memref<80xi32, #tpu.memory_space<vmem>>
        %dma_start3A_67 = arith.constant 0 : i32
        %dma_start3A_68 = arith.constant 0 : i32
        %dma_start3A_69 = tpu.memref_slice %arg2[%dma_start3A_67, %dma_start3A_68] : memref<10000x128xf32, #tpu.memory_space<hbm>> -> memref<10000x128xf32, #tpu.memory_space<hbm>>
        tpu.enqueue_indirect_dma source(%dma_start3A_69 : memref<10000x128xf32, #tpu.memory_space<hbm>>) target(%arg10 : memref<80x128xf32, #tpu.memory_space<vmem>>) offsets(%dma_start3A_66 : memref<80xi32, #tpu.memory_space<vmem>>) semaphore(%arg13 : memref<!tpu.dma_semaphore, #tpu.memory_space<semaphore_mem>>)
      } else {
      }
    }
    %scan3A_18 = arith.constant 62 : i32
    %dma_wait3A = arith.constant 9920 : i32
    %dma_wait3A_19 = tpu.memref_slice %arg7[%dma_wait3A] : memref<10000xi32, #tpu.memory_space<vmem>> -> memref<80xi32, #tpu.memory_space<vmem>>
    %dma_wait3A_20 = arith.constant 0 : i32
    %dma_wait3A_21 = arith.constant 0 : i32
    %dma_wait3A_22 = tpu.memref_slice %arg2[%dma_wait3A_20, %dma_wait3A_21] : memref<10000x128xf32, #tpu.memory_space<hbm>> -> memref<10000x128xf32, #tpu.memory_space<hbm>>
    tpu.wait_indirect_dma semaphore(%arg12 : memref<!tpu.dma_semaphore, #tpu.memory_space<semaphore_mem>>) src(%dma_wait3A_22 : memref<10000x128xf32, #tpu.memory_space<hbm>>) dst(%arg9 : memref<80x128xf32, #tpu.memory_space<vmem>>)
    "tpu.region"() ({
      %run_scoped3A = tpu.sem_alloc : memref<!tpu.dma_semaphore, #tpu.memory_space<semaphore_mem>>
      %dma_start3A_28 = arith.constant 9920 : i32
      %dma_start3A_29 = tpu.memref_slice %arg8[%dma_start3A_28] : memref<10000xi32, #tpu.memory_space<vmem>> -> memref<80xi32, #tpu.memory_space<vmem>>
      %dma_start3A_30 = arith.constant 0 : i32
      %dma_start3A_31 = arith.constant 0 : i32
      %dma_start3A_32 = tpu.memref_slice %arg11[%dma_start3A_30, %dma_start3A_31] : memref<10112x128xf32, #tpu.memory_space<vmem_shared>> -> memref<10112x128xf32, #tpu.memory_space<vmem_shared>>
      tpu.enqueue_indirect_dma source(%arg9 : memref<80x128xf32, #tpu.memory_space<vmem>>) target(%dma_start3A_32 : memref<10112x128xf32, #tpu.memory_space<vmem_shared>>) offsets(%dma_start3A_29 : memref<80xi32, #tpu.memory_space<vmem>>) semaphore(%run_scoped3A : memref<!tpu.dma_semaphore, #tpu.memory_space<semaphore_mem>>) {add = true}
      %dma_wait3A_33 = arith.constant 9920 : i32
      %dma_wait3A_34 = tpu.memref_slice %arg8[%dma_wait3A_33] : memref<10000xi32, #tpu.memory_space<vmem>> -> memref<80xi32, #tpu.memory_space<vmem>>
      %dma_wait3A_35 = arith.constant 0 : i32
      %dma_wait3A_36 = arith.constant 0 : i32
      %dma_wait3A_37 = tpu.memref_slice %arg11[%dma_wait3A_35, %dma_wait3A_36] : memref<10112x128xf32, #tpu.memory_space<vmem_shared>> -> memref<10112x128xf32, #tpu.memory_space<vmem_shared>>
      tpu.wait_indirect_dma semaphore(%run_scoped3A : memref<!tpu.dma_semaphore, #tpu.memory_space<semaphore_mem>>) src(%arg9 : memref<80x128xf32, #tpu.memory_space<vmem>>) dst(%dma_wait3A_37 : memref<10112x128xf32, #tpu.memory_space<vmem_shared>>)
      tpu.yield
    }) : () -> ()
    %barrier3A_23 = arith.constant 0 : index
    tpu.barrier barrier_id(%barrier3A_23)
    %mul3A_24 = arith.constant 632 : i32
    %mul3A_25 = arith.muli %arg1, %mul3A_24 : i32
    %mul3A_26 = arith.constant 632 : i32
    %mul3A_27 = arith.muli %arg1, %mul3A_26 : i32
    "tpu.region"() ({
      %run_scoped3A = tpu.sem_alloc : memref<!tpu.dma_semaphore, #tpu.memory_space<semaphore_mem>>
      %dma_start3A_28 = arith.constant 0 : i32
      %dma_start3A_29 = arith.constant 0 : i32
      %dma_start3A_30 = tpu.memref_slice %arg6[%arg0, %dma_start3A_28, %dma_start3A_29] : memref<2x10112x128xf32, #tpu.memory_space<hbm>> -> memref<1x10112x128xf32, #tpu.memory_space<hbm>>
      %dma_start3A_31 = tpu.memref_squeeze %dma_start3A_30 : memref<1x10112x128xf32, #tpu.memory_space<hbm>> -> memref<10112x128xf32, #tpu.memory_space<hbm>>
      %dma_start3A_32 = arith.constant 0 : i32
      %dma_start3A_33 = tpu.memref_slice %dma_start3A_31[%mul3A_27, %dma_start3A_32] : memref<10112x128xf32, #tpu.memory_space<hbm>> -> memref<632x128xf32, #tpu.memory_space<hbm>>
      %dma_start3A_34 = arith.constant 0 : i32
      %dma_start3A_35 = tpu.memref_slice %arg11[%mul3A_25, %dma_start3A_34] : memref<10112x128xf32, #tpu.memory_space<vmem_shared>> -> memref<632x128xf32, #tpu.memory_space<vmem_shared>>
      tpu.enqueue_dma source(%dma_start3A_35 : memref<632x128xf32, #tpu.memory_space<vmem_shared>>) target(%dma_start3A_33 : memref<632x128xf32, #tpu.memory_space<hbm>>) target_semaphore(%run_scoped3A : memref<!tpu.dma_semaphore, #tpu.memory_space<semaphore_mem>>)
      %dma_wait3A_36 = arith.constant 0 : i32
      %dma_wait3A_37 = arith.constant 0 : i32
      %dma_wait3A_38 = tpu.memref_slice %arg6[%arg0, %dma_wait3A_36, %dma_wait3A_37] : memref<2x10112x128xf32, #tpu.memory_space<hbm>> -> memref<1x10112x128xf32, #tpu.memory_space<hbm>>
      %dma_wait3A_39 = tpu.memref_squeeze %dma_wait3A_38 : memref<1x10112x128xf32, #tpu.memory_space<hbm>> -> memref<10112x128xf32, #tpu.memory_space<hbm>>
      %dma_wait3A_40 = arith.constant 0 : i32
      %dma_wait3A_41 = tpu.memref_slice %dma_wait3A_39[%mul3A_27, %dma_wait3A_40] : memref<10112x128xf32, #tpu.memory_space<hbm>> -> memref<632x128xf32, #tpu.memory_space<hbm>>
      %dma_wait3A_42 = arith.constant 0 : i32
      %dma_wait3A_43 = tpu.memref_slice %arg11[%mul3A_25, %dma_wait3A_42] : memref<10112x128xf32, #tpu.memory_space<vmem_shared>> -> memref<632x128xf32, #tpu.memory_space<vmem_shared>>
      tpu.wait_dma2 semaphore(%run_scoped3A : memref<!tpu.dma_semaphore, #tpu.memory_space<semaphore_mem>>) src(%dma_wait3A_43 : memref<632x128xf32, #tpu.memory_space<vmem_shared>>) dst(%dma_wait3A_41 : memref<632x128xf32, #tpu.memory_space<hbm>>)
      tpu.yield
    }) : () -> ()
    return
  }
}

#map = affine_map<(d0, d1) -> (0)>
module attributes {stable_mosaic.version = 14 : i64} {
  func.func @deg(%arg0: i32, %arg1: i32, %arg2: memref<320000xf32, #tpu.memory_space<hbm>>, %arg3: memref<320000xi32, #tpu.memory_space<hbm>>, %arg4: memref<323584xf32, #tpu.memory_space<hbm>>, %arg5: memref<10000xf32, #tpu.memory_space<vmem>>, %arg6: memref<10000xi32, #tpu.memory_space<vmem>>, %arg7: memref<10112xf32, #tpu.memory_space<vmem>>) attributes {dimension_semantics = [#tpu.dimension_semantics<core_parallel>, #tpu.dimension_semantics<subcore_parallel>], iteration_bounds = array<i64: 2, 16>, scalar_prefetch = 0 : i64, scratch_operands = 3 : i64, tpu.core_type = #tpu.core_type<sc_vector_subcore>, window_params = [{transform_indices = #map}, {transform_indices = #map}, {transform_indices = #map}]} {
    %mul3A = arith.constant 2 : i32
    %mul3A_0 = arith.muli %arg1, %mul3A : i32
    %add3A = arith.addi %mul3A_0, %arg0 : i32
    %mul3A_1 = arith.constant 10000 : i32
    %mul3A_2 = arith.muli %add3A, %mul3A_1 : i32
    "tpu.region"() ({
      %run_scoped3A = tpu.sem_alloc : memref<!tpu.dma_semaphore, #tpu.memory_space<semaphore_mem>>
      %dma_start3A = tpu.memref_slice %arg2[%mul3A_2] : memref<320000xf32, #tpu.memory_space<hbm>> -> memref<10000xf32, #tpu.memory_space<hbm>>
      %dma_start3A_16 = tpu.memref_slice %arg2[%mul3A_2] : memref<320000xf32, #tpu.memory_space<hbm>> -> memref<10000xf32, #tpu.memory_space<hbm>>
      tpu.enqueue_dma source(%dma_start3A_16 : memref<10000xf32, #tpu.memory_space<hbm>>) target(%arg5 : memref<10000xf32, #tpu.memory_space<vmem>>) target_semaphore(%run_scoped3A : memref<!tpu.dma_semaphore, #tpu.memory_space<semaphore_mem>>)
      %dma_wait3A = tpu.memref_slice %arg2[%mul3A_2] : memref<320000xf32, #tpu.memory_space<hbm>> -> memref<10000xf32, #tpu.memory_space<hbm>>
      %dma_wait3A_17 = tpu.memref_slice %arg2[%mul3A_2] : memref<320000xf32, #tpu.memory_space<hbm>> -> memref<10000xf32, #tpu.memory_space<hbm>>
      tpu.wait_dma2 semaphore(%run_scoped3A : memref<!tpu.dma_semaphore, #tpu.memory_space<semaphore_mem>>) src(%dma_wait3A_17 : memref<10000xf32, #tpu.memory_space<hbm>>) dst(%arg5 : memref<10000xf32, #tpu.memory_space<vmem>>)
      tpu.yield
    }) : () -> ()
    "tpu.region"() ({
      %run_scoped3A = tpu.sem_alloc : memref<!tpu.dma_semaphore, #tpu.memory_space<semaphore_mem>>
      %dma_start3A = tpu.memref_slice %arg3[%mul3A_2] : memref<320000xi32, #tpu.memory_space<hbm>> -> memref<10000xi32, #tpu.memory_space<hbm>>
      %dma_start3A_16 = tpu.memref_slice %arg3[%mul3A_2] : memref<320000xi32, #tpu.memory_space<hbm>> -> memref<10000xi32, #tpu.memory_space<hbm>>
      tpu.enqueue_dma source(%dma_start3A_16 : memref<10000xi32, #tpu.memory_space<hbm>>) target(%arg6 : memref<10000xi32, #tpu.memory_space<vmem>>) target_semaphore(%run_scoped3A : memref<!tpu.dma_semaphore, #tpu.memory_space<semaphore_mem>>)
      %dma_wait3A = tpu.memref_slice %arg3[%mul3A_2] : memref<320000xi32, #tpu.memory_space<hbm>> -> memref<10000xi32, #tpu.memory_space<hbm>>
      %dma_wait3A_17 = tpu.memref_slice %arg3[%mul3A_2] : memref<320000xi32, #tpu.memory_space<hbm>> -> memref<10000xi32, #tpu.memory_space<hbm>>
      tpu.wait_dma2 semaphore(%run_scoped3A : memref<!tpu.dma_semaphore, #tpu.memory_space<semaphore_mem>>) src(%dma_wait3A_17 : memref<10000xi32, #tpu.memory_space<hbm>>) dst(%arg6 : memref<10000xi32, #tpu.memory_space<vmem>>)
      tpu.yield
    }) : () -> ()
    %scan3A = arith.constant 0 : i32
    %scan3A_3 = arith.constant 0 : i32
    %scan3A_4 = arith.constant 632 : i32
    %scan3A_5 = arith.addi %scan3A_3, %scan3A_4 : i32
    %scan3A_6 = arith.constant 1 : i32
    scf.for %scan3A_16 = %scan3A_3 to %scan3A_5 step %scan3A_6  : i32 {
      %broadcast_in_dim3A = arith.constant 0.000000e+00 : f32
      %broadcast_in_dim3A_17 = vector.broadcast %broadcast_in_dim3A : f32 to vector<16xf32>
      %mul3A_18 = arith.constant 16 : i32
      %mul3A_19 = arith.muli %scan3A_16, %mul3A_18 : i32
      %swap3A = arith.index_cast %mul3A_19 : i32 to index
      %swap3A_20 = tpu.vector_load %arg7[%swap3A] {strides = array<i32>} : memref<10112xf32, #tpu.memory_space<vmem>>, vector<16xf32>,
      tpu.vector_store %arg7[%swap3A], %broadcast_in_dim3A_17 {strides = array<i32>} : memref<10112xf32, #tpu.memory_space<vmem>>, vector<16xf32>,
    }
    %scan3A_7 = arith.constant 632 : i32
    %scan3A_8 = arith.constant 0 : i32
    %scan3A_9 = arith.constant 0 : i32
    %scan3A_10 = arith.constant 625 : i32
    %scan3A_11 = arith.addi %scan3A_9, %scan3A_10 : i32
    %scan3A_12 = arith.constant 1 : i32
    scf.for %scan3A_16 = %scan3A_9 to %scan3A_11 step %scan3A_12  : i32 {
      %mul3A_17 = arith.constant 16 : i32
      %mul3A_18 = arith.muli %scan3A_16, %mul3A_17 : i32
      %get3A = arith.index_cast %mul3A_18 : i32 to index
      %get3A_19 = tpu.vector_load %arg6[%get3A] {strides = array<i32>} : memref<10000xi32, #tpu.memory_space<vmem>>, vector<16xi32>,
      %mul3A_20 = arith.constant 16 : i32
      %mul3A_21 = arith.muli %scan3A_16, %mul3A_20 : i32
      %get3A_22 = arith.index_cast %mul3A_21 : i32 to index
      %get3A_23 = tpu.vector_load %arg5[%get3A_22] {strides = array<i32>} : memref<10000xf32, #tpu.memory_space<vmem>>, vector<16xf32>,
      tpu.vector_store_idx %arg7[%get3A_19], %get3A_23 {add = true} : memref<10112xf32, #tpu.memory_space<vmem>>[vector<16xi32>], vector<16xf32>,
    }
    %scan3A_13 = arith.constant 625 : i32
    %mul3A_14 = arith.constant 10112 : i32
    %mul3A_15 = arith.muli %add3A, %mul3A_14 : i32
    "tpu.region"() ({
      %run_scoped3A = tpu.sem_alloc : memref<!tpu.dma_semaphore, #tpu.memory_space<semaphore_mem>>
      %dma_start3A = tpu.memref_slice %arg4[%mul3A_15] : memref<323584xf32, #tpu.memory_space<hbm>> -> memref<10112xf32, #tpu.memory_space<hbm>>
      %dma_start3A_16 = tpu.memref_slice %arg4[%mul3A_15] : memref<323584xf32, #tpu.memory_space<hbm>> -> memref<10112xf32, #tpu.memory_space<hbm>>
      tpu.enqueue_dma source(%arg7 : memref<10112xf32, #tpu.memory_space<vmem>>) target(%dma_start3A_16 : memref<10112xf32, #tpu.memory_space<hbm>>) target_semaphore(%run_scoped3A : memref<!tpu.dma_semaphore, #tpu.memory_space<semaphore_mem>>)
      %dma_wait3A = tpu.memref_slice %arg4[%mul3A_15] : memref<323584xf32, #tpu.memory_space<hbm>> -> memref<10112xf32, #tpu.memory_space<hbm>>
      %dma_wait3A_17 = tpu.memref_slice %arg4[%mul3A_15] : memref<323584xf32, #tpu.memory_space<hbm>> -> memref<10112xf32, #tpu.memory_space<hbm>>
      tpu.wait_dma2 semaphore(%run_scoped3A : memref<!tpu.dma_semaphore, #tpu.memory_space<semaphore_mem>>) src(%arg7 : memref<10112xf32, #tpu.memory_space<vmem>>) dst(%dma_wait3A_17 : memref<10112xf32, #tpu.memory_space<hbm>>)
      tpu.yield
    }) : () -> ()
    return
  }
}

#map = affine_map<(d0, d1) -> (0, 0)>
#map1 = affine_map<(d0, d1) -> (0, 0, 0)>
module attributes {stable_mosaic.version = 14 : i64} {
  func.func @scat(%arg0: i32, %arg1: i32, %arg2: memref<10000x128xf32, #tpu.memory_space<hbm>>, %arg3: memref<32x10000xi32, #tpu.memory_space<hbm>>, %arg4: memref<32x10000xi32, #tpu.memory_space<hbm>>, %arg5: memref<10112x128xf32, #tpu.memory_space<hbm>>, %arg6: memref<2x10112x128xf32, #tpu.memory_space<hbm>>, %arg7: memref<10000xi32, #tpu.memory_space<vmem>>, %arg8: memref<10000xi32, #tpu.memory_space<vmem>>, %arg9: memref<80x128xf32, #tpu.memory_space<vmem>>, %arg10: memref<80x128xf32, #tpu.memory_space<vmem>>, %arg11: memref<10112x128xf32, #tpu.memory_space<vmem_shared>>, %arg12: memref<!tpu.dma_semaphore, #tpu.memory_space<semaphore_mem>>, %arg13: memref<!tpu.dma_semaphore, #tpu.memory_space<semaphore_mem>>) attributes {dimension_semantics = [#tpu.dimension_semantics<core_parallel>, #tpu.dimension_semantics<subcore_parallel>], iteration_bounds = array<i64: 2, 16>, scalar_prefetch = 0 : i64, scratch_operands = 7 : i64, tpu.core_type = #tpu.core_type<sc_vector_subcore>, window_params = [{transform_indices = #map}, {transform_indices = #map}, {transform_indices = #map}, {transform_indices = #map}, {transform_indices = #map1}]} {
    %mul3A = arith.constant 2 : i32
    %mul3A_0 = arith.muli %arg1, %mul3A : i32
    %add3A = arith.addi %mul3A_0, %arg0 : i32
    "tpu.region"() ({
      %run_scoped3A = tpu.sem_alloc : memref<!tpu.dma_semaphore, #tpu.memory_space<semaphore_mem>>
      %dma_start3A_28 = arith.constant 0 : i32
      %dma_start3A_29 = tpu.memref_slice %arg3[%add3A, %dma_start3A_28] : memref<32x10000xi32, #tpu.memory_space<hbm>> -> memref<1x10000xi32, #tpu.memory_space<hbm>>
      %dma_start3A_30 = tpu.memref_squeeze %dma_start3A_29 : memref<1x10000xi32, #tpu.memory_space<hbm>> -> memref<10000xi32, #tpu.memory_space<hbm>>
      %dma_start3A_31 = arith.constant 0 : i32
      %dma_start3A_32 = tpu.memref_slice %arg3[%add3A, %dma_start3A_31] : memref<32x10000xi32, #tpu.memory_space<hbm>> -> memref<1x10000xi32, #tpu.memory_space<hbm>>
      %dma_start3A_33 = tpu.memref_squeeze %dma_start3A_32 : memref<1x10000xi32, #tpu.memory_space<hbm>> -> memref<10000xi32, #tpu.memory_space<hbm>>
      tpu.enqueue_dma source(%dma_start3A_33 : memref<10000xi32, #tpu.memory_space<hbm>>) target(%arg7 : memref<10000xi32, #tpu.memory_space<vmem>>) target_semaphore(%run_scoped3A : memref<!tpu.dma_semaphore, #tpu.memory_space<semaphore_mem>>)
      %dma_wait3A_34 = arith.constant 0 : i32
      %dma_wait3A_35 = tpu.memref_slice %arg3[%add3A, %dma_wait3A_34] : memref<32x10000xi32, #tpu.memory_space<hbm>> -> memref<1x10000xi32, #tpu.memory_space<hbm>>
      %dma_wait3A_36 = tpu.memref_squeeze %dma_wait3A_35 : memref<1x10000xi32, #tpu.memory_space<hbm>> -> memref<10000xi32, #tpu.memory_space<hbm>>
      %dma_wait3A_37 = arith.constant 0 : i32
      %dma_wait3A_38 = tpu.memref_slice %arg3[%add3A, %dma_wait3A_37] : memref<32x10000xi32, #tpu.memory_space<hbm>> -> memref<1x10000xi32, #tpu.memory_space<hbm>>
      %dma_wait3A_39 = tpu.memref_squeeze %dma_wait3A_38 : memref<1x10000xi32, #tpu.memory_space<hbm>> -> memref<10000xi32, #tpu.memory_space<hbm>>
      tpu.wait_dma2 semaphore(%run_scoped3A : memref<!tpu.dma_semaphore, #tpu.memory_space<semaphore_mem>>) src(%dma_wait3A_39 : memref<10000xi32, #tpu.memory_space<hbm>>) dst(%arg7 : memref<10000xi32, #tpu.memory_space<vmem>>)
      tpu.yield
    }) : () -> ()
    "tpu.region"() ({
      %run_scoped3A = tpu.sem_alloc : memref<!tpu.dma_semaphore, #tpu.memory_space<semaphore_mem>>
      %dma_start3A_28 = arith.constant 0 : i32
      %dma_start3A_29 = tpu.memref_slice %arg4[%add3A, %dma_start3A_28] : memref<32x10000xi32, #tpu.memory_space<hbm>> -> memref<1x10000xi32, #tpu.memory_space<hbm>>
      %dma_start3A_30 = tpu.memref_squeeze %dma_start3A_29 : memref<1x10000xi32, #tpu.memory_space<hbm>> -> memref<10000xi32, #tpu.memory_space<hbm>>
      %dma_start3A_31 = arith.constant 0 : i32
      %dma_start3A_32 = tpu.memref_slice %arg4[%add3A, %dma_start3A_31] : memref<32x10000xi32, #tpu.memory_space<hbm>> -> memref<1x10000xi32, #tpu.memory_space<hbm>>
      %dma_start3A_33 = tpu.memref_squeeze %dma_start3A_32 : memref<1x10000xi32, #tpu.memory_space<hbm>> -> memref<10000xi32, #tpu.memory_space<hbm>>
      tpu.enqueue_dma source(%dma_start3A_33 : memref<10000xi32, #tpu.memory_space<hbm>>) target(%arg8 : memref<10000xi32, #tpu.memory_space<vmem>>) target_semaphore(%run_scoped3A : memref<!tpu.dma_semaphore, #tpu.memory_space<semaphore_mem>>)
      %dma_wait3A_34 = arith.constant 0 : i32
      %dma_wait3A_35 = tpu.memref_slice %arg4[%add3A, %dma_wait3A_34] : memref<32x10000xi32, #tpu.memory_space<hbm>> -> memref<1x10000xi32, #tpu.memory_space<hbm>>
      %dma_wait3A_36 = tpu.memref_squeeze %dma_wait3A_35 : memref<1x10000xi32, #tpu.memory_space<hbm>> -> memref<10000xi32, #tpu.memory_space<hbm>>
      %dma_wait3A_37 = arith.constant 0 : i32
      %dma_wait3A_38 = tpu.memref_slice %arg4[%add3A, %dma_wait3A_37] : memref<32x10000xi32, #tpu.memory_space<hbm>> -> memref<1x10000xi32, #tpu.memory_space<hbm>>
      %dma_wait3A_39 = tpu.memref_squeeze %dma_wait3A_38 : memref<1x10000xi32, #tpu.memory_space<hbm>> -> memref<10000xi32, #tpu.memory_space<hbm>>
      tpu.wait_dma2 semaphore(%run_scoped3A : memref<!tpu.dma_semaphore, #tpu.memory_space<semaphore_mem>>) src(%dma_wait3A_39 : memref<10000xi32, #tpu.memory_space<hbm>>) dst(%arg8 : memref<10000xi32, #tpu.memory_space<vmem>>)
      tpu.yield
    }) : () -> ()
    %dma_start3A = arith.constant 0 : i32
    %dma_start3A_1 = tpu.memref_slice %arg7[%dma_start3A] : memref<10000xi32, #tpu.memory_space<vmem>> -> memref<80xi32, #tpu.memory_space<vmem>>
    %dma_start3A_2 = arith.constant 0 : i32
    %dma_start3A_3 = arith.constant 0 : i32
    %dma_start3A_4 = tpu.memref_slice %arg2[%dma_start3A_2, %dma_start3A_3] : memref<10000x128xf32, #tpu.memory_space<hbm>> -> memref<10000x128xf32, #tpu.memory_space<hbm>>
    tpu.enqueue_indirect_dma source(%dma_start3A_4 : memref<10000x128xf32, #tpu.memory_space<hbm>>) target(%arg9 : memref<80x128xf32, #tpu.memory_space<vmem>>) offsets(%dma_start3A_1 : memref<80xi32, #tpu.memory_space<vmem>>) semaphore(%arg12 : memref<!tpu.dma_semaphore, #tpu.memory_space<semaphore_mem>>)
    %dma_start3A_5 = arith.constant 80 : i32
    %dma_start3A_6 = tpu.memref_slice %arg7[%dma_start3A_5] : memref<10000xi32, #tpu.memory_space<vmem>> -> memref<80xi32, #tpu.memory_space<vmem>>
    %dma_start3A_7 = arith.constant 0 : i32
    %dma_start3A_8 = arith.constant 0 : i32
    %dma_start3A_9 = tpu.memref_slice %arg2[%dma_start3A_7, %dma_start3A_8] : memref<10000x128xf32, #tpu.memory_space<hbm>> -> memref<10000x128xf32, #tpu.memory_space<hbm>>
    tpu.enqueue_indirect_dma source(%dma_start3A_9 : memref<10000x128xf32, #tpu.memory_space<hbm>>) target(%arg10 : memref<80x128xf32, #tpu.memory_space<vmem>>) offsets(%dma_start3A_6 : memref<80xi32, #tpu.memory_space<vmem>>) semaphore(%arg13 : memref<!tpu.dma_semaphore, #tpu.memory_space<semaphore_mem>>)
    %mul3A_10 = arith.constant 632 : i32
    %mul3A_11 = arith.muli %arg1, %mul3A_10 : i32
    %mul3A_12 = arith.constant 632 : i32
    %mul3A_13 = arith.muli %arg1, %mul3A_12 : i32
    "tpu.region"() ({
      %run_scoped3A = tpu.sem_alloc : memref<!tpu.dma_semaphore, #tpu.memory_space<semaphore_mem>>
      %dma_start3A_28 = arith.constant 0 : i32
      %dma_start3A_29 = tpu.memref_slice %arg11[%mul3A_13, %dma_start3A_28] : memref<10112x128xf32, #tpu.memory_space<vmem_shared>> -> memref<632x128xf32, #tpu.memory_space<vmem_shared>>
      %dma_start3A_30 = arith.constant 0 : i32
      %dma_start3A_31 = tpu.memref_slice %arg5[%mul3A_11, %dma_start3A_30] : memref<10112x128xf32, #tpu.memory_space<hbm>> -> memref<632x128xf32, #tpu.memory_space<hbm>>
      tpu.enqueue_dma source(%dma_start3A_31 : memref<632x128xf32, #tpu.memory_space<hbm>>) target(%dma_start3A_29 : memref<632x128xf32, #tpu.memory_space<vmem_shared>>) target_semaphore(%run_scoped3A : memref<!tpu.dma_semaphore, #tpu.memory_space<semaphore_mem>>)
      %dma_wait3A_32 = arith.constant 0 : i32
      %dma_wait3A_33 = tpu.memref_slice %arg11[%mul3A_13, %dma_wait3A_32] : memref<10112x128xf32, #tpu.memory_space<vmem_shared>> -> memref<632x128xf32, #tpu.memory_space<vmem_shared>>
      %dma_wait3A_34 = arith.constant 0 : i32
      %dma_wait3A_35 = tpu.memref_slice %arg5[%mul3A_11, %dma_wait3A_34] : memref<10112x128xf32, #tpu.memory_space<hbm>> -> memref<632x128xf32, #tpu.memory_space<hbm>>
      tpu.wait_dma2 semaphore(%run_scoped3A : memref<!tpu.dma_semaphore, #tpu.memory_space<semaphore_mem>>) src(%dma_wait3A_35 : memref<632x128xf32, #tpu.memory_space<hbm>>) dst(%dma_wait3A_33 : memref<632x128xf32, #tpu.memory_space<vmem_shared>>)
      tpu.yield
    }) : () -> ()
    %barrier3A = arith.constant 0 : index
    tpu.barrier barrier_id(%barrier3A)
    %scan3A = arith.constant 0 : i32
    %scan3A_14 = arith.constant 0 : i32
    %scan3A_15 = arith.constant 62 : i32
    %scan3A_16 = arith.addi %scan3A_14, %scan3A_15 : i32
    %scan3A_17 = arith.constant 1 : i32
    scf.for %scan3A_28 = %scan3A_14 to %scan3A_16 step %scan3A_17  : i32 {
      %mul3A_29 = arith.constant 2 : i32
      %mul3A_30 = arith.muli %scan3A_28, %mul3A_29 : i32
      %add3A_31 = arith.constant 0 : i32
      %add3A_32 = arith.addi %mul3A_30, %add3A_31 : i32
      %mul3A_33 = arith.constant 80 : i32
      %mul3A_34 = arith.muli %add3A_32, %mul3A_33 : i32
      %dma_wait3A_35 = tpu.memref_slice %arg7[%mul3A_34] : memref<10000xi32, #tpu.memory_space<vmem>> -> memref<80xi32, #tpu.memory_space<vmem>>
      %dma_wait3A_36 = arith.constant 0 : i32
      %dma_wait3A_37 = arith.constant 0 : i32
      %dma_wait3A_38 = tpu.memref_slice %arg2[%dma_wait3A_36, %dma_wait3A_37] : memref<10000x128xf32, #tpu.memory_space<hbm>> -> memref<10000x128xf32, #tpu.memory_space<hbm>>
      tpu.wait_indirect_dma semaphore(%arg12 : memref<!tpu.dma_semaphore, #tpu.memory_space<semaphore_mem>>) src(%dma_wait3A_38 : memref<10000x128xf32, #tpu.memory_space<hbm>>) dst(%arg9 : memref<80x128xf32, #tpu.memory_space<vmem>>)
      %mul3A_39 = arith.constant 80 : i32
      %mul3A_40 = arith.muli %add3A_32, %mul3A_39 : i32
      "tpu.region"() ({
        %run_scoped3A = tpu.sem_alloc : memref<!tpu.dma_semaphore, #tpu.memory_space<semaphore_mem>>
        %dma_start3A_64 = tpu.memref_slice %arg8[%mul3A_40] : memref<10000xi32, #tpu.memory_space<vmem>> -> memref<80xi32, #tpu.memory_space<vmem>>
        %dma_start3A_65 = arith.constant 0 : i32
        %dma_start3A_66 = arith.constant 0 : i32
        %dma_start3A_67 = tpu.memref_slice %arg11[%dma_start3A_65, %dma_start3A_66] : memref<10112x128xf32, #tpu.memory_space<vmem_shared>> -> memref<10112x128xf32, #tpu.memory_space<vmem_shared>>
        tpu.enqueue_indirect_dma source(%arg9 : memref<80x128xf32, #tpu.memory_space<vmem>>) target(%dma_start3A_67 : memref<10112x128xf32, #tpu.memory_space<vmem_shared>>) offsets(%dma_start3A_64 : memref<80xi32, #tpu.memory_space<vmem>>) semaphore(%run_scoped3A : memref<!tpu.dma_semaphore, #tpu.memory_space<semaphore_mem>>) {add = true}
        %dma_wait3A_68 = tpu.memref_slice %arg8[%mul3A_40] : memref<10000xi32, #tpu.memory_space<vmem>> -> memref<80xi32, #tpu.memory_space<vmem>>
        %dma_wait3A_69 = arith.constant 0 : i32
        %dma_wait3A_70 = arith.constant 0 : i32
        %dma_wait3A_71 = tpu.memref_slice %arg11[%dma_wait3A_69, %dma_wait3A_70] : memref<10112x128xf32, #tpu.memory_space<vmem_shared>> -> memref<10112x128xf32, #tpu.memory_space<vmem_shared>>
        tpu.wait_indirect_dma semaphore(%run_scoped3A : memref<!tpu.dma_semaphore, #tpu.memory_space<semaphore_mem>>) src(%arg9 : memref<80x128xf32, #tpu.memory_space<vmem>>) dst(%dma_wait3A_71 : memref<10112x128xf32, #tpu.memory_space<vmem_shared>>)
        tpu.yield
      }) : () -> ()
      %add3A_41 = arith.constant 2 : i32
      %add3A_42 = arith.addi %add3A_32, %add3A_41 : i32
      %lt3A = arith.constant 125 : i32
      %lt3A_43 = arith.cmpi slt, %add3A_42, %lt3A : i32
      %convert_element_type3A = arith.extui %lt3A_43 : i1 to i32
      %cond3A = arith.constant 0 : i32
      %cond3A_44 = arith.cmpi ne, %convert_element_type3A, %cond3A : i32
      scf.if %cond3A_44 {
        %mul3A_64 = arith.constant 80 : i32
        %mul3A_65 = arith.muli %add3A_42, %mul3A_64 : i32
        %dma_start3A_66 = tpu.memref_slice %arg7[%mul3A_65] : memref<10000xi32, #tpu.memory_space<vmem>> -> memref<80xi32, #tpu.memory_space<vmem>>
        %dma_start3A_67 = arith.constant 0 : i32
        %dma_start3A_68 = arith.constant 0 : i32
        %dma_start3A_69 = tpu.memref_slice %arg2[%dma_start3A_67, %dma_start3A_68] : memref<10000x128xf32, #tpu.memory_space<hbm>> -> memref<10000x128xf32, #tpu.memory_space<hbm>>
        tpu.enqueue_indirect_dma source(%dma_start3A_69 : memref<10000x128xf32, #tpu.memory_space<hbm>>) target(%arg9 : memref<80x128xf32, #tpu.memory_space<vmem>>) offsets(%dma_start3A_66 : memref<80xi32, #tpu.memory_space<vmem>>) semaphore(%arg12 : memref<!tpu.dma_semaphore, #tpu.memory_space<semaphore_mem>>)
      } else {
      }
      %mul3A_45 = arith.constant 2 : i32
      %mul3A_46 = arith.muli %scan3A_28, %mul3A_45 : i32
      %add3A_47 = arith.constant 1 : i32
      %add3A_48 = arith.addi %mul3A_46, %add3A_47 : i32
      %mul3A_49 = arith.constant 80 : i32
      %mul3A_50 = arith.muli %add3A_48, %mul3A_49 : i32
      %dma_wait3A_51 = tpu.memref_slice %arg7[%mul3A_50] : memref<10000xi32, #tpu.memory_space<vmem>> -> memref<80xi32, #tpu.memory_space<vmem>>
      %dma_wait3A_52 = arith.constant 0 : i32
      %dma_wait3A_53 = arith.constant 0 : i32
      %dma_wait3A_54 = tpu.memref_slice %arg2[%dma_wait3A_52, %dma_wait3A_53] : memref<10000x128xf32, #tpu.memory_space<hbm>> -> memref<10000x128xf32, #tpu.memory_space<hbm>>
      tpu.wait_indirect_dma semaphore(%arg13 : memref<!tpu.dma_semaphore, #tpu.memory_space<semaphore_mem>>) src(%dma_wait3A_54 : memref<10000x128xf32, #tpu.memory_space<hbm>>) dst(%arg10 : memref<80x128xf32, #tpu.memory_space<vmem>>)
      %mul3A_55 = arith.constant 80 : i32
      %mul3A_56 = arith.muli %add3A_48, %mul3A_55 : i32
      "tpu.region"() ({
        %run_scoped3A = tpu.sem_alloc : memref<!tpu.dma_semaphore, #tpu.memory_space<semaphore_mem>>
        %dma_start3A_64 = tpu.memref_slice %arg8[%mul3A_56] : memref<10000xi32, #tpu.memory_space<vmem>> -> memref<80xi32, #tpu.memory_space<vmem>>
        %dma_start3A_65 = arith.constant 0 : i32
        %dma_start3A_66 = arith.constant 0 : i32
        %dma_start3A_67 = tpu.memref_slice %arg11[%dma_start3A_65, %dma_start3A_66] : memref<10112x128xf32, #tpu.memory_space<vmem_shared>> -> memref<10112x128xf32, #tpu.memory_space<vmem_shared>>
        tpu.enqueue_indirect_dma source(%arg10 : memref<80x128xf32, #tpu.memory_space<vmem>>) target(%dma_start3A_67 : memref<10112x128xf32, #tpu.memory_space<vmem_shared>>) offsets(%dma_start3A_64 : memref<80xi32, #tpu.memory_space<vmem>>) semaphore(%run_scoped3A : memref<!tpu.dma_semaphore, #tpu.memory_space<semaphore_mem>>) {add = true}
        %dma_wait3A_68 = tpu.memref_slice %arg8[%mul3A_56] : memref<10000xi32, #tpu.memory_space<vmem>> -> memref<80xi32, #tpu.memory_space<vmem>>
        %dma_wait3A_69 = arith.constant 0 : i32
        %dma_wait3A_70 = arith.constant 0 : i32
        %dma_wait3A_71 = tpu.memref_slice %arg11[%dma_wait3A_69, %dma_wait3A_70] : memref<10112x128xf32, #tpu.memory_space<vmem_shared>> -> memref<10112x128xf32, #tpu.memory_space<vmem_shared>>
        tpu.wait_indirect_dma semaphore(%run_scoped3A : memref<!tpu.dma_semaphore, #tpu.memory_space<semaphore_mem>>) src(%arg10 : memref<80x128xf32, #tpu.memory_space<vmem>>) dst(%dma_wait3A_71 : memref<10112x128xf32, #tpu.memory_space<vmem_shared>>)
        tpu.yield
      }) : () -> ()
      %add3A_57 = arith.constant 2 : i32
      %add3A_58 = arith.addi %add3A_48, %add3A_57 : i32
      %lt3A_59 = arith.constant 125 : i32
      %lt3A_60 = arith.cmpi slt, %add3A_58, %lt3A_59 : i32
      %convert_element_type3A_61 = arith.extui %lt3A_60 : i1 to i32
      %cond3A_62 = arith.constant 0 : i32
      %cond3A_63 = arith.cmpi ne, %convert_element_type3A_61, %cond3A_62 : i32
      scf.if %cond3A_63 {
        %mul3A_64 = arith.constant 80 : i32
        %mul3A_65 = arith.muli %add3A_58, %mul3A_64 : i32
        %dma_start3A_66 = tpu.memref_slice %arg7[%mul3A_65] : memref<10000xi32, #tpu.memory_space<vmem>> -> memref<80xi32, #tpu.memory_space<vmem>>
        %dma_start3A_67 = arith.constant 0 : i32
        %dma_start3A_68 = arith.constant 0 : i32
        %dma_start3A_69 = tpu.memref_slice %arg2[%dma_start3A_67, %dma_start3A_68] : memref<10000x128xf32, #tpu.memory_space<hbm>> -> memref<10000x128xf32, #tpu.memory_space<hbm>>
        tpu.enqueue_indirect_dma source(%dma_start3A_69 : memref<10000x128xf32, #tpu.memory_space<hbm>>) target(%arg10 : memref<80x128xf32, #tpu.memory_space<vmem>>) offsets(%dma_start3A_66 : memref<80xi32, #tpu.memory_space<vmem>>) semaphore(%arg13 : memref<!tpu.dma_semaphore, #tpu.memory_space<semaphore_mem>>)
      } else {
      }
    }
    %scan3A_18 = arith.constant 62 : i32
    %dma_wait3A = arith.constant 9920 : i32
    %dma_wait3A_19 = tpu.memref_slice %arg7[%dma_wait3A] : memref<10000xi32, #tpu.memory_space<vmem>> -> memref<80xi32, #tpu.memory_space<vmem>>
    %dma_wait3A_20 = arith.constant 0 : i32
    %dma_wait3A_21 = arith.constant 0 : i32
    %dma_wait3A_22 = tpu.memref_slice %arg2[%dma_wait3A_20, %dma_wait3A_21] : memref<10000x128xf32, #tpu.memory_space<hbm>> -> memref<10000x128xf32, #tpu.memory_space<hbm>>
    tpu.wait_indirect_dma semaphore(%arg12 : memref<!tpu.dma_semaphore, #tpu.memory_space<semaphore_mem>>) src(%dma_wait3A_22 : memref<10000x128xf32, #tpu.memory_space<hbm>>) dst(%arg9 : memref<80x128xf32, #tpu.memory_space<vmem>>)
    "tpu.region"() ({
      %run_scoped3A = tpu.sem_alloc : memref<!tpu.dma_semaphore, #tpu.memory_space<semaphore_mem>>
      %dma_start3A_28 = arith.constant 9920 : i32
      %dma_start3A_29 = tpu.memref_slice %arg8[%dma_start3A_28] : memref<10000xi32, #tpu.memory_space<vmem>> -> memref<80xi32, #tpu.memory_space<vmem>>
      %dma_start3A_30 = arith.constant 0 : i32
      %dma_start3A_31 = arith.constant 0 : i32
      %dma_start3A_32 = tpu.memref_slice %arg11[%dma_start3A_30, %dma_start3A_31] : memref<10112x128xf32, #tpu.memory_space<vmem_shared>> -> memref<10112x128xf32, #tpu.memory_space<vmem_shared>>
      tpu.enqueue_indirect_dma source(%arg9 : memref<80x128xf32, #tpu.memory_space<vmem>>) target(%dma_start3A_32 : memref<10112x128xf32, #tpu.memory_space<vmem_shared>>) offsets(%dma_start3A_29 : memref<80xi32, #tpu.memory_space<vmem>>) semaphore(%run_scoped3A : memref<!tpu.dma_semaphore, #tpu.memory_space<semaphore_mem>>) {add = true}
      %dma_wait3A_33 = arith.constant 9920 : i32
      %dma_wait3A_34 = tpu.memref_slice %arg8[%dma_wait3A_33] : memref<10000xi32, #tpu.memory_space<vmem>> -> memref<80xi32, #tpu.memory_space<vmem>>
      %dma_wait3A_35 = arith.constant 0 : i32
      %dma_wait3A_36 = arith.constant 0 : i32
      %dma_wait3A_37 = tpu.memref_slice %arg11[%dma_wait3A_35, %dma_wait3A_36] : memref<10112x128xf32, #tpu.memory_space<vmem_shared>> -> memref<10112x128xf32, #tpu.memory_space<vmem_shared>>
      tpu.wait_indirect_dma semaphore(%run_scoped3A : memref<!tpu.dma_semaphore, #tpu.memory_space<semaphore_mem>>) src(%arg9 : memref<80x128xf32, #tpu.memory_space<vmem>>) dst(%dma_wait3A_37 : memref<10112x128xf32, #tpu.memory_space<vmem_shared>>)
      tpu.yield
    }) : () -> ()
    %barrier3A_23 = arith.constant 0 : index
    tpu.barrier barrier_id(%barrier3A_23)
    %mul3A_24 = arith.constant 632 : i32
    %mul3A_25 = arith.muli %arg1, %mul3A_24 : i32
    %mul3A_26 = arith.constant 632 : i32
    %mul3A_27 = arith.muli %arg1, %mul3A_26 : i32
    "tpu.region"() ({
      %run_scoped3A = tpu.sem_alloc : memref<!tpu.dma_semaphore, #tpu.memory_space<semaphore_mem>>
      %dma_start3A_28 = arith.constant 0 : i32
      %dma_start3A_29 = arith.constant 0 : i32
      %dma_start3A_30 = tpu.memref_slice %arg6[%arg0, %dma_start3A_28, %dma_start3A_29] : memref<2x10112x128xf32, #tpu.memory_space<hbm>> -> memref<1x10112x128xf32, #tpu.memory_space<hbm>>
      %dma_start3A_31 = tpu.memref_squeeze %dma_start3A_30 : memref<1x10112x128xf32, #tpu.memory_space<hbm>> -> memref<10112x128xf32, #tpu.memory_space<hbm>>
      %dma_start3A_32 = arith.constant 0 : i32
      %dma_start3A_33 = tpu.memref_slice %dma_start3A_31[%mul3A_27, %dma_start3A_32] : memref<10112x128xf32, #tpu.memory_space<hbm>> -> memref<632x128xf32, #tpu.memory_space<hbm>>
      %dma_start3A_34 = arith.constant 0 : i32
      %dma_start3A_35 = tpu.memref_slice %arg11[%mul3A_25, %dma_start3A_34] : memref<10112x128xf32, #tpu.memory_space<vmem_shared>> -> memref<632x128xf32, #tpu.memory_space<vmem_shared>>
      tpu.enqueue_dma source(%dma_start3A_35 : memref<632x128xf32, #tpu.memory_space<vmem_shared>>) target(%dma_start3A_33 : memref<632x128xf32, #tpu.memory_space<hbm>>) target_semaphore(%run_scoped3A : memref<!tpu.dma_semaphore, #tpu.memory_space<semaphore_mem>>)
      %dma_wait3A_36 = arith.constant 0 : i32
      %dma_wait3A_37 = arith.constant 0 : i32
      %dma_wait3A_38 = tpu.memref_slice %arg6[%arg0, %dma_wait3A_36, %dma_wait3A_37] : memref<2x10112x128xf32, #tpu.memory_space<hbm>> -> memref<1x10112x128xf32, #tpu.memory_space<hbm>>
      %dma_wait3A_39 = tpu.memref_squeeze %dma_wait3A_38 : memref<1x10112x128xf32, #tpu.memory_space<hbm>> -> memref<10112x128xf32, #tpu.memory_space<hbm>>
      %dma_wait3A_40 = arith.constant 0 : i32
      %dma_wait3A_41 = tpu.memref_slice %dma_wait3A_39[%mul3A_27, %dma_wait3A_40] : memref<10112x128xf32, #tpu.memory_space<hbm>> -> memref<632x128xf32, #tpu.memory_space<hbm>>
      %dma_wait3A_42 = arith.constant 0 : i32
      %dma_wait3A_43 = tpu.memref_slice %arg11[%mul3A_25, %dma_wait3A_42] : memref<10112x128xf32, #tpu.memory_space<vmem_shared>> -> memref<632x128xf32, #tpu.memory_space<vmem_shared>>
      tpu.wait_dma2 semaphore(%run_scoped3A : memref<!tpu.dma_semaphore, #tpu.memory_space<semaphore_mem>>) src(%dma_wait3A_43 : memref<632x128xf32, #tpu.memory_space<vmem_shared>>) dst(%dma_wait3A_41 : memref<632x128xf32, #tpu.memory_space<hbm>>)
      tpu.yield
    }) : () -> ()
    return
  }
}

#map = affine_map<(d0, d1) -> (0, 0)>
#map1 = affine_map<(d0, d1) -> (0, 0, 0)>
module attributes {stable_mosaic.version = 14 : i64} {
  func.func @scat(%arg0: i32, %arg1: i32, %arg2: memref<10000x128xf32, #tpu.memory_space<hbm>>, %arg3: memref<32x10000xi32, #tpu.memory_space<hbm>>, %arg4: memref<32x10000xi32, #tpu.memory_space<hbm>>, %arg5: memref<10112x128xf32, #tpu.memory_space<hbm>>, %arg6: memref<2x10112x128xf32, #tpu.memory_space<hbm>>, %arg7: memref<10000xi32, #tpu.memory_space<vmem>>, %arg8: memref<10000xi32, #tpu.memory_space<vmem>>, %arg9: memref<80x128xf32, #tpu.memory_space<vmem>>, %arg10: memref<80x128xf32, #tpu.memory_space<vmem>>, %arg11: memref<10112x128xf32, #tpu.memory_space<vmem_shared>>, %arg12: memref<!tpu.dma_semaphore, #tpu.memory_space<semaphore_mem>>, %arg13: memref<!tpu.dma_semaphore, #tpu.memory_space<semaphore_mem>>) attributes {dimension_semantics = [#tpu.dimension_semantics<core_parallel>, #tpu.dimension_semantics<subcore_parallel>], iteration_bounds = array<i64: 2, 16>, scalar_prefetch = 0 : i64, scratch_operands = 7 : i64, tpu.core_type = #tpu.core_type<sc_vector_subcore>, window_params = [{transform_indices = #map}, {transform_indices = #map}, {transform_indices = #map}, {transform_indices = #map}, {transform_indices = #map1}]} {
    %mul3A = arith.constant 2 : i32
    %mul3A_0 = arith.muli %arg1, %mul3A : i32
    %add3A = arith.addi %mul3A_0, %arg0 : i32
    "tpu.region"() ({
      %run_scoped3A = tpu.sem_alloc : memref<!tpu.dma_semaphore, #tpu.memory_space<semaphore_mem>>
      %dma_start3A_28 = arith.constant 0 : i32
      %dma_start3A_29 = tpu.memref_slice %arg3[%add3A, %dma_start3A_28] : memref<32x10000xi32, #tpu.memory_space<hbm>> -> memref<1x10000xi32, #tpu.memory_space<hbm>>
      %dma_start3A_30 = tpu.memref_squeeze %dma_start3A_29 : memref<1x10000xi32, #tpu.memory_space<hbm>> -> memref<10000xi32, #tpu.memory_space<hbm>>
      %dma_start3A_31 = arith.constant 0 : i32
      %dma_start3A_32 = tpu.memref_slice %arg3[%add3A, %dma_start3A_31] : memref<32x10000xi32, #tpu.memory_space<hbm>> -> memref<1x10000xi32, #tpu.memory_space<hbm>>
      %dma_start3A_33 = tpu.memref_squeeze %dma_start3A_32 : memref<1x10000xi32, #tpu.memory_space<hbm>> -> memref<10000xi32, #tpu.memory_space<hbm>>
      tpu.enqueue_dma source(%dma_start3A_33 : memref<10000xi32, #tpu.memory_space<hbm>>) target(%arg7 : memref<10000xi32, #tpu.memory_space<vmem>>) target_semaphore(%run_scoped3A : memref<!tpu.dma_semaphore, #tpu.memory_space<semaphore_mem>>)
      %dma_wait3A_34 = arith.constant 0 : i32
      %dma_wait3A_35 = tpu.memref_slice %arg3[%add3A, %dma_wait3A_34] : memref<32x10000xi32, #tpu.memory_space<hbm>> -> memref<1x10000xi32, #tpu.memory_space<hbm>>
      %dma_wait3A_36 = tpu.memref_squeeze %dma_wait3A_35 : memref<1x10000xi32, #tpu.memory_space<hbm>> -> memref<10000xi32, #tpu.memory_space<hbm>>
      %dma_wait3A_37 = arith.constant 0 : i32
      %dma_wait3A_38 = tpu.memref_slice %arg3[%add3A, %dma_wait3A_37] : memref<32x10000xi32, #tpu.memory_space<hbm>> -> memref<1x10000xi32, #tpu.memory_space<hbm>>
      %dma_wait3A_39 = tpu.memref_squeeze %dma_wait3A_38 : memref<1x10000xi32, #tpu.memory_space<hbm>> -> memref<10000xi32, #tpu.memory_space<hbm>>
      tpu.wait_dma2 semaphore(%run_scoped3A : memref<!tpu.dma_semaphore, #tpu.memory_space<semaphore_mem>>) src(%dma_wait3A_39 : memref<10000xi32, #tpu.memory_space<hbm>>) dst(%arg7 : memref<10000xi32, #tpu.memory_space<vmem>>)
      tpu.yield
    }) : () -> ()
    "tpu.region"() ({
      %run_scoped3A = tpu.sem_alloc : memref<!tpu.dma_semaphore, #tpu.memory_space<semaphore_mem>>
      %dma_start3A_28 = arith.constant 0 : i32
      %dma_start3A_29 = tpu.memref_slice %arg4[%add3A, %dma_start3A_28] : memref<32x10000xi32, #tpu.memory_space<hbm>> -> memref<1x10000xi32, #tpu.memory_space<hbm>>
      %dma_start3A_30 = tpu.memref_squeeze %dma_start3A_29 : memref<1x10000xi32, #tpu.memory_space<hbm>> -> memref<10000xi32, #tpu.memory_space<hbm>>
      %dma_start3A_31 = arith.constant 0 : i32
      %dma_start3A_32 = tpu.memref_slice %arg4[%add3A, %dma_start3A_31] : memref<32x10000xi32, #tpu.memory_space<hbm>> -> memref<1x10000xi32, #tpu.memory_space<hbm>>
      %dma_start3A_33 = tpu.memref_squeeze %dma_start3A_32 : memref<1x10000xi32, #tpu.memory_space<hbm>> -> memref<10000xi32, #tpu.memory_space<hbm>>
      tpu.enqueue_dma source(%dma_start3A_33 : memref<10000xi32, #tpu.memory_space<hbm>>) target(%arg8 : memref<10000xi32, #tpu.memory_space<vmem>>) target_semaphore(%run_scoped3A : memref<!tpu.dma_semaphore, #tpu.memory_space<semaphore_mem>>)
      %dma_wait3A_34 = arith.constant 0 : i32
      %dma_wait3A_35 = tpu.memref_slice %arg4[%add3A, %dma_wait3A_34] : memref<32x10000xi32, #tpu.memory_space<hbm>> -> memref<1x10000xi32, #tpu.memory_space<hbm>>
      %dma_wait3A_36 = tpu.memref_squeeze %dma_wait3A_35 : memref<1x10000xi32, #tpu.memory_space<hbm>> -> memref<10000xi32, #tpu.memory_space<hbm>>
      %dma_wait3A_37 = arith.constant 0 : i32
      %dma_wait3A_38 = tpu.memref_slice %arg4[%add3A, %dma_wait3A_37] : memref<32x10000xi32, #tpu.memory_space<hbm>> -> memref<1x10000xi32, #tpu.memory_space<hbm>>
      %dma_wait3A_39 = tpu.memref_squeeze %dma_wait3A_38 : memref<1x10000xi32, #tpu.memory_space<hbm>> -> memref<10000xi32, #tpu.memory_space<hbm>>
      tpu.wait_dma2 semaphore(%run_scoped3A : memref<!tpu.dma_semaphore, #tpu.memory_space<semaphore_mem>>) src(%dma_wait3A_39 : memref<10000xi32, #tpu.memory_space<hbm>>) dst(%arg8 : memref<10000xi32, #tpu.memory_space<vmem>>)
      tpu.yield
    }) : () -> ()
    %dma_start3A = arith.constant 0 : i32
    %dma_start3A_1 = tpu.memref_slice %arg7[%dma_start3A] : memref<10000xi32, #tpu.memory_space<vmem>> -> memref<80xi32, #tpu.memory_space<vmem>>
    %dma_start3A_2 = arith.constant 0 : i32
    %dma_start3A_3 = arith.constant 0 : i32
    %dma_start3A_4 = tpu.memref_slice %arg2[%dma_start3A_2, %dma_start3A_3] : memref<10000x128xf32, #tpu.memory_space<hbm>> -> memref<10000x128xf32, #tpu.memory_space<hbm>>
    tpu.enqueue_indirect_dma source(%dma_start3A_4 : memref<10000x128xf32, #tpu.memory_space<hbm>>) target(%arg9 : memref<80x128xf32, #tpu.memory_space<vmem>>) offsets(%dma_start3A_1 : memref<80xi32, #tpu.memory_space<vmem>>) semaphore(%arg12 : memref<!tpu.dma_semaphore, #tpu.memory_space<semaphore_mem>>)
    %dma_start3A_5 = arith.constant 80 : i32
    %dma_start3A_6 = tpu.memref_slice %arg7[%dma_start3A_5] : memref<10000xi32, #tpu.memory_space<vmem>> -> memref<80xi32, #tpu.memory_space<vmem>>
    %dma_start3A_7 = arith.constant 0 : i32
    %dma_start3A_8 = arith.constant 0 : i32
    %dma_start3A_9 = tpu.memref_slice %arg2[%dma_start3A_7, %dma_start3A_8] : memref<10000x128xf32, #tpu.memory_space<hbm>> -> memref<10000x128xf32, #tpu.memory_space<hbm>>
    tpu.enqueue_indirect_dma source(%dma_start3A_9 : memref<10000x128xf32, #tpu.memory_space<hbm>>) target(%arg10 : memref<80x128xf32, #tpu.memory_space<vmem>>) offsets(%dma_start3A_6 : memref<80xi32, #tpu.memory_space<vmem>>) semaphore(%arg13 : memref<!tpu.dma_semaphore, #tpu.memory_space<semaphore_mem>>)
    %mul3A_10 = arith.constant 632 : i32
    %mul3A_11 = arith.muli %arg1, %mul3A_10 : i32
    %mul3A_12 = arith.constant 632 : i32
    %mul3A_13 = arith.muli %arg1, %mul3A_12 : i32
    "tpu.region"() ({
      %run_scoped3A = tpu.sem_alloc : memref<!tpu.dma_semaphore, #tpu.memory_space<semaphore_mem>>
      %dma_start3A_28 = arith.constant 0 : i32
      %dma_start3A_29 = tpu.memref_slice %arg11[%mul3A_13, %dma_start3A_28] : memref<10112x128xf32, #tpu.memory_space<vmem_shared>> -> memref<632x128xf32, #tpu.memory_space<vmem_shared>>
      %dma_start3A_30 = arith.constant 0 : i32
      %dma_start3A_31 = tpu.memref_slice %arg5[%mul3A_11, %dma_start3A_30] : memref<10112x128xf32, #tpu.memory_space<hbm>> -> memref<632x128xf32, #tpu.memory_space<hbm>>
      tpu.enqueue_dma source(%dma_start3A_31 : memref<632x128xf32, #tpu.memory_space<hbm>>) target(%dma_start3A_29 : memref<632x128xf32, #tpu.memory_space<vmem_shared>>) target_semaphore(%run_scoped3A : memref<!tpu.dma_semaphore, #tpu.memory_space<semaphore_mem>>)
      %dma_wait3A_32 = arith.constant 0 : i32
      %dma_wait3A_33 = tpu.memref_slice %arg11[%mul3A_13, %dma_wait3A_32] : memref<10112x128xf32, #tpu.memory_space<vmem_shared>> -> memref<632x128xf32, #tpu.memory_space<vmem_shared>>
      %dma_wait3A_34 = arith.constant 0 : i32
      %dma_wait3A_35 = tpu.memref_slice %arg5[%mul3A_11, %dma_wait3A_34] : memref<10112x128xf32, #tpu.memory_space<hbm>> -> memref<632x128xf32, #tpu.memory_space<hbm>>
      tpu.wait_dma2 semaphore(%run_scoped3A : memref<!tpu.dma_semaphore, #tpu.memory_space<semaphore_mem>>) src(%dma_wait3A_35 : memref<632x128xf32, #tpu.memory_space<hbm>>) dst(%dma_wait3A_33 : memref<632x128xf32, #tpu.memory_space<vmem_shared>>)
      tpu.yield
    }) : () -> ()
    %barrier3A = arith.constant 0 : index
    tpu.barrier barrier_id(%barrier3A)
    %scan3A = arith.constant 0 : i32
    %scan3A_14 = arith.constant 0 : i32
    %scan3A_15 = arith.constant 62 : i32
    %scan3A_16 = arith.addi %scan3A_14, %scan3A_15 : i32
    %scan3A_17 = arith.constant 1 : i32
    scf.for %scan3A_28 = %scan3A_14 to %scan3A_16 step %scan3A_17  : i32 {
      %mul3A_29 = arith.constant 2 : i32
      %mul3A_30 = arith.muli %scan3A_28, %mul3A_29 : i32
      %add3A_31 = arith.constant 0 : i32
      %add3A_32 = arith.addi %mul3A_30, %add3A_31 : i32
      %mul3A_33 = arith.constant 80 : i32
      %mul3A_34 = arith.muli %add3A_32, %mul3A_33 : i32
      %dma_wait3A_35 = tpu.memref_slice %arg7[%mul3A_34] : memref<10000xi32, #tpu.memory_space<vmem>> -> memref<80xi32, #tpu.memory_space<vmem>>
      %dma_wait3A_36 = arith.constant 0 : i32
      %dma_wait3A_37 = arith.constant 0 : i32
      %dma_wait3A_38 = tpu.memref_slice %arg2[%dma_wait3A_36, %dma_wait3A_37] : memref<10000x128xf32, #tpu.memory_space<hbm>> -> memref<10000x128xf32, #tpu.memory_space<hbm>>
      tpu.wait_indirect_dma semaphore(%arg12 : memref<!tpu.dma_semaphore, #tpu.memory_space<semaphore_mem>>) src(%dma_wait3A_38 : memref<10000x128xf32, #tpu.memory_space<hbm>>) dst(%arg9 : memref<80x128xf32, #tpu.memory_space<vmem>>)
      %mul3A_39 = arith.constant 80 : i32
      %mul3A_40 = arith.muli %add3A_32, %mul3A_39 : i32
      "tpu.region"() ({
        %run_scoped3A = tpu.sem_alloc : memref<!tpu.dma_semaphore, #tpu.memory_space<semaphore_mem>>
        %dma_start3A_64 = tpu.memref_slice %arg8[%mul3A_40] : memref<10000xi32, #tpu.memory_space<vmem>> -> memref<80xi32, #tpu.memory_space<vmem>>
        %dma_start3A_65 = arith.constant 0 : i32
        %dma_start3A_66 = arith.constant 0 : i32
        %dma_start3A_67 = tpu.memref_slice %arg11[%dma_start3A_65, %dma_start3A_66] : memref<10112x128xf32, #tpu.memory_space<vmem_shared>> -> memref<10112x128xf32, #tpu.memory_space<vmem_shared>>
        tpu.enqueue_indirect_dma source(%arg9 : memref<80x128xf32, #tpu.memory_space<vmem>>) target(%dma_start3A_67 : memref<10112x128xf32, #tpu.memory_space<vmem_shared>>) offsets(%dma_start3A_64 : memref<80xi32, #tpu.memory_space<vmem>>) semaphore(%run_scoped3A : memref<!tpu.dma_semaphore, #tpu.memory_space<semaphore_mem>>) {add = true}
        %dma_wait3A_68 = tpu.memref_slice %arg8[%mul3A_40] : memref<10000xi32, #tpu.memory_space<vmem>> -> memref<80xi32, #tpu.memory_space<vmem>>
        %dma_wait3A_69 = arith.constant 0 : i32
        %dma_wait3A_70 = arith.constant 0 : i32
        %dma_wait3A_71 = tpu.memref_slice %arg11[%dma_wait3A_69, %dma_wait3A_70] : memref<10112x128xf32, #tpu.memory_space<vmem_shared>> -> memref<10112x128xf32, #tpu.memory_space<vmem_shared>>
        tpu.wait_indirect_dma semaphore(%run_scoped3A : memref<!tpu.dma_semaphore, #tpu.memory_space<semaphore_mem>>) src(%arg9 : memref<80x128xf32, #tpu.memory_space<vmem>>) dst(%dma_wait3A_71 : memref<10112x128xf32, #tpu.memory_space<vmem_shared>>)
        tpu.yield
      }) : () -> ()
      %add3A_41 = arith.constant 2 : i32
      %add3A_42 = arith.addi %add3A_32, %add3A_41 : i32
      %lt3A = arith.constant 125 : i32
      %lt3A_43 = arith.cmpi slt, %add3A_42, %lt3A : i32
      %convert_element_type3A = arith.extui %lt3A_43 : i1 to i32
      %cond3A = arith.constant 0 : i32
      %cond3A_44 = arith.cmpi ne, %convert_element_type3A, %cond3A : i32
      scf.if %cond3A_44 {
        %mul3A_64 = arith.constant 80 : i32
        %mul3A_65 = arith.muli %add3A_42, %mul3A_64 : i32
        %dma_start3A_66 = tpu.memref_slice %arg7[%mul3A_65] : memref<10000xi32, #tpu.memory_space<vmem>> -> memref<80xi32, #tpu.memory_space<vmem>>
        %dma_start3A_67 = arith.constant 0 : i32
        %dma_start3A_68 = arith.constant 0 : i32
        %dma_start3A_69 = tpu.memref_slice %arg2[%dma_start3A_67, %dma_start3A_68] : memref<10000x128xf32, #tpu.memory_space<hbm>> -> memref<10000x128xf32, #tpu.memory_space<hbm>>
        tpu.enqueue_indirect_dma source(%dma_start3A_69 : memref<10000x128xf32, #tpu.memory_space<hbm>>) target(%arg9 : memref<80x128xf32, #tpu.memory_space<vmem>>) offsets(%dma_start3A_66 : memref<80xi32, #tpu.memory_space<vmem>>) semaphore(%arg12 : memref<!tpu.dma_semaphore, #tpu.memory_space<semaphore_mem>>)
      } else {
      }
      %mul3A_45 = arith.constant 2 : i32
      %mul3A_46 = arith.muli %scan3A_28, %mul3A_45 : i32
      %add3A_47 = arith.constant 1 : i32
      %add3A_48 = arith.addi %mul3A_46, %add3A_47 : i32
      %mul3A_49 = arith.constant 80 : i32
      %mul3A_50 = arith.muli %add3A_48, %mul3A_49 : i32
      %dma_wait3A_51 = tpu.memref_slice %arg7[%mul3A_50] : memref<10000xi32, #tpu.memory_space<vmem>> -> memref<80xi32, #tpu.memory_space<vmem>>
      %dma_wait3A_52 = arith.constant 0 : i32
      %dma_wait3A_53 = arith.constant 0 : i32
      %dma_wait3A_54 = tpu.memref_slice %arg2[%dma_wait3A_52, %dma_wait3A_53] : memref<10000x128xf32, #tpu.memory_space<hbm>> -> memref<10000x128xf32, #tpu.memory_space<hbm>>
      tpu.wait_indirect_dma semaphore(%arg13 : memref<!tpu.dma_semaphore, #tpu.memory_space<semaphore_mem>>) src(%dma_wait3A_54 : memref<10000x128xf32, #tpu.memory_space<hbm>>) dst(%arg10 : memref<80x128xf32, #tpu.memory_space<vmem>>)
      %mul3A_55 = arith.constant 80 : i32
      %mul3A_56 = arith.muli %add3A_48, %mul3A_55 : i32
      "tpu.region"() ({
        %run_scoped3A = tpu.sem_alloc : memref<!tpu.dma_semaphore, #tpu.memory_space<semaphore_mem>>
        %dma_start3A_64 = tpu.memref_slice %arg8[%mul3A_56] : memref<10000xi32, #tpu.memory_space<vmem>> -> memref<80xi32, #tpu.memory_space<vmem>>
        %dma_start3A_65 = arith.constant 0 : i32
        %dma_start3A_66 = arith.constant 0 : i32
        %dma_start3A_67 = tpu.memref_slice %arg11[%dma_start3A_65, %dma_start3A_66] : memref<10112x128xf32, #tpu.memory_space<vmem_shared>> -> memref<10112x128xf32, #tpu.memory_space<vmem_shared>>
        tpu.enqueue_indirect_dma source(%arg10 : memref<80x128xf32, #tpu.memory_space<vmem>>) target(%dma_start3A_67 : memref<10112x128xf32, #tpu.memory_space<vmem_shared>>) offsets(%dma_start3A_64 : memref<80xi32, #tpu.memory_space<vmem>>) semaphore(%run_scoped3A : memref<!tpu.dma_semaphore, #tpu.memory_space<semaphore_mem>>) {add = true}
        %dma_wait3A_68 = tpu.memref_slice %arg8[%mul3A_56] : memref<10000xi32, #tpu.memory_space<vmem>> -> memref<80xi32, #tpu.memory_space<vmem>>
        %dma_wait3A_69 = arith.constant 0 : i32
        %dma_wait3A_70 = arith.constant 0 : i32
        %dma_wait3A_71 = tpu.memref_slice %arg11[%dma_wait3A_69, %dma_wait3A_70] : memref<10112x128xf32, #tpu.memory_space<vmem_shared>> -> memref<10112x128xf32, #tpu.memory_space<vmem_shared>>
        tpu.wait_indirect_dma semaphore(%run_scoped3A : memref<!tpu.dma_semaphore, #tpu.memory_space<semaphore_mem>>) src(%arg10 : memref<80x128xf32, #tpu.memory_space<vmem>>) dst(%dma_wait3A_71 : memref<10112x128xf32, #tpu.memory_space<vmem_shared>>)
        tpu.yield
      }) : () -> ()
      %add3A_57 = arith.constant 2 : i32
      %add3A_58 = arith.addi %add3A_48, %add3A_57 : i32
      %lt3A_59 = arith.constant 125 : i32
      %lt3A_60 = arith.cmpi slt, %add3A_58, %lt3A_59 : i32
      %convert_element_type3A_61 = arith.extui %lt3A_60 : i1 to i32
      %cond3A_62 = arith.constant 0 : i32
      %cond3A_63 = arith.cmpi ne, %convert_element_type3A_61, %cond3A_62 : i32
      scf.if %cond3A_63 {
        %mul3A_64 = arith.constant 80 : i32
        %mul3A_65 = arith.muli %add3A_58, %mul3A_64 : i32
        %dma_start3A_66 = tpu.memref_slice %arg7[%mul3A_65] : memref<10000xi32, #tpu.memory_space<vmem>> -> memref<80xi32, #tpu.memory_space<vmem>>
        %dma_start3A_67 = arith.constant 0 : i32
        %dma_start3A_68 = arith.constant 0 : i32
        %dma_start3A_69 = tpu.memref_slice %arg2[%dma_start3A_67, %dma_start3A_68] : memref<10000x128xf32, #tpu.memory_space<hbm>> -> memref<10000x128xf32, #tpu.memory_space<hbm>>
        tpu.enqueue_indirect_dma source(%dma_start3A_69 : memref<10000x128xf32, #tpu.memory_space<hbm>>) target(%arg10 : memref<80x128xf32, #tpu.memory_space<vmem>>) offsets(%dma_start3A_66 : memref<80xi32, #tpu.memory_space<vmem>>) semaphore(%arg13 : memref<!tpu.dma_semaphore, #tpu.memory_space<semaphore_mem>>)
      } else {
      }
    }
    %scan3A_18 = arith.constant 62 : i32
    %dma_wait3A = arith.constant 9920 : i32
    %dma_wait3A_19 = tpu.memref_slice %arg7[%dma_wait3A] : memref<10000xi32, #tpu.memory_space<vmem>> -> memref<80xi32, #tpu.memory_space<vmem>>
    %dma_wait3A_20 = arith.constant 0 : i32
    %dma_wait3A_21 = arith.constant 0 : i32
    %dma_wait3A_22 = tpu.memref_slice %arg2[%dma_wait3A_20, %dma_wait3A_21] : memref<10000x128xf32, #tpu.memory_space<hbm>> -> memref<10000x128xf32, #tpu.memory_space<hbm>>
    tpu.wait_indirect_dma semaphore(%arg12 : memref<!tpu.dma_semaphore, #tpu.memory_space<semaphore_mem>>) src(%dma_wait3A_22 : memref<10000x128xf32, #tpu.memory_space<hbm>>) dst(%arg9 : memref<80x128xf32, #tpu.memory_space<vmem>>)
    "tpu.region"() ({
      %run_scoped3A = tpu.sem_alloc : memref<!tpu.dma_semaphore, #tpu.memory_space<semaphore_mem>>
      %dma_start3A_28 = arith.constant 9920 : i32
      %dma_start3A_29 = tpu.memref_slice %arg8[%dma_start3A_28] : memref<10000xi32, #tpu.memory_space<vmem>> -> memref<80xi32, #tpu.memory_space<vmem>>
      %dma_start3A_30 = arith.constant 0 : i32
      %dma_start3A_31 = arith.constant 0 : i32
      %dma_start3A_32 = tpu.memref_slice %arg11[%dma_start3A_30, %dma_start3A_31] : memref<10112x128xf32, #tpu.memory_space<vmem_shared>> -> memref<10112x128xf32, #tpu.memory_space<vmem_shared>>
      tpu.enqueue_indirect_dma source(%arg9 : memref<80x128xf32, #tpu.memory_space<vmem>>) target(%dma_start3A_32 : memref<10112x128xf32, #tpu.memory_space<vmem_shared>>) offsets(%dma_start3A_29 : memref<80xi32, #tpu.memory_space<vmem>>) semaphore(%run_scoped3A : memref<!tpu.dma_semaphore, #tpu.memory_space<semaphore_mem>>) {add = true}
      %dma_wait3A_33 = arith.constant 9920 : i32
      %dma_wait3A_34 = tpu.memref_slice %arg8[%dma_wait3A_33] : memref<10000xi32, #tpu.memory_space<vmem>> -> memref<80xi32, #tpu.memory_space<vmem>>
      %dma_wait3A_35 = arith.constant 0 : i32
      %dma_wait3A_36 = arith.constant 0 : i32
      %dma_wait3A_37 = tpu.memref_slice %arg11[%dma_wait3A_35, %dma_wait3A_36] : memref<10112x128xf32, #tpu.memory_space<vmem_shared>> -> memref<10112x128xf32, #tpu.memory_space<vmem_shared>>
      tpu.wait_indirect_dma semaphore(%run_scoped3A : memref<!tpu.dma_semaphore, #tpu.memory_space<semaphore_mem>>) src(%arg9 : memref<80x128xf32, #tpu.memory_space<vmem>>) dst(%dma_wait3A_37 : memref<10112x128xf32, #tpu.memory_space<vmem_shared>>)
      tpu.yield
    }) : () -> ()
    %barrier3A_23 = arith.constant 0 : index
    tpu.barrier barrier_id(%barrier3A_23)
    %mul3A_24 = arith.constant 632 : i32
    %mul3A_25 = arith.muli %arg1, %mul3A_24 : i32
    %mul3A_26 = arith.constant 632 : i32
    %mul3A_27 = arith.muli %arg1, %mul3A_26 : i32
    "tpu.region"() ({
      %run_scoped3A = tpu.sem_alloc : memref<!tpu.dma_semaphore, #tpu.memory_space<semaphore_mem>>
      %dma_start3A_28 = arith.constant 0 : i32
      %dma_start3A_29 = arith.constant 0 : i32
      %dma_start3A_30 = tpu.memref_slice %arg6[%arg0, %dma_start3A_28, %dma_start3A_29] : memref<2x10112x128xf32, #tpu.memory_space<hbm>> -> memref<1x10112x128xf32, #tpu.memory_space<hbm>>
      %dma_start3A_31 = tpu.memref_squeeze %dma_start3A_30 : memref<1x10112x128xf32, #tpu.memory_space<hbm>> -> memref<10112x128xf32, #tpu.memory_space<hbm>>
      %dma_start3A_32 = arith.constant 0 : i32
      %dma_start3A_33 = tpu.memref_slice %dma_start3A_31[%mul3A_27, %dma_start3A_32] : memref<10112x128xf32, #tpu.memory_space<hbm>> -> memref<632x128xf32, #tpu.memory_space<hbm>>
      %dma_start3A_34 = arith.constant 0 : i32
      %dma_start3A_35 = tpu.memref_slice %arg11[%mul3A_25, %dma_start3A_34] : memref<10112x128xf32, #tpu.memory_space<vmem_shared>> -> memref<632x128xf32, #tpu.memory_space<vmem_shared>>
      tpu.enqueue_dma source(%dma_start3A_35 : memref<632x128xf32, #tpu.memory_space<vmem_shared>>) target(%dma_start3A_33 : memref<632x128xf32, #tpu.memory_space<hbm>>) target_semaphore(%run_scoped3A : memref<!tpu.dma_semaphore, #tpu.memory_space<semaphore_mem>>)
      %dma_wait3A_36 = arith.constant 0 : i32
      %dma_wait3A_37 = arith.constant 0 : i32
      %dma_wait3A_38 = tpu.memref_slice %arg6[%arg0, %dma_wait3A_36, %dma_wait3A_37] : memref<2x10112x128xf32, #tpu.memory_space<hbm>> -> memref<1x10112x128xf32, #tpu.memory_space<hbm>>
      %dma_wait3A_39 = tpu.memref_squeeze %dma_wait3A_38 : memref<1x10112x128xf32, #tpu.memory_space<hbm>> -> memref<10112x128xf32, #tpu.memory_space<hbm>>
      %dma_wait3A_40 = arith.constant 0 : i32
      %dma_wait3A_41 = tpu.memref_slice %dma_wait3A_39[%mul3A_27, %dma_wait3A_40] : memref<10112x128xf32, #tpu.memory_space<hbm>> -> memref<632x128xf32, #tpu.memory_space<hbm>>
      %dma_wait3A_42 = arith.constant 0 : i32
      %dma_wait3A_43 = tpu.memref_slice %arg11[%mul3A_25, %dma_wait3A_42] : memref<10112x128xf32, #tpu.memory_space<vmem_shared>> -> memref<632x128xf32, #tpu.memory_space<vmem_shared>>
      tpu.wait_dma2 semaphore(%run_scoped3A : memref<!tpu.dma_semaphore, #tpu.memory_space<semaphore_mem>>) src(%dma_wait3A_43 : memref<632x128xf32, #tpu.memory_space<vmem_shared>>) dst(%dma_wait3A_41 : memref<632x128xf32, #tpu.memory_space<hbm>>)
      tpu.yield
    }) : () -> ()
    return
  }
}

module attributes {stable_mosaic.version = 14 : i64} {
  func.func @_mm1_body(%arg0: memref<10000x128xf32, #tpu.memory_space<vmem>>, %arg1: memref<128x128xf32, #tpu.memory_space<vmem>>, %arg2: memref<32x10112xf32, #tpu.memory_space<vmem>>, %arg3: memref<10000x128xf32, #tpu.memory_space<vmem>>, %arg4: memref<10000x1xf32, #tpu.memory_space<vmem>>, %arg5: memref<10000x1xf32, #tpu.memory_space<vmem>>) attributes {dimension_semantics = [], scalar_prefetch = 0 : i64, scratch_operands = 0 : i64, tpu.core_type = #tpu.core_type<tc>} {
    %get3A = arith.constant 0 : index
    %get3A_0 = arith.constant 0 : index
    %get3A_1 = vector.load %arg2[%get3A, %get3A_0] : memref<32x10112xf32, #tpu.memory_space<vmem>>, vector<32x10112xf32>
    %reduce_sum3A = arith.constant dense<0.000000e+00> : vector<10112xf32>
    %reduce_sum3A_2 = vector.multi_reduction <add>, %get3A_1, %reduce_sum3A [0] : vector<32x10112xf32> to vector<10112xf32>
    %slice3A = vector.extract_strided_slice %reduce_sum3A_2 {offsets = [0], sizes = [10000], strides = [1]} : vector<10112xf32> to vector<10000xf32>
    %broadcast_in_dim3A = vector.shape_cast %slice3A : vector<10000xf32> to vector<10000x1xf32>
    %add3A = arith.constant 1.000000e+00 : f32
    %add3A_3 = vector.broadcast %add3A : f32 to vector<10000x1xf32>
    %add3A_4 = arith.addf %broadcast_in_dim3A, %add3A_3 : vector<10000x1xf32>
    %rsqrt3A = math.rsqrt %add3A_4 : vector<10000x1xf32>
    %gt3A = arith.constant 0.000000e+00 : f32
    %gt3A_5 = vector.broadcast %gt3A : f32 to vector<10000x1xf32>
    %gt3A_6 = arith.cmpf ogt, %broadcast_in_dim3A, %gt3A_5 : vector<10000x1xf32>
    %rsqrt3A_7 = math.rsqrt %broadcast_in_dim3A : vector<10000x1xf32>
    %jit3A = arith.constant 0.000000e+00 : f32
    %broadcast_in_dim3A_8 = vector.broadcast %jit3A : f32 to vector<10000x1xf32>
    %select_n3A = arith.select %gt3A_6, %rsqrt3A_7, %broadcast_in_dim3A_8 : vector<10000x1xi1>, vector<10000x1xf32>
    %swap3A = arith.constant 0 : index
    %swap3A_9 = arith.constant 0 : index
    %swap3A_10 = vector.load %arg4[%swap3A, %swap3A_9] : memref<10000x1xf32, #tpu.memory_space<vmem>>, vector<10000x1xf32>
    tpu.vector_store %arg4[%swap3A, %swap3A_9], %rsqrt3A {strides = array<i32>} : memref<10000x1xf32, #tpu.memory_space<vmem>>, vector<10000x1xf32>,
    %swap3A_11 = arith.constant 0 : index
    %swap3A_12 = arith.constant 0 : index
    %swap3A_13 = vector.load %arg5[%swap3A_11, %swap3A_12] : memref<10000x1xf32, #tpu.memory_space<vmem>>, vector<10000x1xf32>
    tpu.vector_store %arg5[%swap3A_11, %swap3A_12], %select_n3A {strides = array<i32>} : memref<10000x1xf32, #tpu.memory_space<vmem>>, vector<10000x1xf32>,
    %get3A_14 = arith.constant 0 : index
    %get3A_15 = arith.constant 0 : index
    %get3A_16 = vector.load %arg0[%get3A_14, %get3A_15] : memref<10000x128xf32, #tpu.memory_space<vmem>>, vector<10000x128xf32>
    %get3A_17 = arith.constant 0 : index
    %get3A_18 = arith.constant 0 : index
    %get3A_19 = vector.load %arg1[%get3A_17, %get3A_18] : memref<128x128xf32, #tpu.memory_space<vmem>>, vector<128x128xf32>
    %dot_general3A = arith.constant dense<0.000000e+00> : vector<10000x128xf32>
    %dot_general3A_20 = tpu.matmul %get3A_16, %get3A_19, %dot_general3A {dimension_numbers = #tpu.dot_dimension_numbers<[1], [0], [0], [1], [0, 0, 1, 1], [], []>, transpose_lhs_hint = false} : vector<10000x128xf32>, vector<128x128xf32>, vector<10000x128xf32> -> vector<10000x128xf32>
    %mul3A = vector.broadcast %rsqrt3A : vector<10000x1xf32> to vector<10000x128xf32>
    %mul3A_21 = arith.mulf %dot_general3A_20, %mul3A : vector<10000x128xf32>
    %swap3A_22 = arith.constant 0 : index
    %swap3A_23 = arith.constant 0 : index
    %swap3A_24 = vector.load %arg3[%swap3A_22, %swap3A_23] : memref<10000x128xf32, #tpu.memory_space<vmem>>, vector<10000x128xf32>
    tpu.vector_store %arg3[%swap3A_22, %swap3A_23], %mul3A_21 {strides = array<i32>} : memref<10000x128xf32, #tpu.memory_space<vmem>>, vector<10000x128xf32>,
    return
  }
}

module attributes {stable_mosaic.version = 14 : i64} {
  func.func @_mid_body(%arg0: memref<10000x128xf32, #tpu.memory_space<vmem>>, %arg1: memref<10000x128xf32, #tpu.memory_space<vmem>>, %arg2: memref<10000x128xf32, #tpu.memory_space<vmem>>, %arg3: memref<10000x1xf32, #tpu.memory_space<vmem>>, %arg4: memref<1x128xf32, #tpu.memory_space<vmem>>, %arg5: memref<128x64xf32, #tpu.memory_space<vmem>>, %arg6: memref<10000x1xf32, #tpu.memory_space<vmem>>, %arg7: memref<10000x1xf32, #tpu.memory_space<vmem>>, %arg8: memref<10000x64xf32, #tpu.memory_space<vmem>>, %arg9: memref<10000x128xf32, #tpu.memory_space<vmem>>) attributes {dimension_semantics = [], scalar_prefetch = 0 : i64, scratch_operands = 0 : i64, tpu.core_type = #tpu.core_type<tc>} {
    %get3A = arith.constant 0 : index
    %get3A_0 = arith.constant 0 : index
    %get3A_1 = vector.load %arg0[%get3A, %get3A_0] : memref<10000x128xf32, #tpu.memory_space<vmem>>, vector<10000x128xf32>
    %get3A_2 = arith.constant 0 : index
    %get3A_3 = arith.constant 0 : index
    %get3A_4 = vector.load %arg1[%get3A_2, %get3A_3] : memref<10000x128xf32, #tpu.memory_space<vmem>>, vector<10000x128xf32>
    %add3A = arith.addf %get3A_1, %get3A_4 : vector<10000x128xf32>
    %get3A_5 = arith.constant 0 : index
    %get3A_6 = arith.constant 0 : index
    %get3A_7 = vector.load %arg2[%get3A_5, %get3A_6] : memref<10000x128xf32, #tpu.memory_space<vmem>>, vector<10000x128xf32>
    %add3A_8 = arith.addf %add3A, %get3A_7 : vector<10000x128xf32>
    %get3A_9 = arith.constant 0 : index
    %get3A_10 = arith.constant 0 : index
    %get3A_11 = vector.load %arg3[%get3A_9, %get3A_10] : memref<10000x1xf32, #tpu.memory_space<vmem>>, vector<10000x1xf32>
    %mul3A = vector.broadcast %get3A_11 : vector<10000x1xf32> to vector<10000x128xf32>
    %mul3A_12 = arith.mulf %add3A_8, %mul3A : vector<10000x128xf32>
    %get3A_13 = arith.constant 0 : index
    %get3A_14 = arith.constant 0 : index
    %get3A_15 = vector.load %arg4[%get3A_13, %get3A_14] : memref<1x128xf32, #tpu.memory_space<vmem>>, vector<1x128xf32>
    %add3A_16 = vector.broadcast %get3A_15 : vector<1x128xf32> to vector<10000x128xf32>
    %add3A_17 = arith.addf %mul3A_12, %add3A_16 : vector<10000x128xf32>
    %max3A = arith.constant 0.000000e+00 : f32
    %max3A_18 = vector.broadcast %max3A : f32 to vector<10000x128xf32>
    %max3A_19 = arith.maximumf %add3A_17, %max3A_18 : vector<10000x128xf32>
    %get3A_20 = arith.constant 0 : index
    %get3A_21 = arith.constant 0 : index
    %get3A_22 = vector.load %arg5[%get3A_20, %get3A_21] : memref<128x64xf32, #tpu.memory_space<vmem>>, vector<128x64xf32>
    %dot_general3A = arith.constant dense<0.000000e+00> : vector<10000x64xf32>
    %dot_general3A_23 = tpu.matmul %max3A_19, %get3A_22, %dot_general3A {dimension_numbers = #tpu.dot_dimension_numbers<[1], [0], [0], [1], [0, 0, 1, 1], [], []>, transpose_lhs_hint = false} : vector<10000x128xf32>, vector<128x64xf32>, vector<10000x64xf32> -> vector<10000x64xf32>
    %get3A_24 = arith.constant 0 : index
    %get3A_25 = arith.constant 0 : index
    %get3A_26 = vector.load %arg3[%get3A_24, %get3A_25] : memref<10000x1xf32, #tpu.memory_space<vmem>>, vector<10000x1xf32>
    %mul3A_27 = vector.broadcast %get3A_26 : vector<10000x1xf32> to vector<10000x64xf32>
    %mul3A_28 = arith.mulf %dot_general3A_23, %mul3A_27 : vector<10000x64xf32>
    %swap3A = arith.constant 0 : index
    %swap3A_29 = arith.constant 0 : index
    %swap3A_30 = vector.load %arg9[%swap3A, %swap3A_29] : memref<10000x128xf32, #tpu.memory_space<vmem>>, vector<10000x64xf32>
    tpu.vector_store %arg9[%swap3A, %swap3A_29], %mul3A_28 {strides = array<i32>} : memref<10000x128xf32, #tpu.memory_space<vmem>>, vector<10000x64xf32>,
    %get3A_31 = arith.constant 0 : index
    %get3A_32 = arith.constant 0 : index
    %get3A_33 = vector.load %arg7[%get3A_31, %get3A_32] : memref<10000x1xf32, #tpu.memory_space<vmem>>, vector<10000x1xf32>
    %get3A_34 = arith.constant 0 : index
    %get3A_35 = arith.constant 0 : index
    %get3A_36 = vector.load %arg6[%get3A_34, %get3A_35] : memref<10000x1xf32, #tpu.memory_space<vmem>>, vector<10000x1xf32>
    %mul3A_37 = arith.mulf %get3A_33, %get3A_36 : vector<10000x1xf32>
    %get3A_38 = arith.constant 0 : index
    %get3A_39 = arith.constant 0 : index
    %get3A_40 = vector.load %arg8[%get3A_38, %get3A_39] : memref<10000x64xf32, #tpu.memory_space<vmem>>, vector<10000x64xf32>
    %mul3A_41 = vector.broadcast %mul3A_37 : vector<10000x1xf32> to vector<10000x64xf32>
    %mul3A_42 = arith.mulf %mul3A_41, %get3A_40 : vector<10000x64xf32>
    %swap3A_43 = arith.constant 0 : index
    %swap3A_44 = arith.constant 64 : index
    %swap3A_45 = vector.load %arg9[%swap3A_43, %swap3A_44] : memref<10000x128xf32, #tpu.memory_space<vmem>>, vector<10000x64xf32>
    tpu.vector_store %arg9[%swap3A_43, %swap3A_44], %mul3A_42 {strides = array<i32>} : memref<10000x128xf32, #tpu.memory_space<vmem>>, vector<10000x64xf32>,
    return
  }
}

</mosaic_0001>

<sc_bundles>
// kernel: kernel.12.cloned.1.call-start
scs
__scs_entry_jumppad:
0x0: {  	(pc) =	sbr.rel $0x88, $3  }
0x1: {  	(tag) =	ssettag $0x0;
	lr =	simm.s32 $0x1  }
0x2: {  	[smem:$0x3F98] =	sst lr;
	_ =	strace $0xD0000000  }
0x3: {  	_ = 	snop  }
0x4: {  	_ = 	snop  }
0x5: {  	_ = 	snop  }
0x6: {  	_ = 	snop  }
0x7: {  	_ = 	snop  }
__scs_overlays_trampoline_lowered:
0x8: {  	[smem:$0x3FA7] =	sst s0  }
0x9: {  	[smem:$0x3FA8] =	sst s1  }
0xa: {  	[smem:$0x3FA9] =	sst s2  }
0xb: {  	[smem:$0x3FAA] =	sst s3  }
0xc: {  	[smem:$0x3FAB] =	sst s4  }
0xd: {  	[smem:$0x3FAC] =	sst s5  }
0xe: {  	[smem:$0x3FAD] =	sst s6  }
0xf: {  	[smem:$0x3FAE] =	sst s7  }
0x10: {  	[smem:$0x3FAF] =	sst s8  }
0x11: {  	[smem:$0x3FB0] =	sst s9;
	s0 =	simm.s32 @!p0 $0x0  }
0x12: {  	s1 =	sld [smem:$0x3F96];
	s0 =	simm.s32 @p0 $0x1  }
0x13: {  	[smem:$0x3FB1] =	sst s0;
	s0 =	simm.s32 @!p1 $0x0  }
0x14: {  	s2 =	sld [smem:$0x3F95];
	s0 =	simm.s32 @p1 $0x1  }
0x15: {  	[smem:$0x3FB2] =	sst s0;
	s0 =	simm.s32 @!p2 $0x0  }
0x16: {  	s3 =	sld [smem:$0x3FDB];
	s0 =	simm.s32 @p2 $0x1  }
0x17: {  	s4 =	simm.s32 $0x1BF5;
	[smem:$0x3FB4] =	sst s0  }
0x18: {  	s0 =	sld [smem:$0x3F97];
	_ =	swait.ge [sflag:s4], $0x0  }
0x19: {  	s7 =	sld [smem:$0x3F98]  }
0x1a: {  	s8 =	sadd.s32 $0xFFFFE003, lr  }
0x1b: {  	s9 =	sadd.s32 $0xFFFFFEF7, lr;
	s5 =	simm.s32 $0xFFFFFFFF;
	p2 =	slt.u32 s8, $0xFFFFF086  }
0x1c: {  	p1 =	slt.u32 s9, $0xF7A;
	s5 =	simm.s32 @!p2 $0x0  }
0x1d: {  	s5 =	simm.s32 @p1 $0x1;
	p0 =	seq.s32 s7, s2  }
0x1e: {  	s7 =	smul.u32 @!p0 $0xF7A, s2;
	p2 =	seq.s32 @!p0 s5, $0x0  }
0x1f: {  	s9 =	smul.u32 $0xF7A, s1;
	s8 =	simm.s32 @!p0 $0x1BF5;
	p2 =	por !p2, p0  }
0x20: {  	[sflag:s8] =	ssyncset.s32 @!p0 $0xFFFFF086;
	s6 =	sadd.s32 @!p0 s3, s7;
	s7 =	simm.s32 @!p0 $0x108  }
0x21: {  	s3 =	sadd.s32 s3, s9;
	s6 =	sadd.s32 @!p0 $0x88, s6;
	s7 =	simm.s32 @p2 $0x1082  }
0x22: {  	[simem:s7], [sflag:s8] =	dma.local @!p0 [hbm:s6], $0xF7A  }
0x23: {  	s9 =	sor.u32 $0xD0000000, s2;
	s6 =	simm.s32 $0x108;
	_ =	swait.ge @!p0 [sflag:s8], $0x0  }
0x24: {  	s3 =	sadd.s32 $0x88, s3;
	s6 =	simm.s32 @!p1 $0x1082;
	[sflag:s4] =	ssyncset.s32 $0xFFFFF086  }
0x25: {  	[simem:s6], [sflag:s4] =	dma.local [hbm:s3], $0xF7A  }
0x26: {  	[smem:$0x3F98] =	sst s1;
	(tag) =	ssettag s2;
	_ =	strace s9  }
0x27: {  	s1 =	sld [smem:$0x3FA8]  }
0x28: {  	s2 =	sld [smem:$0x3FA9]  }
0x29: {  	s4 =	sld [smem:$0x3FAB]  }
0x2a: {  	p0 =	seq.s32 s5, $0x0;
	s5 =	sld [smem:$0x3FAC]  }
0x2b: {  	s6 =	sld [smem:$0x3FAD]  }
0x2c: {  	s7 =	sld [smem:$0x3FAE]  }
0x2d: {  	s3 =	simm.s32 $0x108;
	s8 =	sld [smem:$0x3FAF]  }
0x2e: {  	s3 =	simm.s32 @!p0 $0x1082;
	s9 =	sld [smem:$0x3FB0]  }
0x2f: {  	lr =	sadd.s32 s0, s3;
	s0 =	sld [smem:$0x3FA7]  }
0x30: {  	s3 =	sld [smem:$0x3FAA]  }
0x31: {  	[smem:$0x3FB3] =	sst s10  }
0x32: {  	s10 =	sld [smem:$0x3FB1];
	_ =	sdelay $0x3  }
0x33: {  	p0 =	seq.s32 s10, $0x1;
	s10 =	sld [smem:$0x3FB3];
	_ =	sdelay $0x3  }
0x34: {  	[smem:$0x3FB3] =	sst s10  }
0x35: {  	s10 =	sld [smem:$0x3FB2];
	_ =	sdelay $0x3  }
0x36: {  	p1 =	seq.s32 s10, $0x1;
	s10 =	sld [smem:$0x3FB3];
	_ =	sdelay $0x3  }
0x37: {  	[smem:$0x3FB3] =	sst s10  }
0x38: {  	s10 =	sld [smem:$0x3FB4]  }
0x39: {  	_ = 	snop;
	(pc) =	sbr.ind lr, $3  }
0x3a: {  	_ = 	snop  }
0x3b: {  	_ = 	snop  }
0x3c: {  	p2 =	seq.s32 s10, $0x1;
	s10 =	sld [smem:$0x3FB3]  }
0x3d: {  	_ =	shalt  }
0x3e: {  	_ =	shalt  }
0x3f: {  	_ =	shalt  }
0x40: {  	_ =	shalt  }
0x41: {  	_ =	shalt  }
0x42: {  	_ =	shalt  }
0x43: {  	_ =	shalt  }
0x44: {  	_ =	shalt  }
0x45: {  	_ =	shalt  }
0x46: {  	_ =	shalt  }
0x47: {  	_ =	shalt  }
0x48: {  	_ =	shalt  }
0x49: {  	_ =	shalt  }
0x4a: {  	_ =	shalt  }
0x4b: {  	_ =	shalt  }
0x4c: {  	_ =	shalt  }
0x4d: {  	_ =	shalt  }
0x4e: {  	_ =	shalt  }
0x4f: {  	_ =	shalt  }
0x50: {  	_ =	shalt  }
0x51: {  	_ =	shalt  }
0x52: {  	_ =	shalt  }
0x53: {  	_ =	shalt  }
0x54: {  	_ =	shalt  }
0x55: {  	_ =	shalt  }
0x56: {  	_ =	shalt  }
0x57: {  	_ =	shalt  }
0x58: {  	_ =	shalt  }
0x59: {  	_ =	shalt  }
0x5a: {  	_ =	shalt  }
0x5b: {  	_ =	shalt  }
0x5c: {  	_ =	shalt  }
0x5d: {  	_ =	shalt  }
0x5e: {  	_ =	shalt  }
0x5f: {  	_ =	shalt  }
0x60: {  	_ =	shalt  }
0x61: {  	_ =	shalt  }
0x62: {  	_ =	shalt  }
0x63: {  	_ =	shalt  }
0x64: {  	_ =	shalt  }
0x65: {  	_ =	shalt  }
0x66: {  	_ =	shalt  }
0x67: {  	_ =	shalt  }
0x68: {  	_ =	shalt  }
0x69: {  	_ =	shalt  }
0x6a: {  	_ =	shalt  }
0x6b: {  	_ =	shalt  }
0x6c: {  	_ =	shalt  }
0x6d: {  	_ =	shalt  }
0x6e: {  	_ =	shalt  }
0x6f: {  	_ =	shalt  }
0x70: {  	_ =	shalt  }
0x71: {  	_ =	shalt  }
0x72: {  	_ =	shalt  }
0x73: {  	_ =	shalt  }
0x74: {  	_ =	shalt  }
0x75: {  	_ =	shalt  }
0x76: {  	_ =	shalt  }
0x77: {  	_ =	shalt  }
0x78: {  	_ =	shalt  }
0x79: {  	_ =	shalt  }
0x7a: {  	_ =	shalt  }
0x7b: {  	_ =	shalt  }
0x7c: {  	_ =	shalt  }
0x7d: {  	_ =	shalt  }
0x7e: {  	_ =	shalt  }
0x7f: {  	_ =	shalt  }
0x80: {  	_ =	shalt  }
0x81: {  	_ =	shalt  }
0x82: {  	_ =	shalt  }
0x83: {  	_ =	shalt  }
0x84: {  	_ =	shalt  }
0x85: {  	_ =	shalt  }
0x86: {  	_ =	shalt  }
0x87: {  	_ =	shalt  }
.Lfunc_end0:
.L_simem_size_0:
called_computation.1_lowered:
.L_overlay_start_0:
0x88: {  	s2 =	sld [smem:$0x3FD9]  }
0x89: {  	s3 =	sld [smem:$0x3FFE];
	_ =	sdelay $0x1  }
0x8a: {  	s1 =	srdreg.scid  }
0x8b: {  	s0 =	sand.u32 $0x1, s1  }
0x8c: {  	s14 =	sshll.u32 s0, $0xA;
	s2 =	sadd.s32 s3, s2  }
0x8d: {  	s2 =	sadd.s32 s2, s14  }
0x8e: {  	[smem:$0x3FBF] =	sst s2  }
0x8f: {  	_ = 	snop  }
0x90: {  	s2 =	sld [smem:$0x3FD0];
	_ =	sdelay $0x2  }
0x91: {  	s15 =	simm.s32 $0xA;
	s4 =	simm.s32 $0x10  }
0x92: {  	[smem:s4], [sflag:s15] =	dma.local [hbm:s2], $0x1  }
0x93: {  	_ =	swait.eq [sflag:s15], $0x1  }
0x94: {  	[sflag:s15] =	ssyncset.done $0x0  }
0x95: {  	[sflag:s15] =	ssyncadd.s32 $0xFFFFFFFF  }
0x96: {  	s16 =	sld [smem:$0x11];
	(tm) =	ssettm $0x1  }
0x97: {  	s17 =	sld [smem:$0x3FFB];
	_ =	sdelay $0x3  }
0x98: {  	_ =	strace s17  }
0x99: {  	s3 =	sld [smem:$0x3FFC];
	_ =	sdelay $0x3  }
0x9a: {  	_ =	strace s3  }
0x9b: {  	s3 =	sld [smem:$0x3FFD];
	_ =	sdelay $0x3  }
0x9c: {  	_ =	strace s3  }
0x9d: {  	_ =	strace $0x8FFFFFFF  }
0x9e: {  	s18 =	sld [smem:$0x3FDB];
	_ =	sdelay $0x1  }
0x9f: {  	s19 =	simm.s32 $_scs_section_size  }
0xa0: {  	s5 =	simm.s32 $_size__tile_overlayer_lowered;
	s6 =	simm.s32 $_tile_overlayer_lowered  }
0xa1: {  	s22 =	simm.s32 $0x1BFF;
	s21 =	sshll.u32 s6, $0x1;
	s3 =	sadd.s32 s19, s18  }
0xa2: {  	s7 =	simm.s32 $0x0;
	s20 =	sshll.u32 s5, $0x1;
	s5 =	sadd.s32 s21, s3  }
0xa3: {  	[timem:s7], [sflag:s22] =	dma.local [hbm:s5], s20  }
0xa4: {  	_ =	swait.ge [sflag:s22], s20  }
0xa5: {  	s4 =	ssub.s32 $0x0, s20;
	[sflag:s22] =	ssyncset.done $0x0  }
0xa6: {  	[sflag:s22] =	ssyncadd.s32 s4;
	_ =	sdelay $0x1  }
0xa7: {  	s23 =	simm.s32 $0x1B8B  }
0xa8: {  	_ =	swait.ge [sflag:s23], $0x1  }
0xa9: {  	[sflag:s23] =	ssyncset.done $0x0  }
0xaa: {  	s25 =	simm.s32 $0x1B8E;
	s24 =	sld [smem:$0x3FFE];
	[sflag:s23] =	ssyncadd.s32 $0xFFFFFFFF  }
0xab: {  	s26 =	simm.s32 $execute0_lowered;
	[smem:$0x3FD2] =	sst s25  }
0xac: {  	s5 =	sshll.u32 s26, $0x1;
	_ =	strace $0x80000049;
	[dreg:$0x1] =	wrdreg $0xFFFFFFFF  }
0xad: {  	s28 =	simm.s32 $_size_execute0_lowered;
	s3 =	sadd.s32 s3, s5;
	[dreg:$0x0] =	wrdreg $0x0  }
0xae: {  	s5 =	sshll.u32 s28, $0x1;
	[dreg:$0x2] =	wrdreg s3  }
0xaf: {  	[dreg:$0x3] =	wrdreg s5  }
0xb0: {  	[dreg:$0x4] =	wrdreg $0xC0  }
0xb1: {  	_ =	task [dreg:s7], $0x5FFFF  }
0xb2: {  	[dreg:$0x1] =	wrdreg $0xFFFFFFFF  }
0xb3: {  	[dreg:$0x0] =	wrdreg $0x60  }
0xb4: {  	[dreg:$0x2] =	wrdreg s24  }
0xb5: {  	[dreg:$0x3] =	wrdreg s16  }
0xb6: {  	[dreg:$0x4] =	wrdreg $0x9F000  }
0xb7: {  	[dreg:$0x5] =	wrdreg $0x9  }
0xb8: {  	_ =	task.clear_ibuf [dreg:s7], $0x6FFFF;
	_ =	strace $0x90000049  }
0xb9: {  	s29 =	simm.s32 $0x9;
	_ =	strace $0x8000004B  }
0xba: {  	_ =	swait.ge [sflag:s29], $0x1  }
0xbb: {  	[sflag:s29] =	ssyncadd.s32 $0xFFFFFFFF  }
0xbc: {  	_ =	strace $0x9000004B  }
0xbd: {  	_ =	sfence  }
0xbe: {  	s30 =	sld [smem:$0x0];
	_ =	sdelay $0x2  }
0xbf: {  	s31 =	sshll.u32 s1, $0xD;
	s1 =	sshrl.u32 s1, $0x2  }
0xc0: {  	s3 =	sand.u32 $0x4000, s31;
	s1 =	sadd.s32 s1, s30  }
0xc1: {  	s0 =	sor.u32 s3, s0;
	s1 =	sshll.u32 s1, $0x11  }
0xc2: {  	s0 =	sor.u32 s1, s0  }
0xc3: {  	s0 =	sadd.s32 $0x8F2B, s0  }
0xc4: {  	[sflag:s0] =	ssyncadd.remote.s32 $0x1  }
0xc5: {  	_ =	sfence.sel $0xFFFF  }
0xc6: {  	[dreg:$0x0] =	wrdreg $0xFFFFFFFF;
	(pc) =	sbr.abs _section_cstart, $3  }
0xc7: {  	[dreg:$0x1] =	wrdreg $0xFFFFFFFF  }
0xc8: {  	_ =	task.clear_ibuf [dreg:s7], $0x2FFFF;
	_ =	strace $0x9FFFFFFF  }
0xc9: {  	(tm) =	ssettm $0x7FFFFFFF  }
tec
execute0_lowered:
.L_overlay_start_1:
0x0: {  	(tag) =	ssettag $0x1  }
0x1: {  	s5 =	rddreg [dreg:$0x0]  }
0x2: {  	s6 =	rddreg [dreg:$0x1]  }
0x3: {  	s1 =	rddreg [dreg:$0x2]  }
0x4: {  	s0 =	rddreg [dreg:$0x3];
	s3 =	simm.s32 $0x0  }
0x5: {  	s4 =	srdreg.scid;
	s2 =	stileid.u32;
	s14 =	simm.s32 $0x4F00  }
0x6: {  	s15 =	simm.s32 $0x7700;
	s18 =	simm.s32 $0x1;
	s19 =	simm.s32 $0x2  }
0x7: {  	s20 =	simm.s32 $0x4DA0;
	s21 =	simm.s32 $0x26C0;
	s22 =	simm.s32 $0x4DF0  }
0x8: {  	s23 =	simm.s32 $0x4E40;
	[smem:$0x7FF] =	sst s3;
	s7 =	sand.u32 $0x1, s4  }
0x9: {  	s28 =	sshrl.u32 s2, $0x2;
	s8 =	sshll.u32 s2, $0x8;
	s24 =	smul.u32 $0x2780, s2  }
0xa: {  	s4 =	sadd.s32 $0x19A00, s5;
	s10 =	smul.u32 $0x4F000, s2;
	s16 =	sshll.u32 s2, $0x6  }
0xb: {  	s9 =	smul.u32 $0x13C00, s28;
	s29 =	sshll.u32 s7, $0x7;
	s8 =	sand.u32 $0x300, s8  }
0xc: {  	_ =	strace $0x8000004A;
	s30 =	smul.u32 $0x27800, s7;
	s7 =	ssub.s32 $0x2, s7  }
0xd: {  	s16 =	sor.u32 $0x1C03, s16;
	s8 =	sor.u32 s29, s8;
	s12 =	sadd.s32 s24, s5  }
0xe: {  	s13 =	sshrl.u32 s7, $0x1;
	s31 =	sshrl.u32 s10, $0x2;
	s10 =	simm.s32 $0x400  }
0xf: {  	s8 =	sor.u32 s9, s8;
	s9 =	sadd.s32 s30, s5;
	s13 =	ssub.s32 s7, s13  }
0x10: {  	s17 =	sadd.s32 s31, s1;
	s7 =	sadd.s32 $0x8F000, s12;
	s12 =	simm.s32 $0x2780  }
0x11: {  	s8 =	sshrl.u32 s8, $0x3;
	s25 =	sadd.s32 $0xB6800, s9;
	s9 =	simm.s32 $0x80  }
0x12: {  	s17 =	sshrl.u32 s17, $0x3;
	s11 =	sadd.s32 s8, s5;
	s5 =	sadd.s32 s6, s8  }
0x13: {  	s8 =	smax.u32 s13, $0x1;
	s13 =	simm.s32 $0x50;
	s24 =	sadd.s32 s24, s25  }
0x14: {  	s25 =	simm.s32 $0x0;
	s6 =	sadd.s32 $0xFC00, s11;
	s11 =	simm.s32 $0x3  }
.LBB2_1:
0x15: {  	[tilespmem:s3], [sflag:$0x3] =	stream.strided.gather [hbm4b:s5+s9], $0x2780, s10, s9, $0x38;
	[tilespmem:$0x1DB00] =	vst v63  }
0x16: {  	_ =	swait.ge [sflag:s11], $0x2780  }
0x17: {  	[sflag:s11] =	ssyncset.done $0x0  }
0x18: {  	[sflag:s11] =	ssyncadd.s32 $0xFFFFD880  }
0x19: {  	[tilespmem:s12], [sflag:$0x3] =	stream.strided.gather [hbm4b:s6+s9], $0x2780, s10, s9, $0x38;
	[tilespmem:$0x1DB00] =	vst v63  }
0x1a: {  	_ =	swait.ge [sflag:s11], $0x2780  }
0x1b: {  	[sflag:s11] =	ssyncset.done $0x0  }
0x1c: {  	[sflag:s11] =	ssyncadd.s32 $0xFFFFD880  }
0x1d: {  	[tilespmem:s14], [sflag:$0x1] =	stream.indirect.gather [hbm4b:s4+s13], $0x80, s3, s13, $0xb8;
	[tilespmem:$0x1DB00] =	vst v63  }
0x1e: {  	_ = 	snop  }
0x1f: {  	[tilespmem:s15], [sflag:$0x2] =	stream.indirect.gather [hbm4b:s4+s13], $0x80, s13, s13, $0xb8;
	[tilespmem:$0x1DB00] =	vst v63  }
0x20: {  	[spmem:s17], [sflag:s16] =	dma.local [hbm:s7], $0x2780  }
0x21: {  	_ =	swait.ge [sflag:s11], $0x2780  }
0x22: {  	[sflag:s11] =	ssyncset.done $0x0  }
0x23: {  	[sflag:s11] =	ssyncadd.s32 $0xFFFFD880  }
0x24: {  	[bflag:$0x0] =	sbarrier.arrive $0xFFFF  }
0x25: {  	_ =	swait.ge [sflag:s18], $0x2800  }
0x26: {  	[sflag:s18] =	ssyncset.done $0x0  }
0x27: {  	s26 =	simm.s32 $0x2780;
	[sflag:s18] =	ssyncadd.s32 $0xFFFFD800  }
0x28: {  	[spmem:s1] =	stream.indirect.scatter.add.f32 [tilespmem:s14], [sflag:$0x3], $0x80, s26, s13, $0xb8;
	[tilespmem:$0x1DB00] =	vst v63  }
0x29: {  	_ =	swait.ge [sflag:s11], $0x2800  }
0x2a: {  	[sflag:s11] =	ssyncset.done $0x0  }
0x2b: {  	s30 =	simm.s32 $0xA0;
	[sflag:s11] =	ssyncadd.s32 $0xFFFFD800  }
0x2c: {  	[tilespmem:s14], [sflag:$0x1] =	stream.indirect.gather [hbm4b:s4+s13], $0x80, s30, s13, $0xb8;
	[tilespmem:$0x1DB00] =	vst v63  }
0x2d: {  	_ =	swait.ge [sflag:s19], $0x2800  }
0x2e: {  	[sflag:s19] =	ssyncset.done $0x0  }
0x2f: {  	s31 =	simm.s32 $0x27D0;
	[sflag:s19] =	ssyncadd.s32 $0xFFFFD800  }
0x30: {  	[spmem:s1] =	stream.indirect.scatter.add.f32 [tilespmem:s15], [sflag:$0x3], $0x80, s31, s13, $0xb8;
	[tilespmem:$0x1DB00] =	vst v63  }
0x31: {  	_ =	swait.ge [sflag:s11], $0x2800  }
0x32: {  	[sflag:s11] =	ssyncset.done $0x0  }
0x33: {  	s28 =	simm.s32 $0xF0;
	s26 =	simm.s32 $0x280;
	[sflag:s11] =	ssyncadd.s32 $0xFFFFD800  }
.LBB2_2:
0x34: {  	[tilespmem:s15], [sflag:$0x2] =	stream.indirect.gather [hbm4b:s4+s13], $0x80, s28, s13, $0xb8;
	[tilespmem:$0x1DB00] =	vst v63  }
0x35: {  	s28 =	smov.u32 s26  }
0x36: {  	p0 =	sne.s32 s26, $0x9600;
	s26 =	sadd.s32 $0x280, s26;
	_ =	swait.ge [sflag:s18], $0x2800  }
0x37: {  	s28 =	sshra.s32 s28, $0x2;
	[sflag:s18] =	ssyncset.done $0x0  }
0x38: {  	s29 =	sadd.s32 $0x2780, s28;
	[sflag:s18] =	ssyncadd.s32 $0xFFFFD800  }
0x39: {  	[spmem:s1] =	stream.indirect.scatter.add.f32 [tilespmem:s14], [sflag:$0x3], $0x80, s29, s13, $0xb8;
	[tilespmem:$0x1DB00] =	vst v63  }
0x3a: {  	_ =	swait.ge [sflag:s11], $0x2800  }
0x3b: {  	[sflag:s11] =	ssyncset.done $0x0  }
0x3c: {  	s29 =	sadd.s32 $0xA0, s28;
	[sflag:s11] =	ssyncadd.s32 $0xFFFFD800  }
0x3d: {  	[tilespmem:s14], [sflag:$0x1] =	stream.indirect.gather [hbm4b:s4+s13], $0x80, s29, s13, $0xb8;
	[tilespmem:$0x1DB00] =	vst v63  }
0x3e: {  	_ =	swait.ge [sflag:s19], $0x2800  }
0x3f: {  	[sflag:s19] =	ssyncset.done $0x0  }
.Ltmp0:
0x40: {  	s29 =	sadd.s32 $0x27D0, s28;
	[sflag:s19] =	ssyncadd.s32 $0xFFFFD800;
	(pc) =	sbr.rel @p0 .LBB2_2-.Ltmp0, $4  }
0x41: {  	[spmem:s1] =	stream.indirect.scatter.add.f32 [tilespmem:s15], [sflag:$0x3], $0x80, s29, s13, $0xb8;
	[tilespmem:$0x1DB00] =	vst v63  }
0x42: {  	_ =	swait.ge [sflag:s11], $0x2800  }
0x43: {  	[sflag:s11] =	ssyncset.done $0x0  }
0x44: {  	s28 =	sadd.s32 $0xF0, s28;
	[sflag:s11] =	ssyncadd.s32 $0xFFFFD800  }
0x45: {  	[tilespmem:s15], [sflag:$0x2] =	stream.indirect.gather [hbm4b:s4+s13], $0x80, s28, s13, $0xb8;
	[tilespmem:$0x1DB00] =	vst v63  }
0x46: {  	_ =	swait.ge [sflag:s18], $0x2800  }
0x47: {  	[sflag:s18] =	ssyncset.done $0x0  }
0x48: {  	[sflag:s18] =	ssyncadd.s32 $0xFFFFD800  }
0x49: {  	[spmem:s1] =	stream.indirect.scatter.add.f32 [tilespmem:s14], [sflag:$0x3], $0x80, s20, s13, $0xb8;
	[tilespmem:$0x1DB00] =	vst v63  }
0x4a: {  	_ =	swait.ge [sflag:s11], $0x2800  }
0x4b: {  	[sflag:s11] =	ssyncset.done $0x0  }
0x4c: {  	[sflag:s11] =	ssyncadd.s32 $0xFFFFD800  }
0x4d: {  	[tilespmem:s14], [sflag:$0x1] =	stream.indirect.gather [hbm4b:s4+s13], $0x80, s21, s13, $0xb8;
	[tilespmem:$0x1DB00] =	vst v63  }
0x4e: {  	_ =	swait.ge [sflag:s19], $0x2800  }
0x4f: {  	[sflag:s19] =	ssyncset.done $0x0  }
0x50: {  	[sflag:s19] =	ssyncadd.s32 $0xFFFFD800  }
0x51: {  	[spmem:s1] =	stream.indirect.scatter.add.f32 [tilespmem:s15], [sflag:$0x3], $0x80, s22, s13, $0xb8;
	[tilespmem:$0x1DB00] =	vst v63  }
0x52: {  	_ =	swait.ge [sflag:s11], $0x2800  }
0x53: {  	[sflag:s11] =	ssyncset.done $0x0  }
0x54: {  	[sflag:s11] =	ssyncadd.s32 $0xFFFFD800  }
0x55: {  	_ =	swait.ge [sflag:s18], $0x2800  }
0x56: {  	[sflag:s18] =	ssyncset.done $0x0  }
0x57: {  	[sflag:s18] =	ssyncadd.s32 $0xFFFFD800  }
0x58: {  	[spmem:s1] =	stream.indirect.scatter.add.f32 [tilespmem:s14], [sflag:$0x3], $0x80, s23, s13, $0xb8;
	[tilespmem:$0x1DB00] =	vst v63  }
0x59: {  	_ =	swait.ge [sflag:s11], $0x2800  }
0x5a: {  	s25 =	sadd.s32 $0x1, s25;
	[sflag:s11] =	ssyncset.done $0x0  }
0x5b: {  	p0 =	sne.s32 s25, s8;
	[sflag:s11] =	ssyncadd.s32 $0xFFFFD800  }
.Ltmp1:
0x5c: {  	[bflag:$0x0] =	sbarrier.arrive $0xFFFF;
	(pc) =	sbr.rel @p0 .LBB2_1-.Ltmp1, $4  }
0x5d: {  	[hbm:s24], [sflag:s16] =	dma.local [spmem:s17], $0x2780  }
0x5e: {  	_ =	swait.ge [sflag:s11], $0x2780  }
0x5f: {  	[sflag:s11] =	ssyncset.done $0x0  }
0x60: {  	[sflag:s11] =	ssyncadd.s32 $0xFFFFD880  }
0x61: {  	_ =	sfence.sel $0x180000  }
0x62: {  	[bflag:$0x0] =	sbarrier.arrive $0xFFFF  }
0x63: {  	p0 =	sne.s32 s2, $0x0;
	_ =	strace $0x9000004A  }
0x64: {  	s0 =	sadd.s32 @!p0 $0x100000, s0;
	[bflag:$0x2] =	sbarrier.arrive $0xFFFF  }
0x65: {  	[sflag:s0] =	ssyncadd.tile.s32 @!p0 $0x1;
	_ =	shalt  }
.Lfunc_end2:
_tile_overlayer_lowered:
.L_overlay_start_2:
0x66: {  	(tag) =	ssettag $0x2  }
0x67: {  	s0 =	rddreg [dreg:$0x0];
	s2 =	stileid.u32  }
0x68: {  	s1 =	rddreg [dreg:$0x1];
	p0 =	sne.s32 s2, $0x0  }
0x69: {  	s3 =	rddreg [dreg:$0x2];
	[bflag:$0x3] =	sbarrier.arrive $0xFFFF;
	s2 =	simm.s32 @!p0 $0x1C03  }
0x6a: {  	[timem:s3], [sflag:s2] =	dma.local @!p0 [hbm:s0], s1  }
0x6b: {  	s0 =	simm.s32 @!p0 $0x3  }
0x6c: {  	_ =	swait.ge @!p0 [sflag:s0], s1  }
0x6d: {  	s1 =	ssub.s32 @!p0 $0x0, s1;
	[sflag:s0] =	ssyncset.done @!p0 $0x0  }
0x6e: {  	[sflag:s0] =	ssyncadd.s32 @!p0 s1  }
0x6f: {  	[bflag:$0x3] =	sbarrier.arrive $0xFFFF  }
0x70: {  	_ =	shalt  }

// kernel: kernel.15.cloned.1.call-start
scs
__scs_entry_jumppad:
0x0: {  	(pc) =	sbr.rel $0x88, $3  }
0x1: {  	(tag) =	ssettag $0x0;
	lr =	simm.s32 $0x1  }
0x2: {  	[smem:$0x3F98] =	sst lr;
	_ =	strace $0xD0000000  }
0x3: {  	_ = 	snop  }
0x4: {  	_ = 	snop  }
0x5: {  	_ = 	snop  }
0x6: {  	_ = 	snop  }
0x7: {  	_ = 	snop  }
__scs_overlays_trampoline_lowered:
0x8: {  	[smem:$0x3FA7] =	sst s0  }
0x9: {  	[smem:$0x3FA8] =	sst s1  }
0xa: {  	[smem:$0x3FA9] =	sst s2  }
0xb: {  	[smem:$0x3FAA] =	sst s3  }
0xc: {  	[smem:$0x3FAB] =	sst s4  }
0xd: {  	[smem:$0x3FAC] =	sst s5  }
0xe: {  	[smem:$0x3FAD] =	sst s6  }
0xf: {  	[smem:$0x3FAE] =	sst s7  }
0x10: {  	[smem:$0x3FAF] =	sst s8  }
0x11: {  	[smem:$0x3FB0] =	sst s9;
	s0 =	simm.s32 @!p0 $0x0  }
0x12: {  	s1 =	sld [smem:$0x3F96];
	s0 =	simm.s32 @p0 $0x1  }
0x13: {  	[smem:$0x3FB1] =	sst s0;
	s0 =	simm.s32 @!p1 $0x0  }
0x14: {  	s2 =	sld [smem:$0x3F95];
	s0 =	simm.s32 @p1 $0x1  }
0x15: {  	[smem:$0x3FB2] =	sst s0;
	s0 =	simm.s32 @!p2 $0x0  }
0x16: {  	s3 =	sld [smem:$0x3FDB];
	s0 =	simm.s32 @p2 $0x1  }
0x17: {  	s4 =	simm.s32 $0x1BF5;
	[smem:$0x3FB4] =	sst s0  }
0x18: {  	s0 =	sld [smem:$0x3F97];
	_ =	swait.ge [sflag:s4], $0x0  }
0x19: {  	s7 =	sld [smem:$0x3F98]  }
0x1a: {  	s8 =	sadd.s32 $0xFFFFE003, lr  }
0x1b: {  	s9 =	sadd.s32 $0xFFFFFEF7, lr;
	s5 =	simm.s32 $0xFFFFFFFF;
	p2 =	slt.u32 s8, $0xFFFFF086  }
0x1c: {  	p1 =	slt.u32 s9, $0xF7A;
	s5 =	simm.s32 @!p2 $0x0  }
0x1d: {  	s5 =	simm.s32 @p1 $0x1;
	p0 =	seq.s32 s7, s2  }
0x1e: {  	s7 =	smul.u32 @!p0 $0xF7A, s2;
	p2 =	seq.s32 @!p0 s5, $0x0  }
0x1f: {  	s9 =	smul.u32 $0xF7A, s1;
	s8 =	simm.s32 @!p0 $0x1BF5;
	p2 =	por !p2, p0  }
0x20: {  	[sflag:s8] =	ssyncset.s32 @!p0 $0xFFFFF086;
	s6 =	sadd.s32 @!p0 s3, s7;
	s7 =	simm.s32 @!p0 $0x108  }
0x21: {  	s3 =	sadd.s32 s3, s9;
	s6 =	sadd.s32 @!p0 $0x88, s6;
	s7 =	simm.s32 @p2 $0x1082  }
0x22: {  	[simem:s7], [sflag:s8] =	dma.local @!p0 [hbm:s6], $0xF7A  }
0x23: {  	s9 =	sor.u32 $0xD0000000, s2;
	s6 =	simm.s32 $0x108;
	_ =	swait.ge @!p0 [sflag:s8], $0x0  }
0x24: {  	s3 =	sadd.s32 $0x88, s3;
	s6 =	simm.s32 @!p1 $0x1082;
	[sflag:s4] =	ssyncset.s32 $0xFFFFF086  }
0x25: {  	[simem:s6], [sflag:s4] =	dma.local [hbm:s3], $0xF7A  }
0x26: {  	[smem:$0x3F98] =	sst s1;
	(tag) =	ssettag s2;
	_ =	strace s9  }
0x27: {  	s1 =	sld [smem:$0x3FA8]  }
0x28: {  	s2 =	sld [smem:$0x3FA9]  }
0x29: {  	s4 =	sld [smem:$0x3FAB]  }
0x2a: {  	p0 =	seq.s32 s5, $0x0;
	s5 =	sld [smem:$0x3FAC]  }
0x2b: {  	s6 =	sld [smem:$0x3FAD]  }
0x2c: {  	s7 =	sld [smem:$0x3FAE]  }
0x2d: {  	s3 =	simm.s32 $0x108;
	s8 =	sld [smem:$0x3FAF]  }
0x2e: {  	s3 =	simm.s32 @!p0 $0x1082;
	s9 =	sld [smem:$0x3FB0]  }
0x2f: {  	lr =	sadd.s32 s0, s3;
	s0 =	sld [smem:$0x3FA7]  }
0x30: {  	s3 =	sld [smem:$0x3FAA]  }
0x31: {  	[smem:$0x3FB3] =	sst s10  }
0x32: {  	s10 =	sld [smem:$0x3FB1];
	_ =	sdelay $0x3  }
0x33: {  	p0 =	seq.s32 s10, $0x1;
	s10 =	sld [smem:$0x3FB3];
	_ =	sdelay $0x3  }
0x34: {  	[smem:$0x3FB3] =	sst s10  }
0x35: {  	s10 =	sld [smem:$0x3FB2];
	_ =	sdelay $0x3  }
0x36: {  	p1 =	seq.s32 s10, $0x1;
	s10 =	sld [smem:$0x3FB3];
	_ =	sdelay $0x3  }
0x37: {  	[smem:$0x3FB3] =	sst s10  }
0x38: {  	s10 =	sld [smem:$0x3FB4]  }
0x39: {  	_ = 	snop;
	(pc) =	sbr.ind lr, $3  }
0x3a: {  	_ = 	snop  }
0x3b: {  	_ = 	snop  }
0x3c: {  	p2 =	seq.s32 s10, $0x1;
	s10 =	sld [smem:$0x3FB3]  }
0x3d: {  	_ =	shalt  }
0x3e: {  	_ =	shalt  }
0x3f: {  	_ =	shalt  }
0x40: {  	_ =	shalt  }
0x41: {  	_ =	shalt  }
0x42: {  	_ =	shalt  }
0x43: {  	_ =	shalt  }
0x44: {  	_ =	shalt  }
0x45: {  	_ =	shalt  }
0x46: {  	_ =	shalt  }
0x47: {  	_ =	shalt  }
0x48: {  	_ =	shalt  }
0x49: {  	_ =	shalt  }
0x4a: {  	_ =	shalt  }
0x4b: {  	_ =	shalt  }
0x4c: {  	_ =	shalt  }
0x4d: {  	_ =	shalt  }
0x4e: {  	_ =	shalt  }
0x4f: {  	_ =	shalt  }
0x50: {  	_ =	shalt  }
0x51: {  	_ =	shalt  }
0x52: {  	_ =	shalt  }
0x53: {  	_ =	shalt  }
0x54: {  	_ =	shalt  }
0x55: {  	_ =	shalt  }
0x56: {  	_ =	shalt  }
0x57: {  	_ =	shalt  }
0x58: {  	_ =	shalt  }
0x59: {  	_ =	shalt  }
0x5a: {  	_ =	shalt  }
0x5b: {  	_ =	shalt  }
0x5c: {  	_ =	shalt  }
0x5d: {  	_ =	shalt  }
0x5e: {  	_ =	shalt  }
0x5f: {  	_ =	shalt  }
0x60: {  	_ =	shalt  }
0x61: {  	_ =	shalt  }
0x62: {  	_ =	shalt  }
0x63: {  	_ =	shalt  }
0x64: {  	_ =	shalt  }
0x65: {  	_ =	shalt  }
0x66: {  	_ =	shalt  }
0x67: {  	_ =	shalt  }
0x68: {  	_ =	shalt  }
0x69: {  	_ =	shalt  }
0x6a: {  	_ =	shalt  }
0x6b: {  	_ =	shalt  }
0x6c: {  	_ =	shalt  }
0x6d: {  	_ =	shalt  }
0x6e: {  	_ =	shalt  }
0x6f: {  	_ =	shalt  }
0x70: {  	_ =	shalt  }
0x71: {  	_ =	shalt  }
0x72: {  	_ =	shalt  }
0x73: {  	_ =	shalt  }
0x74: {  	_ =	shalt  }
0x75: {  	_ =	shalt  }
0x76: {  	_ =	shalt  }
0x77: {  	_ =	shalt  }
0x78: {  	_ =	shalt  }
0x79: {  	_ =	shalt  }
0x7a: {  	_ =	shalt  }
0x7b: {  	_ =	shalt  }
0x7c: {  	_ =	shalt  }
0x7d: {  	_ =	shalt  }
0x7e: {  	_ =	shalt  }
0x7f: {  	_ =	shalt  }
0x80: {  	_ =	shalt  }
0x81: {  	_ =	shalt  }
0x82: {  	_ =	shalt  }
0x83: {  	_ =	shalt  }
0x84: {  	_ =	shalt  }
0x85: {  	_ =	shalt  }
0x86: {  	_ =	shalt  }
0x87: {  	_ =	shalt  }
.Lfunc_end0:
.L_simem_size_0:
called_computation.2_lowered:
.L_overlay_start_0:
0x88: {  	s2 =	sld [smem:$0x3FD9]  }
0x89: {  	s3 =	sld [smem:$0x3FFE];
	_ =	sdelay $0x1  }
0x8a: {  	s1 =	srdreg.scid  }
0x8b: {  	s0 =	sand.u32 $0x1, s1  }
0x8c: {  	s14 =	sshll.u32 s0, $0xA;
	s2 =	sadd.s32 s3, s2  }
0x8d: {  	s2 =	sadd.s32 s2, s14  }
0x8e: {  	[smem:$0x3FBF] =	sst s2  }
0x8f: {  	_ = 	snop  }
0x90: {  	s2 =	sld [smem:$0x3FD0];
	_ =	sdelay $0x2  }
0x91: {  	s15 =	simm.s32 $0xA;
	s4 =	simm.s32 $0x10  }
0x92: {  	[smem:s4], [sflag:s15] =	dma.local [hbm:s2], $0x1  }
0x93: {  	_ =	swait.eq [sflag:s15], $0x1  }
0x94: {  	[sflag:s15] =	ssyncset.done $0x0  }
0x95: {  	[sflag:s15] =	ssyncadd.s32 $0xFFFFFFFF  }
0x96: {  	s16 =	sld [smem:$0x11];
	(tm) =	ssettm $0x1  }
0x97: {  	s17 =	sld [smem:$0x3FFB];
	_ =	sdelay $0x3  }
0x98: {  	_ =	strace s17  }
0x99: {  	s3 =	sld [smem:$0x3FFC];
	_ =	sdelay $0x3  }
0x9a: {  	_ =	strace s3  }
0x9b: {  	s3 =	sld [smem:$0x3FFD];
	_ =	sdelay $0x3  }
0x9c: {  	_ =	strace s3  }
0x9d: {  	_ =	strace $0x8FFFFFFF  }
0x9e: {  	s18 =	sld [smem:$0x3FDB];
	_ =	sdelay $0x1  }
0x9f: {  	s19 =	simm.s32 $_scs_section_size  }
0xa0: {  	s5 =	simm.s32 $_size__tile_overlayer_lowered;
	s6 =	simm.s32 $_tile_overlayer_lowered  }
0xa1: {  	s22 =	simm.s32 $0x1BFF;
	s21 =	sshll.u32 s6, $0x1;
	s3 =	sadd.s32 s19, s18  }
0xa2: {  	s7 =	simm.s32 $0x0;
	s20 =	sshll.u32 s5, $0x1;
	s5 =	sadd.s32 s21, s3  }
0xa3: {  	[timem:s7], [sflag:s22] =	dma.local [hbm:s5], s20  }
0xa4: {  	_ =	swait.ge [sflag:s22], s20  }
0xa5: {  	s4 =	ssub.s32 $0x0, s20;
	[sflag:s22] =	ssyncset.done $0x0  }
0xa6: {  	[sflag:s22] =	ssyncadd.s32 s4;
	_ =	sdelay $0x1  }
0xa7: {  	s23 =	simm.s32 $0x1B8B  }
0xa8: {  	_ =	swait.ge [sflag:s23], $0x1  }
0xa9: {  	[sflag:s23] =	ssyncset.done $0x0  }
0xaa: {  	s25 =	simm.s32 $0x1B8E;
	s24 =	sld [smem:$0x3FFE];
	[sflag:s23] =	ssyncadd.s32 $0xFFFFFFFF  }
0xab: {  	s26 =	simm.s32 $execute0_lowered;
	[smem:$0x3FD2] =	sst s25  }
0xac: {  	s5 =	sshll.u32 s26, $0x1;
	_ =	strace $0x8000004C;
	[dreg:$0x1] =	wrdreg $0xFFFFFFFF  }
0xad: {  	s28 =	simm.s32 $_size_execute0_lowered;
	s3 =	sadd.s32 s3, s5;
	[dreg:$0x0] =	wrdreg $0x0  }
0xae: {  	s5 =	sshll.u32 s28, $0x1;
	[dreg:$0x2] =	wrdreg s3  }
0xaf: {  	[dreg:$0x3] =	wrdreg s5  }
0xb0: {  	[dreg:$0x4] =	wrdreg $0xC0  }
0xb1: {  	_ =	task [dreg:s7], $0x5FFFF  }
0xb2: {  	[dreg:$0x1] =	wrdreg $0xFFFFFFFF  }
0xb3: {  	[dreg:$0x0] =	wrdreg $0x60  }
0xb4: {  	[dreg:$0x2] =	wrdreg s24  }
0xb5: {  	[dreg:$0x3] =	wrdreg s16  }
0xb6: {  	[dreg:$0x4] =	wrdreg $0x9F000  }
0xb7: {  	[dreg:$0x5] =	wrdreg $0x9  }
0xb8: {  	_ =	task.clear_ibuf [dreg:s7], $0x6FFFF;
	_ =	strace $0x9000004C  }
0xb9: {  	s29 =	simm.s32 $0x9;
	_ =	strace $0x8000004E  }
0xba: {  	_ =	swait.ge [sflag:s29], $0x1  }
0xbb: {  	[sflag:s29] =	ssyncadd.s32 $0xFFFFFFFF  }
0xbc: {  	_ =	strace $0x9000004E  }
0xbd: {  	_ =	sfence  }
0xbe: {  	s30 =	sld [smem:$0x0];
	_ =	sdelay $0x2  }
0xbf: {  	s31 =	sshll.u32 s1, $0xD;
	s1 =	sshrl.u32 s1, $0x2  }
0xc0: {  	s3 =	sand.u32 $0x4000, s31;
	s1 =	sadd.s32 s1, s30  }
0xc1: {  	s0 =	sor.u32 s3, s0;
	s1 =	sshll.u32 s1, $0x11  }
0xc2: {  	s0 =	sor.u32 s1, s0  }
0xc3: {  	s0 =	sadd.s32 $0x8F2B, s0  }
0xc4: {  	[sflag:s0] =	ssyncadd.remote.s32 $0x1  }
0xc5: {  	_ =	sfence.sel $0xFFFF  }
0xc6: {  	[dreg:$0x0] =	wrdreg $0xFFFFFFFF;
	(pc) =	sbr.abs _section_cstart, $3  }
0xc7: {  	[dreg:$0x1] =	wrdreg $0xFFFFFFFF  }
0xc8: {  	_ =	task.clear_ibuf [dreg:s7], $0x2FFFF;
	_ =	strace $0x9FFFFFFF  }
0xc9: {  	(tm) =	ssettm $0x7FFFFFFF  }
tec
execute0_lowered:
.L_overlay_start_1:
0x0: {  	(tag) =	ssettag $0x1  }
0x1: {  	s5 =	rddreg [dreg:$0x0]  }
0x2: {  	s6 =	rddreg [dreg:$0x1]  }
0x3: {  	s1 =	rddreg [dreg:$0x2]  }
0x4: {  	s0 =	rddreg [dreg:$0x3];
	s3 =	simm.s32 $0x0  }
0x5: {  	s4 =	srdreg.scid;
	s2 =	stileid.u32;
	s14 =	simm.s32 $0x4F00  }
0x6: {  	s15 =	simm.s32 $0x7700;
	s18 =	simm.s32 $0x1;
	s19 =	simm.s32 $0x2  }
0x7: {  	s20 =	simm.s32 $0x4DA0;
	s21 =	simm.s32 $0x26C0;
	s22 =	simm.s32 $0x4DF0  }
0x8: {  	s23 =	simm.s32 $0x4E40;
	[smem:$0x7FF] =	sst s3;
	s7 =	sand.u32 $0x1, s4  }
0x9: {  	s28 =	sshrl.u32 s2, $0x2;
	s8 =	sshll.u32 s2, $0x8;
	s24 =	smul.u32 $0x2780, s2  }
0xa: {  	s4 =	sadd.s32 $0x19A00, s5;
	s10 =	smul.u32 $0x4F000, s2;
	s16 =	sshll.u32 s2, $0x6  }
0xb: {  	s9 =	smul.u32 $0x13C00, s28;
	s29 =	sshll.u32 s7, $0x7;
	s8 =	sand.u32 $0x300, s8  }
0xc: {  	_ =	strace $0x8000004D;
	s30 =	smul.u32 $0x27800, s7;
	s7 =	ssub.s32 $0x2, s7  }
0xd: {  	s16 =	sor.u32 $0x1C03, s16;
	s8 =	sor.u32 s29, s8;
	s12 =	sadd.s32 s24, s5  }
0xe: {  	s13 =	sshrl.u32 s7, $0x1;
	s31 =	sshrl.u32 s10, $0x2;
	s10 =	simm.s32 $0x400  }
0xf: {  	s8 =	sor.u32 s9, s8;
	s9 =	sadd.s32 s30, s5;
	s13 =	ssub.s32 s7, s13  }
0x10: {  	s17 =	sadd.s32 s31, s1;
	s7 =	sadd.s32 $0x8F000, s12;
	s12 =	simm.s32 $0x2780  }
0x11: {  	s8 =	sshrl.u32 s8, $0x3;
	s25 =	sadd.s32 $0xB6800, s9;
	s9 =	simm.s32 $0x80  }
0x12: {  	s17 =	sshrl.u32 s17, $0x3;
	s11 =	sadd.s32 s8, s5;
	s5 =	sadd.s32 s6, s8  }
0x13: {  	s8 =	smax.u32 s13, $0x1;
	s13 =	simm.s32 $0x50;
	s24 =	sadd.s32 s24, s25  }
0x14: {  	s25 =	simm.s32 $0x0;
	s6 =	sadd.s32 $0xFC00, s11;
	s11 =	simm.s32 $0x3  }
.LBB2_1:
0x15: {  	[tilespmem:s3], [sflag:$0x3] =	stream.strided.gather [hbm4b:s5+s9], $0x2780, s10, s9, $0x38;
	[tilespmem:$0x1DB00] =	vst v63  }
0x16: {  	_ =	swait.ge [sflag:s11], $0x2780  }
0x17: {  	[sflag:s11] =	ssyncset.done $0x0  }
0x18: {  	[sflag:s11] =	ssyncadd.s32 $0xFFFFD880  }
0x19: {  	[tilespmem:s12], [sflag:$0x3] =	stream.strided.gather [hbm4b:s6+s9], $0x2780, s10, s9, $0x38;
	[tilespmem:$0x1DB00] =	vst v63  }
0x1a: {  	_ =	swait.ge [sflag:s11], $0x2780  }
0x1b: {  	[sflag:s11] =	ssyncset.done $0x0  }
0x1c: {  	[sflag:s11] =	ssyncadd.s32 $0xFFFFD880  }
0x1d: {  	[tilespmem:s14], [sflag:$0x1] =	stream.indirect.gather [hbm4b:s4+s13], $0x80, s3, s13, $0xb8;
	[tilespmem:$0x1DB00] =	vst v63  }
0x1e: {  	_ = 	snop  }
0x1f: {  	[tilespmem:s15], [sflag:$0x2] =	stream.indirect.gather [hbm4b:s4+s13], $0x80, s13, s13, $0xb8;
	[tilespmem:$0x1DB00] =	vst v63  }
0x20: {  	[spmem:s17], [sflag:s16] =	dma.local [hbm:s7], $0x2780  }
0x21: {  	_ =	swait.ge [sflag:s11], $0x2780  }
0x22: {  	[sflag:s11] =	ssyncset.done $0x0  }
0x23: {  	[sflag:s11] =	ssyncadd.s32 $0xFFFFD880  }
0x24: {  	[bflag:$0x0] =	sbarrier.arrive $0xFFFF  }
0x25: {  	_ =	swait.ge [sflag:s18], $0x2800  }
0x26: {  	[sflag:s18] =	ssyncset.done $0x0  }
0x27: {  	s26 =	simm.s32 $0x2780;
	[sflag:s18] =	ssyncadd.s32 $0xFFFFD800  }
0x28: {  	[spmem:s1] =	stream.indirect.scatter.add.f32 [tilespmem:s14], [sflag:$0x3], $0x80, s26, s13, $0xb8;
	[tilespmem:$0x1DB00] =	vst v63  }
0x29: {  	_ =	swait.ge [sflag:s11], $0x2800  }
0x2a: {  	[sflag:s11] =	ssyncset.done $0x0  }
0x2b: {  	s30 =	simm.s32 $0xA0;
	[sflag:s11] =	ssyncadd.s32 $0xFFFFD800  }
0x2c: {  	[tilespmem:s14], [sflag:$0x1] =	stream.indirect.gather [hbm4b:s4+s13], $0x80, s30, s13, $0xb8;
	[tilespmem:$0x1DB00] =	vst v63  }
0x2d: {  	_ =	swait.ge [sflag:s19], $0x2800  }
0x2e: {  	[sflag:s19] =	ssyncset.done $0x0  }
0x2f: {  	s31 =	simm.s32 $0x27D0;
	[sflag:s19] =	ssyncadd.s32 $0xFFFFD800  }
0x30: {  	[spmem:s1] =	stream.indirect.scatter.add.f32 [tilespmem:s15], [sflag:$0x3], $0x80, s31, s13, $0xb8;
	[tilespmem:$0x1DB00] =	vst v63  }
0x31: {  	_ =	swait.ge [sflag:s11], $0x2800  }
0x32: {  	[sflag:s11] =	ssyncset.done $0x0  }
0x33: {  	s28 =	simm.s32 $0xF0;
	s26 =	simm.s32 $0x280;
	[sflag:s11] =	ssyncadd.s32 $0xFFFFD800  }
.LBB2_2:
0x34: {  	[tilespmem:s15], [sflag:$0x2] =	stream.indirect.gather [hbm4b:s4+s13], $0x80, s28, s13, $0xb8;
	[tilespmem:$0x1DB00] =	vst v63  }
0x35: {  	s28 =	smov.u32 s26  }
0x36: {  	p0 =	sne.s32 s26, $0x9600;
	s26 =	sadd.s32 $0x280, s26;
	_ =	swait.ge [sflag:s18], $0x2800  }
0x37: {  	s28 =	sshra.s32 s28, $0x2;
	[sflag:s18] =	ssyncset.done $0x0  }
0x38: {  	s29 =	sadd.s32 $0x2780, s28;
	[sflag:s18] =	ssyncadd.s32 $0xFFFFD800  }
0x39: {  	[spmem:s1] =	stream.indirect.scatter.add.f32 [tilespmem:s14], [sflag:$0x3], $0x80, s29, s13, $0xb8;
	[tilespmem:$0x1DB00] =	vst v63  }
0x3a: {  	_ =	swait.ge [sflag:s11], $0x2800  }
0x3b: {  	[sflag:s11] =	ssyncset.done $0x0  }
0x3c: {  	s29 =	sadd.s32 $0xA0, s28;
	[sflag:s11] =	ssyncadd.s32 $0xFFFFD800  }
0x3d: {  	[tilespmem:s14], [sflag:$0x1] =	stream.indirect.gather [hbm4b:s4+s13], $0x80, s29, s13, $0xb8;
	[tilespmem:$0x1DB00] =	vst v63  }
0x3e: {  	_ =	swait.ge [sflag:s19], $0x2800  }
0x3f: {  	[sflag:s19] =	ssyncset.done $0x0  }
.Ltmp0:
0x40: {  	s29 =	sadd.s32 $0x27D0, s28;
	[sflag:s19] =	ssyncadd.s32 $0xFFFFD800;
	(pc) =	sbr.rel @p0 .LBB2_2-.Ltmp0, $4  }
0x41: {  	[spmem:s1] =	stream.indirect.scatter.add.f32 [tilespmem:s15], [sflag:$0x3], $0x80, s29, s13, $0xb8;
	[tilespmem:$0x1DB00] =	vst v63  }
0x42: {  	_ =	swait.ge [sflag:s11], $0x2800  }
0x43: {  	[sflag:s11] =	ssyncset.done $0x0  }
0x44: {  	s28 =	sadd.s32 $0xF0, s28;
	[sflag:s11] =	ssyncadd.s32 $0xFFFFD800  }
0x45: {  	[tilespmem:s15], [sflag:$0x2] =	stream.indirect.gather [hbm4b:s4+s13], $0x80, s28, s13, $0xb8;
	[tilespmem:$0x1DB00] =	vst v63  }
0x46: {  	_ =	swait.ge [sflag:s18], $0x2800  }
0x47: {  	[sflag:s18] =	ssyncset.done $0x0  }
0x48: {  	[sflag:s18] =	ssyncadd.s32 $0xFFFFD800  }
0x49: {  	[spmem:s1] =	stream.indirect.scatter.add.f32 [tilespmem:s14], [sflag:$0x3], $0x80, s20, s13, $0xb8;
	[tilespmem:$0x1DB00] =	vst v63  }
0x4a: {  	_ =	swait.ge [sflag:s11], $0x2800  }
0x4b: {  	[sflag:s11] =	ssyncset.done $0x0  }
0x4c: {  	[sflag:s11] =	ssyncadd.s32 $0xFFFFD800  }
0x4d: {  	[tilespmem:s14], [sflag:$0x1] =	stream.indirect.gather [hbm4b:s4+s13], $0x80, s21, s13, $0xb8;
	[tilespmem:$0x1DB00] =	vst v63  }
0x4e: {  	_ =	swait.ge [sflag:s19], $0x2800  }
0x4f: {  	[sflag:s19] =	ssyncset.done $0x0  }
0x50: {  	[sflag:s19] =	ssyncadd.s32 $0xFFFFD800  }
0x51: {  	[spmem:s1] =	stream.indirect.scatter.add.f32 [tilespmem:s15], [sflag:$0x3], $0x80, s22, s13, $0xb8;
	[tilespmem:$0x1DB00] =	vst v63  }
0x52: {  	_ =	swait.ge [sflag:s11], $0x2800  }
0x53: {  	[sflag:s11] =	ssyncset.done $0x0  }
0x54: {  	[sflag:s11] =	ssyncadd.s32 $0xFFFFD800  }
0x55: {  	_ =	swait.ge [sflag:s18], $0x2800  }
0x56: {  	[sflag:s18] =	ssyncset.done $0x0  }
0x57: {  	[sflag:s18] =	ssyncadd.s32 $0xFFFFD800  }
0x58: {  	[spmem:s1] =	stream.indirect.scatter.add.f32 [tilespmem:s14], [sflag:$0x3], $0x80, s23, s13, $0xb8;
	[tilespmem:$0x1DB00] =	vst v63  }
0x59: {  	_ =	swait.ge [sflag:s11], $0x2800  }
0x5a: {  	s25 =	sadd.s32 $0x1, s25;
	[sflag:s11] =	ssyncset.done $0x0  }
0x5b: {  	p0 =	sne.s32 s25, s8;
	[sflag:s11] =	ssyncadd.s32 $0xFFFFD800  }
.Ltmp1:
0x5c: {  	[bflag:$0x0] =	sbarrier.arrive $0xFFFF;
	(pc) =	sbr.rel @p0 .LBB2_1-.Ltmp1, $4  }
0x5d: {  	[hbm:s24], [sflag:s16] =	dma.local [spmem:s17], $0x2780  }
0x5e: {  	_ =	swait.ge [sflag:s11], $0x2780  }
0x5f: {  	[sflag:s11] =	ssyncset.done $0x0  }
0x60: {  	[sflag:s11] =	ssyncadd.s32 $0xFFFFD880  }
0x61: {  	_ =	sfence.sel $0x180000  }
0x62: {  	[bflag:$0x0] =	sbarrier.arrive $0xFFFF  }
0x63: {  	p0 =	sne.s32 s2, $0x0;
	_ =	strace $0x9000004D  }
0x64: {  	s0 =	sadd.s32 @!p0 $0x100000, s0;
	[bflag:$0x2] =	sbarrier.arrive $0xFFFF  }
0x65: {  	[sflag:s0] =	ssyncadd.tile.s32 @!p0 $0x1;
	_ =	shalt  }
.Lfunc_end2:
_tile_overlayer_lowered:
.L_overlay_start_2:
0x66: {  	(tag) =	ssettag $0x2  }
0x67: {  	s0 =	rddreg [dreg:$0x0];
	s2 =	stileid.u32  }
0x68: {  	s1 =	rddreg [dreg:$0x1];
	p0 =	sne.s32 s2, $0x0  }
0x69: {  	s3 =	rddreg [dreg:$0x2];
	[bflag:$0x3] =	sbarrier.arrive $0xFFFF;
	s2 =	simm.s32 @!p0 $0x1C03  }
0x6a: {  	[timem:s3], [sflag:s2] =	dma.local @!p0 [hbm:s0], s1  }
0x6b: {  	s0 =	simm.s32 @!p0 $0x3  }
0x6c: {  	_ =	swait.ge @!p0 [sflag:s0], s1  }
0x6d: {  	s1 =	ssub.s32 @!p0 $0x0, s1;
	[sflag:s0] =	ssyncset.done @!p0 $0x0  }
0x6e: {  	[sflag:s0] =	ssyncadd.s32 @!p0 s1  }
0x6f: {  	[bflag:$0x3] =	sbarrier.arrive $0xFFFF  }
0x70: {  	_ =	shalt  }

// kernel: kernel.18.cloned.1.call-start
scs
__scs_entry_jumppad:
0x0: {  	(pc) =	sbr.rel $0x88, $3  }
0x1: {  	(tag) =	ssettag $0x0;
	lr =	simm.s32 $0x1  }
0x2: {  	[smem:$0x3F98] =	sst lr;
	_ =	strace $0xD0000000  }
0x3: {  	_ = 	snop  }
0x4: {  	_ = 	snop  }
0x5: {  	_ = 	snop  }
0x6: {  	_ = 	snop  }
0x7: {  	_ = 	snop  }
__scs_overlays_trampoline_lowered:
0x8: {  	[smem:$0x3FA7] =	sst s0  }
0x9: {  	[smem:$0x3FA8] =	sst s1  }
0xa: {  	[smem:$0x3FA9] =	sst s2  }
0xb: {  	[smem:$0x3FAA] =	sst s3  }
0xc: {  	[smem:$0x3FAB] =	sst s4  }
0xd: {  	[smem:$0x3FAC] =	sst s5  }
0xe: {  	[smem:$0x3FAD] =	sst s6  }
0xf: {  	[smem:$0x3FAE] =	sst s7  }
0x10: {  	[smem:$0x3FAF] =	sst s8  }
0x11: {  	[smem:$0x3FB0] =	sst s9;
	s0 =	simm.s32 @!p0 $0x0  }
0x12: {  	s1 =	sld [smem:$0x3F96];
	s0 =	simm.s32 @p0 $0x1  }
0x13: {  	[smem:$0x3FB1] =	sst s0;
	s0 =	simm.s32 @!p1 $0x0  }
0x14: {  	s2 =	sld [smem:$0x3F95];
	s0 =	simm.s32 @p1 $0x1  }
0x15: {  	[smem:$0x3FB2] =	sst s0;
	s0 =	simm.s32 @!p2 $0x0  }
0x16: {  	s3 =	sld [smem:$0x3FDB];
	s0 =	simm.s32 @p2 $0x1  }
0x17: {  	s4 =	simm.s32 $0x1BF5;
	[smem:$0x3FB4] =	sst s0  }
0x18: {  	s0 =	sld [smem:$0x3F97];
	_ =	swait.ge [sflag:s4], $0x0  }
0x19: {  	s7 =	sld [smem:$0x3F98]  }
0x1a: {  	s8 =	sadd.s32 $0xFFFFE003, lr  }
0x1b: {  	s9 =	sadd.s32 $0xFFFFFEF7, lr;
	s5 =	simm.s32 $0xFFFFFFFF;
	p2 =	slt.u32 s8, $0xFFFFF086  }
0x1c: {  	p1 =	slt.u32 s9, $0xF7A;
	s5 =	simm.s32 @!p2 $0x0  }
0x1d: {  	s5 =	simm.s32 @p1 $0x1;
	p0 =	seq.s32 s7, s2  }
0x1e: {  	s7 =	smul.u32 @!p0 $0xF7A, s2;
	p2 =	seq.s32 @!p0 s5, $0x0  }
0x1f: {  	s9 =	smul.u32 $0xF7A, s1;
	s8 =	simm.s32 @!p0 $0x1BF5;
	p2 =	por !p2, p0  }
0x20: {  	[sflag:s8] =	ssyncset.s32 @!p0 $0xFFFFF086;
	s6 =	sadd.s32 @!p0 s3, s7;
	s7 =	simm.s32 @!p0 $0x108  }
0x21: {  	s3 =	sadd.s32 s3, s9;
	s6 =	sadd.s32 @!p0 $0x88, s6;
	s7 =	simm.s32 @p2 $0x1082  }
0x22: {  	[simem:s7], [sflag:s8] =	dma.local @!p0 [hbm:s6], $0xF7A  }
0x23: {  	s9 =	sor.u32 $0xD0000000, s2;
	s6 =	simm.s32 $0x108;
	_ =	swait.ge @!p0 [sflag:s8], $0x0  }
0x24: {  	s3 =	sadd.s32 $0x88, s3;
	s6 =	simm.s32 @!p1 $0x1082;
	[sflag:s4] =	ssyncset.s32 $0xFFFFF086  }
0x25: {  	[simem:s6], [sflag:s4] =	dma.local [hbm:s3], $0xF7A  }
0x26: {  	[smem:$0x3F98] =	sst s1;
	(tag) =	ssettag s2;
	_ =	strace s9  }
0x27: {  	s1 =	sld [smem:$0x3FA8]  }
0x28: {  	s2 =	sld [smem:$0x3FA9]  }
0x29: {  	s4 =	sld [smem:$0x3FAB]  }
0x2a: {  	p0 =	seq.s32 s5, $0x0;
	s5 =	sld [smem:$0x3FAC]  }
0x2b: {  	s6 =	sld [smem:$0x3FAD]  }
0x2c: {  	s7 =	sld [smem:$0x3FAE]  }
0x2d: {  	s3 =	simm.s32 $0x108;
	s8 =	sld [smem:$0x3FAF]  }
0x2e: {  	s3 =	simm.s32 @!p0 $0x1082;
	s9 =	sld [smem:$0x3FB0]  }
0x2f: {  	lr =	sadd.s32 s0, s3;
	s0 =	sld [smem:$0x3FA7]  }
0x30: {  	s3 =	sld [smem:$0x3FAA]  }
0x31: {  	[smem:$0x3FB3] =	sst s10  }
0x32: {  	s10 =	sld [smem:$0x3FB1];
	_ =	sdelay $0x3  }
0x33: {  	p0 =	seq.s32 s10, $0x1;
	s10 =	sld [smem:$0x3FB3];
	_ =	sdelay $0x3  }
0x34: {  	[smem:$0x3FB3] =	sst s10  }
0x35: {  	s10 =	sld [smem:$0x3FB2];
	_ =	sdelay $0x3  }
0x36: {  	p1 =	seq.s32 s10, $0x1;
	s10 =	sld [smem:$0x3FB3];
	_ =	sdelay $0x3  }
0x37: {  	[smem:$0x3FB3] =	sst s10  }
0x38: {  	s10 =	sld [smem:$0x3FB4]  }
0x39: {  	_ = 	snop;
	(pc) =	sbr.ind lr, $3  }
0x3a: {  	_ = 	snop  }
0x3b: {  	_ = 	snop  }
0x3c: {  	p2 =	seq.s32 s10, $0x1;
	s10 =	sld [smem:$0x3FB3]  }
0x3d: {  	_ =	shalt  }
0x3e: {  	_ =	shalt  }
0x3f: {  	_ =	shalt  }
0x40: {  	_ =	shalt  }
0x41: {  	_ =	shalt  }
0x42: {  	_ =	shalt  }
0x43: {  	_ =	shalt  }
0x44: {  	_ =	shalt  }
0x45: {  	_ =	shalt  }
0x46: {  	_ =	shalt  }
0x47: {  	_ =	shalt  }
0x48: {  	_ =	shalt  }
0x49: {  	_ =	shalt  }
0x4a: {  	_ =	shalt  }
0x4b: {  	_ =	shalt  }
0x4c: {  	_ =	shalt  }
0x4d: {  	_ =	shalt  }
0x4e: {  	_ =	shalt  }
0x4f: {  	_ =	shalt  }
0x50: {  	_ =	shalt  }
0x51: {  	_ =	shalt  }
0x52: {  	_ =	shalt  }
0x53: {  	_ =	shalt  }
0x54: {  	_ =	shalt  }
0x55: {  	_ =	shalt  }
0x56: {  	_ =	shalt  }
0x57: {  	_ =	shalt  }
0x58: {  	_ =	shalt  }
0x59: {  	_ =	shalt  }
0x5a: {  	_ =	shalt  }
0x5b: {  	_ =	shalt  }
0x5c: {  	_ =	shalt  }
0x5d: {  	_ =	shalt  }
0x5e: {  	_ =	shalt  }
0x5f: {  	_ =	shalt  }
0x60: {  	_ =	shalt  }
0x61: {  	_ =	shalt  }
0x62: {  	_ =	shalt  }
0x63: {  	_ =	shalt  }
0x64: {  	_ =	shalt  }
0x65: {  	_ =	shalt  }
0x66: {  	_ =	shalt  }
0x67: {  	_ =	shalt  }
0x68: {  	_ =	shalt  }
0x69: {  	_ =	shalt  }
0x6a: {  	_ =	shalt  }
0x6b: {  	_ =	shalt  }
0x6c: {  	_ =	shalt  }
0x6d: {  	_ =	shalt  }
0x6e: {  	_ =	shalt  }
0x6f: {  	_ =	shalt  }
0x70: {  	_ =	shalt  }
0x71: {  	_ =	shalt  }
0x72: {  	_ =	shalt  }
0x73: {  	_ =	shalt  }
0x74: {  	_ =	shalt  }
0x75: {  	_ =	shalt  }
0x76: {  	_ =	shalt  }
0x77: {  	_ =	shalt  }
0x78: {  	_ =	shalt  }
0x79: {  	_ =	shalt  }
0x7a: {  	_ =	shalt  }
0x7b: {  	_ =	shalt  }
0x7c: {  	_ =	shalt  }
0x7d: {  	_ =	shalt  }
0x7e: {  	_ =	shalt  }
0x7f: {  	_ =	shalt  }
0x80: {  	_ =	shalt  }
0x81: {  	_ =	shalt  }
0x82: {  	_ =	shalt  }
0x83: {  	_ =	shalt  }
0x84: {  	_ =	shalt  }
0x85: {  	_ =	shalt  }
0x86: {  	_ =	shalt  }
0x87: {  	_ =	shalt  }
.Lfunc_end0:
.L_simem_size_0:
called_computation.3_lowered:
.L_overlay_start_0:
0x88: {  	s2 =	sld [smem:$0x3FD9]  }
0x89: {  	s3 =	sld [smem:$0x3FFE];
	_ =	sdelay $0x1  }
0x8a: {  	s1 =	srdreg.scid  }
0x8b: {  	s0 =	sand.u32 $0x1, s1  }
0x8c: {  	s14 =	sshll.u32 s0, $0xA;
	s2 =	sadd.s32 s3, s2  }
0x8d: {  	s2 =	sadd.s32 s2, s14  }
0x8e: {  	[smem:$0x3FBF] =	sst s2  }
0x8f: {  	_ = 	snop  }
0x90: {  	s2 =	sld [smem:$0x3FD0];
	_ =	sdelay $0x2  }
0x91: {  	s15 =	simm.s32 $0xA;
	s4 =	simm.s32 $0x10  }
0x92: {  	[smem:s4], [sflag:s15] =	dma.local [hbm:s2], $0x1  }
0x93: {  	_ =	swait.eq [sflag:s15], $0x1  }
0x94: {  	[sflag:s15] =	ssyncset.done $0x0  }
0x95: {  	[sflag:s15] =	ssyncadd.s32 $0xFFFFFFFF  }
0x96: {  	s16 =	sld [smem:$0x11];
	(tm) =	ssettm $0x1  }
0x97: {  	s17 =	sld [smem:$0x3FFB];
	_ =	sdelay $0x3  }
0x98: {  	_ =	strace s17  }
0x99: {  	s3 =	sld [smem:$0x3FFC];
	_ =	sdelay $0x3  }
0x9a: {  	_ =	strace s3  }
0x9b: {  	s3 =	sld [smem:$0x3FFD];
	_ =	sdelay $0x3  }
0x9c: {  	_ =	strace s3  }
0x9d: {  	_ =	strace $0x8FFFFFFF  }
0x9e: {  	s18 =	sld [smem:$0x3FDB];
	_ =	sdelay $0x1  }
0x9f: {  	s19 =	simm.s32 $_scs_section_size  }
0xa0: {  	s5 =	simm.s32 $_size__tile_overlayer_lowered;
	s6 =	simm.s32 $_tile_overlayer_lowered  }
0xa1: {  	s22 =	simm.s32 $0x1BFF;
	s21 =	sshll.u32 s6, $0x1;
	s3 =	sadd.s32 s19, s18  }
0xa2: {  	s7 =	simm.s32 $0x0;
	s20 =	sshll.u32 s5, $0x1;
	s5 =	sadd.s32 s21, s3  }
0xa3: {  	[timem:s7], [sflag:s22] =	dma.local [hbm:s5], s20  }
0xa4: {  	_ =	swait.ge [sflag:s22], s20  }
0xa5: {  	s4 =	ssub.s32 $0x0, s20;
	[sflag:s22] =	ssyncset.done $0x0  }
0xa6: {  	[sflag:s22] =	ssyncadd.s32 s4;
	_ =	sdelay $0x1  }
0xa7: {  	s23 =	simm.s32 $0x1B8B  }
0xa8: {  	_ =	swait.ge [sflag:s23], $0x1  }
0xa9: {  	[sflag:s23] =	ssyncset.done $0x0  }
0xaa: {  	s25 =	simm.s32 $0x1B8E;
	s24 =	sld [smem:$0x3FFE];
	[sflag:s23] =	ssyncadd.s32 $0xFFFFFFFF  }
0xab: {  	s26 =	simm.s32 $execute0_lowered;
	[smem:$0x3FD2] =	sst s25  }
0xac: {  	s5 =	sshll.u32 s26, $0x1;
	_ =	strace $0x8000004F;
	[dreg:$0x1] =	wrdreg $0xFFFFFFFF  }
0xad: {  	s28 =	simm.s32 $_size_execute0_lowered;
	s3 =	sadd.s32 s3, s5;
	[dreg:$0x0] =	wrdreg $0x0  }
0xae: {  	s5 =	sshll.u32 s28, $0x1;
	[dreg:$0x2] =	wrdreg s3  }
0xaf: {  	[dreg:$0x3] =	wrdreg s5  }
0xb0: {  	[dreg:$0x4] =	wrdreg $0xC0  }
0xb1: {  	_ =	task [dreg:s7], $0x5FFFF  }
0xb2: {  	[dreg:$0x1] =	wrdreg $0xFFFFFFFF  }
0xb3: {  	[dreg:$0x0] =	wrdreg $0x60  }
0xb4: {  	[dreg:$0x2] =	wrdreg s24  }
0xb5: {  	[dreg:$0x3] =	wrdreg s16  }
0xb6: {  	[dreg:$0x4] =	wrdreg $0x9F000  }
0xb7: {  	[dreg:$0x5] =	wrdreg $0x9  }
0xb8: {  	_ =	task.clear_ibuf [dreg:s7], $0x6FFFF;
	_ =	strace $0x9000004F  }
0xb9: {  	s29 =	simm.s32 $0x9;
	_ =	strace $0x80000051  }
0xba: {  	_ =	swait.ge [sflag:s29], $0x1  }
0xbb: {  	[sflag:s29] =	ssyncadd.s32 $0xFFFFFFFF  }
0xbc: {  	_ =	strace $0x90000051  }
0xbd: {  	_ =	sfence  }
0xbe: {  	s30 =	sld [smem:$0x0];
	_ =	sdelay $0x2  }
0xbf: {  	s31 =	sshll.u32 s1, $0xD;
	s1 =	sshrl.u32 s1, $0x2  }
0xc0: {  	s3 =	sand.u32 $0x4000, s31;
	s1 =	sadd.s32 s1, s30  }
0xc1: {  	s0 =	sor.u32 s3, s0;
	s1 =	sshll.u32 s1, $0x11  }
0xc2: {  	s0 =	sor.u32 s1, s0  }
0xc3: {  	s0 =	sadd.s32 $0x8F2B, s0  }
0xc4: {  	[sflag:s0] =	ssyncadd.remote.s32 $0x1  }
0xc5: {  	_ =	sfence.sel $0xFFFF  }
0xc6: {  	[dreg:$0x0] =	wrdreg $0xFFFFFFFF;
	(pc) =	sbr.abs _section_cstart, $3  }
0xc7: {  	[dreg:$0x1] =	wrdreg $0xFFFFFFFF  }
0xc8: {  	_ =	task.clear_ibuf [dreg:s7], $0x2FFFF;
	_ =	strace $0x9FFFFFFF  }
0xc9: {  	(tm) =	ssettm $0x7FFFFFFF  }
tec
execute0_lowered:
.L_overlay_start_1:
0x0: {  	(tag) =	ssettag $0x1  }
0x1: {  	s5 =	rddreg [dreg:$0x0]  }
0x2: {  	s6 =	rddreg [dreg:$0x1]  }
0x3: {  	s1 =	rddreg [dreg:$0x2]  }
0x4: {  	s0 =	rddreg [dreg:$0x3];
	s3 =	simm.s32 $0x0  }
0x5: {  	s4 =	srdreg.scid;
	s2 =	stileid.u32;
	s14 =	simm.s32 $0x4F00  }
0x6: {  	s15 =	simm.s32 $0x7700;
	s18 =	simm.s32 $0x1;
	s19 =	simm.s32 $0x2  }
0x7: {  	s20 =	simm.s32 $0x4DA0;
	s21 =	simm.s32 $0x26C0;
	s22 =	simm.s32 $0x4DF0  }
0x8: {  	s23 =	simm.s32 $0x4E40;
	[smem:$0x7FF] =	sst s3;
	s7 =	sand.u32 $0x1, s4  }
0x9: {  	s28 =	sshrl.u32 s2, $0x2;
	s8 =	sshll.u32 s2, $0x8;
	s24 =	smul.u32 $0x2780, s2  }
0xa: {  	s4 =	sadd.s32 $0x67E00, s5;
	s10 =	smul.u32 $0x4F000, s2;
	s16 =	sshll.u32 s2, $0x6  }
0xb: {  	s9 =	smul.u32 $0x13C00, s28;
	s29 =	sshll.u32 s7, $0x7;
	s8 =	sand.u32 $0x300, s8  }
0xc: {  	_ =	strace $0x80000050;
	s30 =	smul.u32 $0x27800, s7;
	s7 =	ssub.s32 $0x2, s7  }
0xd: {  	s16 =	sor.u32 $0x1C03, s16;
	s8 =	sor.u32 s29, s8;
	s12 =	sadd.s32 s24, s5  }
0xe: {  	s13 =	sshrl.u32 s7, $0x1;
	s31 =	sshrl.u32 s10, $0x2;
	s10 =	simm.s32 $0x400  }
0xf: {  	s8 =	sor.u32 s9, s8;
	s9 =	sadd.s32 s30, s5;
	s13 =	ssub.s32 s7, s13  }
0x10: {  	s17 =	sadd.s32 s31, s1;
	s7 =	sadd.s32 $0x8F000, s12;
	s12 =	simm.s32 $0x2780  }
0x11: {  	s8 =	sshrl.u32 s8, $0x3;
	s25 =	sadd.s32 $0x105800, s9;
	s9 =	simm.s32 $0x80  }
0x12: {  	s17 =	sshrl.u32 s17, $0x3;
	s11 =	sadd.s32 s8, s5;
	s5 =	sadd.s32 s6, s8  }
0x13: {  	s8 =	smax.u32 s13, $0x1;
	s13 =	simm.s32 $0x50;
	s24 =	sadd.s32 s24, s25  }
0x14: {  	s25 =	simm.s32 $0x0;
	s6 =	sadd.s32 $0xFC00, s11;
	s11 =	simm.s32 $0x3  }
.LBB2_1:
0x15: {  	[tilespmem:s3], [sflag:$0x3] =	stream.strided.gather [hbm4b:s5+s9], $0x2780, s10, s9, $0x38;
	[tilespmem:$0x1DB00] =	vst v63  }
0x16: {  	_ =	swait.ge [sflag:s11], $0x2780  }
0x17: {  	[sflag:s11] =	ssyncset.done $0x0  }
0x18: {  	[sflag:s11] =	ssyncadd.s32 $0xFFFFD880  }
0x19: {  	[tilespmem:s12], [sflag:$0x3] =	stream.strided.gather [hbm4b:s6+s9], $0x2780, s10, s9, $0x38;
	[tilespmem:$0x1DB00] =	vst v63  }
0x1a: {  	_ =	swait.ge [sflag:s11], $0x2780  }
0x1b: {  	[sflag:s11] =	ssyncset.done $0x0  }
0x1c: {  	[sflag:s11] =	ssyncadd.s32 $0xFFFFD880  }
0x1d: {  	[tilespmem:s14], [sflag:$0x1] =	stream.indirect.gather [hbm4b:s4+s13], $0x80, s3, s13, $0xb8;
	[tilespmem:$0x1DB00] =	vst v63  }
0x1e: {  	_ = 	snop  }
0x1f: {  	[tilespmem:s15], [sflag:$0x2] =	stream.indirect.gather [hbm4b:s4+s13], $0x80, s13, s13, $0xb8;
	[tilespmem:$0x1DB00] =	vst v63  }
0x20: {  	[spmem:s17], [sflag:s16] =	dma.local [hbm:s7], $0x2780  }
0x21: {  	_ =	swait.ge [sflag:s11], $0x2780  }
0x22: {  	[sflag:s11] =	ssyncset.done $0x0  }
0x23: {  	[sflag:s11] =	ssyncadd.s32 $0xFFFFD880  }
0x24: {  	[bflag:$0x0] =	sbarrier.arrive $0xFFFF  }
0x25: {  	_ =	swait.ge [sflag:s18], $0x2800  }
0x26: {  	[sflag:s18] =	ssyncset.done $0x0  }
0x27: {  	s26 =	simm.s32 $0x2780;
	[sflag:s18] =	ssyncadd.s32 $0xFFFFD800  }
0x28: {  	[spmem:s1] =	stream.indirect.scatter.add.f32 [tilespmem:s14], [sflag:$0x3], $0x80, s26, s13, $0xb8;
	[tilespmem:$0x1DB00] =	vst v63  }
0x29: {  	_ =	swait.ge [sflag:s11], $0x2800  }
0x2a: {  	[sflag:s11] =	ssyncset.done $0x0  }
0x2b: {  	s30 =	simm.s32 $0xA0;
	[sflag:s11] =	ssyncadd.s32 $0xFFFFD800  }
0x2c: {  	[tilespmem:s14], [sflag:$0x1] =	stream.indirect.gather [hbm4b:s4+s13], $0x80, s30, s13, $0xb8;
	[tilespmem:$0x1DB00] =	vst v63  }
0x2d: {  	_ =	swait.ge [sflag:s19], $0x2800  }
0x2e: {  	[sflag:s19] =	ssyncset.done $0x0  }
0x2f: {  	s31 =	simm.s32 $0x27D0;
	[sflag:s19] =	ssyncadd.s32 $0xFFFFD800  }
0x30: {  	[spmem:s1] =	stream.indirect.scatter.add.f32 [tilespmem:s15], [sflag:$0x3], $0x80, s31, s13, $0xb8;
	[tilespmem:$0x1DB00] =	vst v63  }
0x31: {  	_ =	swait.ge [sflag:s11], $0x2800  }
0x32: {  	[sflag:s11] =	ssyncset.done $0x0  }
0x33: {  	s28 =	simm.s32 $0xF0;
	s26 =	simm.s32 $0x280;
	[sflag:s11] =	ssyncadd.s32 $0xFFFFD800  }
.LBB2_2:
0x34: {  	[tilespmem:s15], [sflag:$0x2] =	stream.indirect.gather [hbm4b:s4+s13], $0x80, s28, s13, $0xb8;
	[tilespmem:$0x1DB00] =	vst v63  }
0x35: {  	s28 =	smov.u32 s26  }
0x36: {  	p0 =	sne.s32 s26, $0x9600;
	s26 =	sadd.s32 $0x280, s26;
	_ =	swait.ge [sflag:s18], $0x2800  }
0x37: {  	s28 =	sshra.s32 s28, $0x2;
	[sflag:s18] =	ssyncset.done $0x0  }
0x38: {  	s29 =	sadd.s32 $0x2780, s28;
	[sflag:s18] =	ssyncadd.s32 $0xFFFFD800  }
0x39: {  	[spmem:s1] =	stream.indirect.scatter.add.f32 [tilespmem:s14], [sflag:$0x3], $0x80, s29, s13, $0xb8;
	[tilespmem:$0x1DB00] =	vst v63  }
0x3a: {  	_ =	swait.ge [sflag:s11], $0x2800  }
0x3b: {  	[sflag:s11] =	ssyncset.done $0x0  }
0x3c: {  	s29 =	sadd.s32 $0xA0, s28;
	[sflag:s11] =	ssyncadd.s32 $0xFFFFD800  }
0x3d: {  	[tilespmem:s14], [sflag:$0x1] =	stream.indirect.gather [hbm4b:s4+s13], $0x80, s29, s13, $0xb8;
	[tilespmem:$0x1DB00] =	vst v63  }
0x3e: {  	_ =	swait.ge [sflag:s19], $0x2800  }
0x3f: {  	[sflag:s19] =	ssyncset.done $0x0  }
.Ltmp0:
0x40: {  	s29 =	sadd.s32 $0x27D0, s28;
	[sflag:s19] =	ssyncadd.s32 $0xFFFFD800;
	(pc) =	sbr.rel @p0 .LBB2_2-.Ltmp0, $4  }
0x41: {  	[spmem:s1] =	stream.indirect.scatter.add.f32 [tilespmem:s15], [sflag:$0x3], $0x80, s29, s13, $0xb8;
	[tilespmem:$0x1DB00] =	vst v63  }
0x42: {  	_ =	swait.ge [sflag:s11], $0x2800  }
0x43: {  	[sflag:s11] =	ssyncset.done $0x0  }
0x44: {  	s28 =	sadd.s32 $0xF0, s28;
	[sflag:s11] =	ssyncadd.s32 $0xFFFFD800  }
0x45: {  	[tilespmem:s15], [sflag:$0x2] =	stream.indirect.gather [hbm4b:s4+s13], $0x80, s28, s13, $0xb8;
	[tilespmem:$0x1DB00] =	vst v63  }
0x46: {  	_ =	swait.ge [sflag:s18], $0x2800  }
0x47: {  	[sflag:s18] =	ssyncset.done $0x0  }
0x48: {  	[sflag:s18] =	ssyncadd.s32 $0xFFFFD800  }
0x49: {  	[spmem:s1] =	stream.indirect.scatter.add.f32 [tilespmem:s14], [sflag:$0x3], $0x80, s20, s13, $0xb8;
	[tilespmem:$0x1DB00] =	vst v63  }
0x4a: {  	_ =	swait.ge [sflag:s11], $0x2800  }
0x4b: {  	[sflag:s11] =	ssyncset.done $0x0  }
0x4c: {  	[sflag:s11] =	ssyncadd.s32 $0xFFFFD800  }
0x4d: {  	[tilespmem:s14], [sflag:$0x1] =	stream.indirect.gather [hbm4b:s4+s13], $0x80, s21, s13, $0xb8;
	[tilespmem:$0x1DB00] =	vst v63  }
0x4e: {  	_ =	swait.ge [sflag:s19], $0x2800  }
0x4f: {  	[sflag:s19] =	ssyncset.done $0x0  }
0x50: {  	[sflag:s19] =	ssyncadd.s32 $0xFFFFD800  }
0x51: {  	[spmem:s1] =	stream.indirect.scatter.add.f32 [tilespmem:s15], [sflag:$0x3], $0x80, s22, s13, $0xb8;
	[tilespmem:$0x1DB00] =	vst v63  }
0x52: {  	_ =	swait.ge [sflag:s11], $0x2800  }
0x53: {  	[sflag:s11] =	ssyncset.done $0x0  }
0x54: {  	[sflag:s11] =	ssyncadd.s32 $0xFFFFD800  }
0x55: {  	_ =	swait.ge [sflag:s18], $0x2800  }
0x56: {  	[sflag:s18] =	ssyncset.done $0x0  }
0x57: {  	[sflag:s18] =	ssyncadd.s32 $0xFFFFD800  }
0x58: {  	[spmem:s1] =	stream.indirect.scatter.add.f32 [tilespmem:s14], [sflag:$0x3], $0x80, s23, s13, $0xb8;
	[tilespmem:$0x1DB00] =	vst v63  }
0x59: {  	_ =	swait.ge [sflag:s11], $0x2800  }
0x5a: {  	s25 =	sadd.s32 $0x1, s25;
	[sflag:s11] =	ssyncset.done $0x0  }
0x5b: {  	p0 =	sne.s32 s25, s8;
	[sflag:s11] =	ssyncadd.s32 $0xFFFFD800  }
.Ltmp1:
0x5c: {  	[bflag:$0x0] =	sbarrier.arrive $0xFFFF;
	(pc) =	sbr.rel @p0 .LBB2_1-.Ltmp1, $4  }
0x5d: {  	[hbm:s24], [sflag:s16] =	dma.local [spmem:s17], $0x2780  }
0x5e: {  	_ =	swait.ge [sflag:s11], $0x2780  }
0x5f: {  	[sflag:s11] =	ssyncset.done $0x0  }
0x60: {  	[sflag:s11] =	ssyncadd.s32 $0xFFFFD880  }
0x61: {  	_ =	sfence.sel $0x180000  }
0x62: {  	[bflag:$0x0] =	sbarrier.arrive $0xFFFF  }
0x63: {  	p0 =	sne.s32 s2, $0x0;
	_ =	strace $0x90000050  }
0x64: {  	s0 =	sadd.s32 @!p0 $0x100000, s0;
	[bflag:$0x2] =	sbarrier.arrive $0xFFFF  }
0x65: {  	[sflag:s0] =	ssyncadd.tile.s32 @!p0 $0x1;
	_ =	shalt  }
.Lfunc_end2:
_tile_overlayer_lowered:
.L_overlay_start_2:
0x66: {  	(tag) =	ssettag $0x2  }
0x67: {  	s0 =	rddreg [dreg:$0x0];
	s2 =	stileid.u32  }
0x68: {  	s1 =	rddreg [dreg:$0x1];
	p0 =	sne.s32 s2, $0x0  }
0x69: {  	s3 =	rddreg [dreg:$0x2];
	[bflag:$0x3] =	sbarrier.arrive $0xFFFF;
	s2 =	simm.s32 @!p0 $0x1C03  }
0x6a: {  	[timem:s3], [sflag:s2] =	dma.local @!p0 [hbm:s0], s1  }
0x6b: {  	s0 =	simm.s32 @!p0 $0x3  }
0x6c: {  	_ =	swait.ge @!p0 [sflag:s0], s1  }
0x6d: {  	s1 =	ssub.s32 @!p0 $0x0, s1;
	[sflag:s0] =	ssyncset.done @!p0 $0x0  }
0x6e: {  	[sflag:s0] =	ssyncadd.s32 @!p0 s1  }
0x6f: {  	[bflag:$0x3] =	sbarrier.arrive $0xFFFF  }
0x70: {  	_ =	shalt  }

// kernel: kernel.21.cloned.1.call-start
scs
__scs_entry_jumppad:
0x0: {  	(pc) =	sbr.rel $0x88, $3  }
0x1: {  	(tag) =	ssettag $0x0;
	lr =	simm.s32 $0x1  }
0x2: {  	[smem:$0x3F98] =	sst lr;
	_ =	strace $0xD0000000  }
0x3: {  	_ = 	snop  }
0x4: {  	_ = 	snop  }
0x5: {  	_ = 	snop  }
0x6: {  	_ = 	snop  }
0x7: {  	_ = 	snop  }
__scs_overlays_trampoline_lowered:
0x8: {  	[smem:$0x3FA7] =	sst s0  }
0x9: {  	[smem:$0x3FA8] =	sst s1  }
0xa: {  	[smem:$0x3FA9] =	sst s2  }
0xb: {  	[smem:$0x3FAA] =	sst s3  }
0xc: {  	[smem:$0x3FAB] =	sst s4  }
0xd: {  	[smem:$0x3FAC] =	sst s5  }
0xe: {  	[smem:$0x3FAD] =	sst s6  }
0xf: {  	[smem:$0x3FAE] =	sst s7  }
0x10: {  	[smem:$0x3FAF] =	sst s8  }
0x11: {  	[smem:$0x3FB0] =	sst s9;
	s0 =	simm.s32 @!p0 $0x0  }
0x12: {  	s1 =	sld [smem:$0x3F96];
	s0 =	simm.s32 @p0 $0x1  }
0x13: {  	[smem:$0x3FB1] =	sst s0;
	s0 =	simm.s32 @!p1 $0x0  }
0x14: {  	s2 =	sld [smem:$0x3F95];
	s0 =	simm.s32 @p1 $0x1  }
0x15: {  	[smem:$0x3FB2] =	sst s0;
	s0 =	simm.s32 @!p2 $0x0  }
0x16: {  	s3 =	sld [smem:$0x3FDB];
	s0 =	simm.s32 @p2 $0x1  }
0x17: {  	s4 =	simm.s32 $0x1BF5;
	[smem:$0x3FB4] =	sst s0  }
0x18: {  	s0 =	sld [smem:$0x3F97];
	_ =	swait.ge [sflag:s4], $0x0  }
0x19: {  	s7 =	sld [smem:$0x3F98]  }
0x1a: {  	s8 =	sadd.s32 $0xFFFFE003, lr  }
0x1b: {  	s9 =	sadd.s32 $0xFFFFFEF7, lr;
	s5 =	simm.s32 $0xFFFFFFFF;
	p2 =	slt.u32 s8, $0xFFFFF086  }
0x1c: {  	p1 =	slt.u32 s9, $0xF7A;
	s5 =	simm.s32 @!p2 $0x0  }
0x1d: {  	s5 =	simm.s32 @p1 $0x1;
	p0 =	seq.s32 s7, s2  }
0x1e: {  	s7 =	smul.u32 @!p0 $0xF7A, s2;
	p2 =	seq.s32 @!p0 s5, $0x0  }
0x1f: {  	s9 =	smul.u32 $0xF7A, s1;
	s8 =	simm.s32 @!p0 $0x1BF5;
	p2 =	por !p2, p0  }
0x20: {  	[sflag:s8] =	ssyncset.s32 @!p0 $0xFFFFF086;
	s6 =	sadd.s32 @!p0 s3, s7;
	s7 =	simm.s32 @!p0 $0x108  }
0x21: {  	s3 =	sadd.s32 s3, s9;
	s6 =	sadd.s32 @!p0 $0x88, s6;
	s7 =	simm.s32 @p2 $0x1082  }
0x22: {  	[simem:s7], [sflag:s8] =	dma.local @!p0 [hbm:s6], $0xF7A  }
0x23: {  	s9 =	sor.u32 $0xD0000000, s2;
	s6 =	simm.s32 $0x108;
	_ =	swait.ge @!p0 [sflag:s8], $0x0  }
0x24: {  	s3 =	sadd.s32 $0x88, s3;
	s6 =	simm.s32 @!p1 $0x1082;
	[sflag:s4] =	ssyncset.s32 $0xFFFFF086  }
0x25: {  	[simem:s6], [sflag:s4] =	dma.local [hbm:s3], $0xF7A  }
0x26: {  	[smem:$0x3F98] =	sst s1;
	(tag) =	ssettag s2;
	_ =	strace s9  }
0x27: {  	s1 =	sld [smem:$0x3FA8]  }
0x28: {  	s2 =	sld [smem:$0x3FA9]  }
0x29: {  	s4 =	sld [smem:$0x3FAB]  }
0x2a: {  	p0 =	seq.s32 s5, $0x0;
	s5 =	sld [smem:$0x3FAC]  }
0x2b: {  	s6 =	sld [smem:$0x3FAD]  }
0x2c: {  	s7 =	sld [smem:$0x3FAE]  }
0x2d: {  	s3 =	simm.s32 $0x108;
	s8 =	sld [smem:$0x3FAF]  }
0x2e: {  	s3 =	simm.s32 @!p0 $0x1082;
	s9 =	sld [smem:$0x3FB0]  }
0x2f: {  	lr =	sadd.s32 s0, s3;
	s0 =	sld [smem:$0x3FA7]  }
0x30: {  	s3 =	sld [smem:$0x3FAA]  }
0x31: {  	[smem:$0x3FB3] =	sst s10  }
0x32: {  	s10 =	sld [smem:$0x3FB1];
	_ =	sdelay $0x3  }
0x33: {  	p0 =	seq.s32 s10, $0x1;
	s10 =	sld [smem:$0x3FB3];
	_ =	sdelay $0x3  }
0x34: {  	[smem:$0x3FB3] =	sst s10  }
0x35: {  	s10 =	sld [smem:$0x3FB2];
	_ =	sdelay $0x3  }
0x36: {  	p1 =	seq.s32 s10, $0x1;
	s10 =	sld [smem:$0x3FB3];
	_ =	sdelay $0x3  }
0x37: {  	[smem:$0x3FB3] =	sst s10  }
0x38: {  	s10 =	sld [smem:$0x3FB4]  }
0x39: {  	_ = 	snop;
	(pc) =	sbr.ind lr, $3  }
0x3a: {  	_ = 	snop  }
0x3b: {  	_ = 	snop  }
0x3c: {  	p2 =	seq.s32 s10, $0x1;
	s10 =	sld [smem:$0x3FB3]  }
0x3d: {  	_ =	shalt  }
0x3e: {  	_ =	shalt  }
0x3f: {  	_ =	shalt  }
0x40: {  	_ =	shalt  }
0x41: {  	_ =	shalt  }
0x42: {  	_ =	shalt  }
0x43: {  	_ =	shalt  }
0x44: {  	_ =	shalt  }
0x45: {  	_ =	shalt  }
0x46: {  	_ =	shalt  }
0x47: {  	_ =	shalt  }
0x48: {  	_ =	shalt  }
0x49: {  	_ =	shalt  }
0x4a: {  	_ =	shalt  }
0x4b: {  	_ =	shalt  }
0x4c: {  	_ =	shalt  }
0x4d: {  	_ =	shalt  }
0x4e: {  	_ =	shalt  }
0x4f: {  	_ =	shalt  }
0x50: {  	_ =	shalt  }
0x51: {  	_ =	shalt  }
0x52: {  	_ =	shalt  }
0x53: {  	_ =	shalt  }
0x54: {  	_ =	shalt  }
0x55: {  	_ =	shalt  }
0x56: {  	_ =	shalt  }
0x57: {  	_ =	shalt  }
0x58: {  	_ =	shalt  }
0x59: {  	_ =	shalt  }
0x5a: {  	_ =	shalt  }
0x5b: {  	_ =	shalt  }
0x5c: {  	_ =	shalt  }
0x5d: {  	_ =	shalt  }
0x5e: {  	_ =	shalt  }
0x5f: {  	_ =	shalt  }
0x60: {  	_ =	shalt  }
0x61: {  	_ =	shalt  }
0x62: {  	_ =	shalt  }
0x63: {  	_ =	shalt  }
0x64: {  	_ =	shalt  }
0x65: {  	_ =	shalt  }
0x66: {  	_ =	shalt  }
0x67: {  	_ =	shalt  }
0x68: {  	_ =	shalt  }
0x69: {  	_ =	shalt  }
0x6a: {  	_ =	shalt  }
0x6b: {  	_ =	shalt  }
0x6c: {  	_ =	shalt  }
0x6d: {  	_ =	shalt  }
0x6e: {  	_ =	shalt  }
0x6f: {  	_ =	shalt  }
0x70: {  	_ =	shalt  }
0x71: {  	_ =	shalt  }
0x72: {  	_ =	shalt  }
0x73: {  	_ =	shalt  }
0x74: {  	_ =	shalt  }
0x75: {  	_ =	shalt  }
0x76: {  	_ =	shalt  }
0x77: {  	_ =	shalt  }
0x78: {  	_ =	shalt  }
0x79: {  	_ =	shalt  }
0x7a: {  	_ =	shalt  }
0x7b: {  	_ =	shalt  }
0x7c: {  	_ =	shalt  }
0x7d: {  	_ =	shalt  }
0x7e: {  	_ =	shalt  }
0x7f: {  	_ =	shalt  }
0x80: {  	_ =	shalt  }
0x81: {  	_ =	shalt  }
0x82: {  	_ =	shalt  }
0x83: {  	_ =	shalt  }
0x84: {  	_ =	shalt  }
0x85: {  	_ =	shalt  }
0x86: {  	_ =	shalt  }
0x87: {  	_ =	shalt  }
.Lfunc_end0:
.L_simem_size_0:
called_computation.4_lowered:
.L_overlay_start_0:
0x88: {  	s2 =	sld [smem:$0x3FD9]  }
0x89: {  	s3 =	sld [smem:$0x3FFE];
	_ =	sdelay $0x1  }
0x8a: {  	s1 =	srdreg.scid  }
0x8b: {  	s0 =	sand.u32 $0x1, s1  }
0x8c: {  	s14 =	sshll.u32 s0, $0xA;
	s2 =	sadd.s32 s3, s2  }
0x8d: {  	s2 =	sadd.s32 s2, s14  }
0x8e: {  	[smem:$0x3FBF] =	sst s2  }
0x8f: {  	_ = 	snop  }
0x90: {  	s2 =	sld [smem:$0x3FD0];
	_ =	sdelay $0x2  }
0x91: {  	s15 =	simm.s32 $0xA;
	s4 =	simm.s32 $0x10  }
0x92: {  	[smem:s4], [sflag:s15] =	dma.local [hbm:s2], $0x1  }
0x93: {  	_ =	swait.eq [sflag:s15], $0x1  }
0x94: {  	[sflag:s15] =	ssyncset.done $0x0  }
0x95: {  	[sflag:s15] =	ssyncadd.s32 $0xFFFFFFFF  }
0x96: {  	s16 =	sld [smem:$0x11];
	(tm) =	ssettm $0x1  }
0x97: {  	s17 =	sld [smem:$0x3FFB];
	_ =	sdelay $0x3  }
0x98: {  	_ =	strace s17  }
0x99: {  	s3 =	sld [smem:$0x3FFC];
	_ =	sdelay $0x3  }
0x9a: {  	_ =	strace s3  }
0x9b: {  	s3 =	sld [smem:$0x3FFD];
	_ =	sdelay $0x3  }
0x9c: {  	_ =	strace s3  }
0x9d: {  	_ =	strace $0x8FFFFFFF  }
0x9e: {  	s18 =	sld [smem:$0x3FDB];
	_ =	sdelay $0x1  }
0x9f: {  	s19 =	simm.s32 $_scs_section_size  }
0xa0: {  	s5 =	simm.s32 $_size__tile_overlayer_lowered;
	s6 =	simm.s32 $_tile_overlayer_lowered  }
0xa1: {  	s22 =	simm.s32 $0x1BFF;
	s21 =	sshll.u32 s6, $0x1;
	s3 =	sadd.s32 s19, s18  }
0xa2: {  	s7 =	simm.s32 $0x0;
	s20 =	sshll.u32 s5, $0x1;
	s5 =	sadd.s32 s21, s3  }
0xa3: {  	[timem:s7], [sflag:s22] =	dma.local [hbm:s5], s20  }
0xa4: {  	_ =	swait.ge [sflag:s22], s20  }
0xa5: {  	s4 =	ssub.s32 $0x0, s20;
	[sflag:s22] =	ssyncset.done $0x0  }
0xa6: {  	[sflag:s22] =	ssyncadd.s32 s4;
	_ =	sdelay $0x1  }
0xa7: {  	s23 =	simm.s32 $0x1B8B  }
0xa8: {  	_ =	swait.ge [sflag:s23], $0x1  }
0xa9: {  	[sflag:s23] =	ssyncset.done $0x0  }
0xaa: {  	s25 =	simm.s32 $0x1B8E;
	s24 =	sld [smem:$0x3FFE];
	[sflag:s23] =	ssyncadd.s32 $0xFFFFFFFF  }
0xab: {  	s26 =	simm.s32 $execute0_lowered;
	[smem:$0x3FD2] =	sst s25  }
0xac: {  	s5 =	sshll.u32 s26, $0x1;
	_ =	strace $0x80000052;
	[dreg:$0x1] =	wrdreg $0xFFFFFFFF  }
0xad: {  	s28 =	simm.s32 $_size_execute0_lowered;
	s3 =	sadd.s32 s3, s5;
	[dreg:$0x0] =	wrdreg $0x0  }
0xae: {  	s5 =	sshll.u32 s28, $0x1;
	[dreg:$0x2] =	wrdreg s3  }
0xaf: {  	[dreg:$0x3] =	wrdreg s5  }
0xb0: {  	[dreg:$0x4] =	wrdreg $0xC0  }
0xb1: {  	_ =	task [dreg:s7], $0x5FFFF  }
0xb2: {  	[dreg:$0x1] =	wrdreg $0xFFFFFFFF  }
0xb3: {  	[dreg:$0x0] =	wrdreg $0x60  }
0xb4: {  	[dreg:$0x2] =	wrdreg s24  }
0xb5: {  	[dreg:$0x3] =	wrdreg s16  }
0xb6: {  	[dreg:$0x4] =	wrdreg $0x9F000  }
0xb7: {  	[dreg:$0x5] =	wrdreg $0x9  }
0xb8: {  	_ =	task.clear_ibuf [dreg:s7], $0x6FFFF;
	_ =	strace $0x90000052  }
0xb9: {  	s29 =	simm.s32 $0x9;
	_ =	strace $0x80000054  }
0xba: {  	_ =	swait.ge [sflag:s29], $0x1  }
0xbb: {  	[sflag:s29] =	ssyncadd.s32 $0xFFFFFFFF  }
0xbc: {  	_ =	strace $0x90000054  }
0xbd: {  	_ =	sfence  }
0xbe: {  	s30 =	sld [smem:$0x0];
	_ =	sdelay $0x2  }
0xbf: {  	s31 =	sshll.u32 s1, $0xD;
	s1 =	sshrl.u32 s1, $0x2  }
0xc0: {  	s3 =	sand.u32 $0x4000, s31;
	s1 =	sadd.s32 s1, s30  }
0xc1: {  	s0 =	sor.u32 s3, s0;
	s1 =	sshll.u32 s1, $0x11  }
0xc2: {  	s0 =	sor.u32 s1, s0  }
0xc3: {  	s0 =	sadd.s32 $0x8F2B, s0  }
0xc4: {  	[sflag:s0] =	ssyncadd.remote.s32 $0x1  }
0xc5: {  	_ =	sfence.sel $0xFFFF  }
0xc6: {  	[dreg:$0x0] =	wrdreg $0xFFFFFFFF;
	(pc) =	sbr.abs _section_cstart, $3  }
0xc7: {  	[dreg:$0x1] =	wrdreg $0xFFFFFFFF  }
0xc8: {  	_ =	task.clear_ibuf [dreg:s7], $0x2FFFF;
	_ =	strace $0x9FFFFFFF  }
0xc9: {  	(tm) =	ssettm $0x7FFFFFFF  }
tec
execute0_lowered:
.L_overlay_start_1:
0x0: {  	(tag) =	ssettag $0x1  }
0x1: {  	s5 =	rddreg [dreg:$0x0]  }
0x2: {  	s6 =	rddreg [dreg:$0x1]  }
0x3: {  	s1 =	rddreg [dreg:$0x2]  }
0x4: {  	s0 =	rddreg [dreg:$0x3];
	s3 =	simm.s32 $0x0  }
0x5: {  	s4 =	srdreg.scid;
	s2 =	stileid.u32;
	s14 =	simm.s32 $0x4F00  }
0x6: {  	s15 =	simm.s32 $0x7700;
	s18 =	simm.s32 $0x1;
	s19 =	simm.s32 $0x2  }
0x7: {  	s20 =	simm.s32 $0x4DA0;
	s21 =	simm.s32 $0x26C0;
	s22 =	simm.s32 $0x4DF0  }
0x8: {  	s23 =	simm.s32 $0x4E40;
	[smem:$0x7FF] =	sst s3;
	s7 =	sand.u32 $0x1, s4  }
0x9: {  	s28 =	sshrl.u32 s2, $0x2;
	s8 =	sshll.u32 s2, $0x8;
	s24 =	smul.u32 $0x2780, s2  }
0xa: {  	s4 =	sadd.s32 $0x67E00, s5;
	s10 =	smul.u32 $0x4F000, s2;
	s16 =	sshll.u32 s2, $0x6  }
0xb: {  	s9 =	smul.u32 $0x13C00, s28;
	s29 =	sshll.u32 s7, $0x7;
	s8 =	sand.u32 $0x300, s8  }
0xc: {  	_ =	strace $0x80000053;
	s30 =	smul.u32 $0x27800, s7;
	s7 =	ssub.s32 $0x2, s7  }
0xd: {  	s16 =	sor.u32 $0x1C03, s16;
	s8 =	sor.u32 s29, s8;
	s12 =	sadd.s32 s24, s5  }
0xe: {  	s13 =	sshrl.u32 s7, $0x1;
	s31 =	sshrl.u32 s10, $0x2;
	s10 =	simm.s32 $0x400  }
0xf: {  	s8 =	sor.u32 s9, s8;
	s9 =	sadd.s32 s30, s5;
	s13 =	ssub.s32 s7, s13  }
0x10: {  	s17 =	sadd.s32 s31, s1;
	s7 =	sadd.s32 $0x8F000, s12;
	s12 =	simm.s32 $0x2780  }
0x11: {  	s8 =	sshrl.u32 s8, $0x3;
	s25 =	sadd.s32 $0x105800, s9;
	s9 =	simm.s32 $0x80  }
0x12: {  	s17 =	sshrl.u32 s17, $0x3;
	s11 =	sadd.s32 s8, s5;
	s5 =	sadd.s32 s6, s8  }
0x13: {  	s8 =	smax.u32 s13, $0x1;
	s13 =	simm.s32 $0x50;
	s24 =	sadd.s32 s24, s25  }
0x14: {  	s25 =	simm.s32 $0x0;
	s6 =	sadd.s32 $0xFC00, s11;
	s11 =	simm.s32 $0x3  }
.LBB2_1:
0x15: {  	[tilespmem:s3], [sflag:$0x3] =	stream.strided.gather [hbm4b:s5+s9], $0x2780, s10, s9, $0x38;
	[tilespmem:$0x1DB00] =	vst v63  }
0x16: {  	_ =	swait.ge [sflag:s11], $0x2780  }
0x17: {  	[sflag:s11] =	ssyncset.done $0x0  }
0x18: {  	[sflag:s11] =	ssyncadd.s32 $0xFFFFD880  }
0x19: {  	[tilespmem:s12], [sflag:$0x3] =	stream.strided.gather [hbm4b:s6+s9], $0x2780, s10, s9, $0x38;
	[tilespmem:$0x1DB00] =	vst v63  }
0x1a: {  	_ =	swait.ge [sflag:s11], $0x2780  }
0x1b: {  	[sflag:s11] =	ssyncset.done $0x0  }
0x1c: {  	[sflag:s11] =	ssyncadd.s32 $0xFFFFD880  }
0x1d: {  	[tilespmem:s14], [sflag:$0x1] =	stream.indirect.gather [hbm4b:s4+s13], $0x80, s3, s13, $0xb8;
	[tilespmem:$0x1DB00] =	vst v63  }
0x1e: {  	_ = 	snop  }
0x1f: {  	[tilespmem:s15], [sflag:$0x2] =	stream.indirect.gather [hbm4b:s4+s13], $0x80, s13, s13, $0xb8;
	[tilespmem:$0x1DB00] =	vst v63  }
0x20: {  	[spmem:s17], [sflag:s16] =	dma.local [hbm:s7], $0x2780  }
0x21: {  	_ =	swait.ge [sflag:s11], $0x2780  }
0x22: {  	[sflag:s11] =	ssyncset.done $0x0  }
0x23: {  	[sflag:s11] =	ssyncadd.s32 $0xFFFFD880  }
0x24: {  	[bflag:$0x0] =	sbarrier.arrive $0xFFFF  }
0x25: {  	_ =	swait.ge [sflag:s18], $0x2800  }
0x26: {  	[sflag:s18] =	ssyncset.done $0x0  }
0x27: {  	s26 =	simm.s32 $0x2780;
	[sflag:s18] =	ssyncadd.s32 $0xFFFFD800  }
0x28: {  	[spmem:s1] =	stream.indirect.scatter.add.f32 [tilespmem:s14], [sflag:$0x3], $0x80, s26, s13, $0xb8;
	[tilespmem:$0x1DB00] =	vst v63  }
0x29: {  	_ =	swait.ge [sflag:s11], $0x2800  }
0x2a: {  	[sflag:s11] =	ssyncset.done $0x0  }
0x2b: {  	s30 =	simm.s32 $0xA0;
	[sflag:s11] =	ssyncadd.s32 $0xFFFFD800  }
0x2c: {  	[tilespmem:s14], [sflag:$0x1] =	stream.indirect.gather [hbm4b:s4+s13], $0x80, s30, s13, $0xb8;
	[tilespmem:$0x1DB00] =	vst v63  }
0x2d: {  	_ =	swait.ge [sflag:s19], $0x2800  }
0x2e: {  	[sflag:s19] =	ssyncset.done $0x0  }
0x2f: {  	s31 =	simm.s32 $0x27D0;
	[sflag:s19] =	ssyncadd.s32 $0xFFFFD800  }
0x30: {  	[spmem:s1] =	stream.indirect.scatter.add.f32 [tilespmem:s15], [sflag:$0x3], $0x80, s31, s13, $0xb8;
	[tilespmem:$0x1DB00] =	vst v63  }
0x31: {  	_ =	swait.ge [sflag:s11], $0x2800  }
0x32: {  	[sflag:s11] =	ssyncset.done $0x0  }
0x33: {  	s28 =	simm.s32 $0xF0;
	s26 =	simm.s32 $0x280;
	[sflag:s11] =	ssyncadd.s32 $0xFFFFD800  }
.LBB2_2:
0x34: {  	[tilespmem:s15], [sflag:$0x2] =	stream.indirect.gather [hbm4b:s4+s13], $0x80, s28, s13, $0xb8;
	[tilespmem:$0x1DB00] =	vst v63  }
0x35: {  	s28 =	smov.u32 s26  }
0x36: {  	p0 =	sne.s32 s26, $0x9600;
	s26 =	sadd.s32 $0x280, s26;
	_ =	swait.ge [sflag:s18], $0x2800  }
0x37: {  	s28 =	sshra.s32 s28, $0x2;
	[sflag:s18] =	ssyncset.done $0x0  }
0x38: {  	s29 =	sadd.s32 $0x2780, s28;
	[sflag:s18] =	ssyncadd.s32 $0xFFFFD800  }
0x39: {  	[spmem:s1] =	stream.indirect.scatter.add.f32 [tilespmem:s14], [sflag:$0x3], $0x80, s29, s13, $0xb8;
	[tilespmem:$0x1DB00] =	vst v63  }
0x3a: {  	_ =	swait.ge [sflag:s11], $0x2800  }
0x3b: {  	[sflag:s11] =	ssyncset.done $0x0  }
0x3c: {  	s29 =	sadd.s32 $0xA0, s28;
	[sflag:s11] =	ssyncadd.s32 $0xFFFFD800  }
0x3d: {  	[tilespmem:s14], [sflag:$0x1] =	stream.indirect.gather [hbm4b:s4+s13], $0x80, s29, s13, $0xb8;
	[tilespmem:$0x1DB00] =	vst v63  }
0x3e: {  	_ =	swait.ge [sflag:s19], $0x2800  }
0x3f: {  	[sflag:s19] =	ssyncset.done $0x0  }
.Ltmp0:
0x40: {  	s29 =	sadd.s32 $0x27D0, s28;
	[sflag:s19] =	ssyncadd.s32 $0xFFFFD800;
	(pc) =	sbr.rel @p0 .LBB2_2-.Ltmp0, $4  }
0x41: {  	[spmem:s1] =	stream.indirect.scatter.add.f32 [tilespmem:s15], [sflag:$0x3], $0x80, s29, s13, $0xb8;
	[tilespmem:$0x1DB00] =	vst v63  }
0x42: {  	_ =	swait.ge [sflag:s11], $0x2800  }
0x43: {  	[sflag:s11] =	ssyncset.done $0x0  }
0x44: {  	s28 =	sadd.s32 $0xF0, s28;
	[sflag:s11] =	ssyncadd.s32 $0xFFFFD800  }
0x45: {  	[tilespmem:s15], [sflag:$0x2] =	stream.indirect.gather [hbm4b:s4+s13], $0x80, s28, s13, $0xb8;
	[tilespmem:$0x1DB00] =	vst v63  }
0x46: {  	_ =	swait.ge [sflag:s18], $0x2800  }
0x47: {  	[sflag:s18] =	ssyncset.done $0x0  }
0x48: {  	[sflag:s18] =	ssyncadd.s32 $0xFFFFD800  }
0x49: {  	[spmem:s1] =	stream.indirect.scatter.add.f32 [tilespmem:s14], [sflag:$0x3], $0x80, s20, s13, $0xb8;
	[tilespmem:$0x1DB00] =	vst v63  }
0x4a: {  	_ =	swait.ge [sflag:s11], $0x2800  }
0x4b: {  	[sflag:s11] =	ssyncset.done $0x0  }
0x4c: {  	[sflag:s11] =	ssyncadd.s32 $0xFFFFD800  }
0x4d: {  	[tilespmem:s14], [sflag:$0x1] =	stream.indirect.gather [hbm4b:s4+s13], $0x80, s21, s13, $0xb8;
	[tilespmem:$0x1DB00] =	vst v63  }
0x4e: {  	_ =	swait.ge [sflag:s19], $0x2800  }
0x4f: {  	[sflag:s19] =	ssyncset.done $0x0  }
0x50: {  	[sflag:s19] =	ssyncadd.s32 $0xFFFFD800  }
0x51: {  	[spmem:s1] =	stream.indirect.scatter.add.f32 [tilespmem:s15], [sflag:$0x3], $0x80, s22, s13, $0xb8;
	[tilespmem:$0x1DB00] =	vst v63  }
0x52: {  	_ =	swait.ge [sflag:s11], $0x2800  }
0x53: {  	[sflag:s11] =	ssyncset.done $0x0  }
0x54: {  	[sflag:s11] =	ssyncadd.s32 $0xFFFFD800  }
0x55: {  	_ =	swait.ge [sflag:s18], $0x2800  }
0x56: {  	[sflag:s18] =	ssyncset.done $0x0  }
0x57: {  	[sflag:s18] =	ssyncadd.s32 $0xFFFFD800  }
0x58: {  	[spmem:s1] =	stream.indirect.scatter.add.f32 [tilespmem:s14], [sflag:$0x3], $0x80, s23, s13, $0xb8;
	[tilespmem:$0x1DB00] =	vst v63  }
0x59: {  	_ =	swait.ge [sflag:s11], $0x2800  }
0x5a: {  	s25 =	sadd.s32 $0x1, s25;
	[sflag:s11] =	ssyncset.done $0x0  }
0x5b: {  	p0 =	sne.s32 s25, s8;
	[sflag:s11] =	ssyncadd.s32 $0xFFFFD800  }
.Ltmp1:
0x5c: {  	[bflag:$0x0] =	sbarrier.arrive $0xFFFF;
	(pc) =	sbr.rel @p0 .LBB2_1-.Ltmp1, $4  }
0x5d: {  	[hbm:s24], [sflag:s16] =	dma.local [spmem:s17], $0x2780  }
0x5e: {  	_ =	swait.ge [sflag:s11], $0x2780  }
0x5f: {  	[sflag:s11] =	ssyncset.done $0x0  }
0x60: {  	[sflag:s11] =	ssyncadd.s32 $0xFFFFD880  }
0x61: {  	_ =	sfence.sel $0x180000  }
0x62: {  	[bflag:$0x0] =	sbarrier.arrive $0xFFFF  }
0x63: {  	p0 =	sne.s32 s2, $0x0;
	_ =	strace $0x90000053  }
0x64: {  	s0 =	sadd.s32 @!p0 $0x100000, s0;
	[bflag:$0x2] =	sbarrier.arrive $0xFFFF  }
0x65: {  	[sflag:s0] =	ssyncadd.tile.s32 @!p0 $0x1;
	_ =	shalt  }
.Lfunc_end2:
_tile_overlayer_lowered:
.L_overlay_start_2:
0x66: {  	(tag) =	ssettag $0x2  }
0x67: {  	s0 =	rddreg [dreg:$0x0];
	s2 =	stileid.u32  }
0x68: {  	s1 =	rddreg [dreg:$0x1];
	p0 =	sne.s32 s2, $0x0  }
0x69: {  	s3 =	rddreg [dreg:$0x2];
	[bflag:$0x3] =	sbarrier.arrive $0xFFFF;
	s2 =	simm.s32 @!p0 $0x1C03  }
0x6a: {  	[timem:s3], [sflag:s2] =	dma.local @!p0 [hbm:s0], s1  }
0x6b: {  	s0 =	simm.s32 @!p0 $0x3  }
0x6c: {  	_ =	swait.ge @!p0 [sflag:s0], s1  }
0x6d: {  	s1 =	ssub.s32 @!p0 $0x0, s1;
	[sflag:s0] =	ssyncset.done @!p0 $0x0  }
0x6e: {  	[sflag:s0] =	ssyncadd.s32 @!p0 s1  }
0x6f: {  	[bflag:$0x3] =	sbarrier.arrive $0xFFFF  }
0x70: {  	_ =	shalt  }

// kernel: kernel.9.cloned.1.call-start
scs
__scs_entry_jumppad:
0x0: {  	(pc) =	sbr.rel $0x88, $3  }
0x1: {  	(tag) =	ssettag $0x0;
	lr =	simm.s32 $0x1  }
0x2: {  	[smem:$0x3F98] =	sst lr;
	_ =	strace $0xD0000000  }
0x3: {  	_ = 	snop  }
0x4: {  	_ = 	snop  }
0x5: {  	_ = 	snop  }
0x6: {  	_ = 	snop  }
0x7: {  	_ = 	snop  }
__scs_overlays_trampoline_lowered:
0x8: {  	[smem:$0x3FA7] =	sst s0  }
0x9: {  	[smem:$0x3FA8] =	sst s1  }
0xa: {  	[smem:$0x3FA9] =	sst s2  }
0xb: {  	[smem:$0x3FAA] =	sst s3  }
0xc: {  	[smem:$0x3FAB] =	sst s4  }
0xd: {  	[smem:$0x3FAC] =	sst s5  }
0xe: {  	[smem:$0x3FAD] =	sst s6  }
0xf: {  	[smem:$0x3FAE] =	sst s7  }
0x10: {  	[smem:$0x3FAF] =	sst s8  }
0x11: {  	[smem:$0x3FB0] =	sst s9;
	s0 =	simm.s32 @!p0 $0x0  }
0x12: {  	s1 =	sld [smem:$0x3F96];
	s0 =	simm.s32 @p0 $0x1  }
0x13: {  	[smem:$0x3FB1] =	sst s0;
	s0 =	simm.s32 @!p1 $0x0  }
0x14: {  	s2 =	sld [smem:$0x3F95];
	s0 =	simm.s32 @p1 $0x1  }
0x15: {  	[smem:$0x3FB2] =	sst s0;
	s0 =	simm.s32 @!p2 $0x0  }
0x16: {  	s3 =	sld [smem:$0x3FDB];
	s0 =	simm.s32 @p2 $0x1  }
0x17: {  	s4 =	simm.s32 $0x1BF5;
	[smem:$0x3FB4] =	sst s0  }
0x18: {  	s0 =	sld [smem:$0x3F97];
	_ =	swait.ge [sflag:s4], $0x0  }
0x19: {  	s7 =	sld [smem:$0x3F98]  }
0x1a: {  	s8 =	sadd.s32 $0xFFFFE003, lr  }
0x1b: {  	s9 =	sadd.s32 $0xFFFFFEF7, lr;
	s5 =	simm.s32 $0xFFFFFFFF;
	p2 =	slt.u32 s8, $0xFFFFF086  }
0x1c: {  	p1 =	slt.u32 s9, $0xF7A;
	s5 =	simm.s32 @!p2 $0x0  }
0x1d: {  	s5 =	simm.s32 @p1 $0x1;
	p0 =	seq.s32 s7, s2  }
0x1e: {  	s7 =	smul.u32 @!p0 $0xF7A, s2;
	p2 =	seq.s32 @!p0 s5, $0x0  }
0x1f: {  	s9 =	smul.u32 $0xF7A, s1;
	s8 =	simm.s32 @!p0 $0x1BF5;
	p2 =	por !p2, p0  }
0x20: {  	[sflag:s8] =	ssyncset.s32 @!p0 $0xFFFFF086;
	s6 =	sadd.s32 @!p0 s3, s7;
	s7 =	simm.s32 @!p0 $0x108  }
0x21: {  	s3 =	sadd.s32 s3, s9;
	s6 =	sadd.s32 @!p0 $0x88, s6;
	s7 =	simm.s32 @p2 $0x1082  }
0x22: {  	[simem:s7], [sflag:s8] =	dma.local @!p0 [hbm:s6], $0xF7A  }
0x23: {  	s9 =	sor.u32 $0xD0000000, s2;
	s6 =	simm.s32 $0x108;
	_ =	swait.ge @!p0 [sflag:s8], $0x0  }
0x24: {  	s3 =	sadd.s32 $0x88, s3;
	s6 =	simm.s32 @!p1 $0x1082;
	[sflag:s4] =	ssyncset.s32 $0xFFFFF086  }
0x25: {  	[simem:s6], [sflag:s4] =	dma.local [hbm:s3], $0xF7A  }
0x26: {  	[smem:$0x3F98] =	sst s1;
	(tag) =	ssettag s2;
	_ =	strace s9  }
0x27: {  	s1 =	sld [smem:$0x3FA8]  }
0x28: {  	s2 =	sld [smem:$0x3FA9]  }
0x29: {  	s4 =	sld [smem:$0x3FAB]  }
0x2a: {  	p0 =	seq.s32 s5, $0x0;
	s5 =	sld [smem:$0x3FAC]  }
0x2b: {  	s6 =	sld [smem:$0x3FAD]  }
0x2c: {  	s7 =	sld [smem:$0x3FAE]  }
0x2d: {  	s3 =	simm.s32 $0x108;
	s8 =	sld [smem:$0x3FAF]  }
0x2e: {  	s3 =	simm.s32 @!p0 $0x1082;
	s9 =	sld [smem:$0x3FB0]  }
0x2f: {  	lr =	sadd.s32 s0, s3;
	s0 =	sld [smem:$0x3FA7]  }
0x30: {  	s3 =	sld [smem:$0x3FAA]  }
0x31: {  	[smem:$0x3FB3] =	sst s10  }
0x32: {  	s10 =	sld [smem:$0x3FB1];
	_ =	sdelay $0x3  }
0x33: {  	p0 =	seq.s32 s10, $0x1;
	s10 =	sld [smem:$0x3FB3];
	_ =	sdelay $0x3  }
0x34: {  	[smem:$0x3FB3] =	sst s10  }
0x35: {  	s10 =	sld [smem:$0x3FB2];
	_ =	sdelay $0x3  }
0x36: {  	p1 =	seq.s32 s10, $0x1;
	s10 =	sld [smem:$0x3FB3];
	_ =	sdelay $0x3  }
0x37: {  	[smem:$0x3FB3] =	sst s10  }
0x38: {  	s10 =	sld [smem:$0x3FB4]  }
0x39: {  	_ = 	snop;
	(pc) =	sbr.ind lr, $3  }
0x3a: {  	_ = 	snop  }
0x3b: {  	_ = 	snop  }
0x3c: {  	p2 =	seq.s32 s10, $0x1;
	s10 =	sld [smem:$0x3FB3]  }
0x3d: {  	_ =	shalt  }
0x3e: {  	_ =	shalt  }
0x3f: {  	_ =	shalt  }
0x40: {  	_ =	shalt  }
0x41: {  	_ =	shalt  }
0x42: {  	_ =	shalt  }
0x43: {  	_ =	shalt  }
0x44: {  	_ =	shalt  }
0x45: {  	_ =	shalt  }
0x46: {  	_ =	shalt  }
0x47: {  	_ =	shalt  }
0x48: {  	_ =	shalt  }
0x49: {  	_ =	shalt  }
0x4a: {  	_ =	shalt  }
0x4b: {  	_ =	shalt  }
0x4c: {  	_ =	shalt  }
0x4d: {  	_ =	shalt  }
0x4e: {  	_ =	shalt  }
0x4f: {  	_ =	shalt  }
0x50: {  	_ =	shalt  }
0x51: {  	_ =	shalt  }
0x52: {  	_ =	shalt  }
0x53: {  	_ =	shalt  }
0x54: {  	_ =	shalt  }
0x55: {  	_ =	shalt  }
0x56: {  	_ =	shalt  }
0x57: {  	_ =	shalt  }
0x58: {  	_ =	shalt  }
0x59: {  	_ =	shalt  }
0x5a: {  	_ =	shalt  }
0x5b: {  	_ =	shalt  }
0x5c: {  	_ =	shalt  }
0x5d: {  	_ =	shalt  }
0x5e: {  	_ =	shalt  }
0x5f: {  	_ =	shalt  }
0x60: {  	_ =	shalt  }
0x61: {  	_ =	shalt  }
0x62: {  	_ =	shalt  }
0x63: {  	_ =	shalt  }
0x64: {  	_ =	shalt  }
0x65: {  	_ =	shalt  }
0x66: {  	_ =	shalt  }
0x67: {  	_ =	shalt  }
0x68: {  	_ =	shalt  }
0x69: {  	_ =	shalt  }
0x6a: {  	_ =	shalt  }
0x6b: {  	_ =	shalt  }
0x6c: {  	_ =	shalt  }
0x6d: {  	_ =	shalt  }
0x6e: {  	_ =	shalt  }
0x6f: {  	_ =	shalt  }
0x70: {  	_ =	shalt  }
0x71: {  	_ =	shalt  }
0x72: {  	_ =	shalt  }
0x73: {  	_ =	shalt  }
0x74: {  	_ =	shalt  }
0x75: {  	_ =	shalt  }
0x76: {  	_ =	shalt  }
0x77: {  	_ =	shalt  }
0x78: {  	_ =	shalt  }
0x79: {  	_ =	shalt  }
0x7a: {  	_ =	shalt  }
0x7b: {  	_ =	shalt  }
0x7c: {  	_ =	shalt  }
0x7d: {  	_ =	shalt  }
0x7e: {  	_ =	shalt  }
0x7f: {  	_ =	shalt  }
0x80: {  	_ =	shalt  }
0x81: {  	_ =	shalt  }
0x82: {  	_ =	shalt  }
0x83: {  	_ =	shalt  }
0x84: {  	_ =	shalt  }
0x85: {  	_ =	shalt  }
0x86: {  	_ =	shalt  }
0x87: {  	_ =	shalt  }
.Lfunc_end0:
.L_simem_size_0:
called_computation_lowered:
.L_overlay_start_0:
0x88: {  	s2 =	sld [smem:$0x3FD9]  }
0x89: {  	s3 =	sld [smem:$0x3FFE];
	_ =	sdelay $0x1  }
0x8a: {  	s1 =	srdreg.scid  }
0x8b: {  	s0 =	sand.u32 $0x1, s1  }
0x8c: {  	s14 =	sshll.u32 s0, $0xA;
	s2 =	sadd.s32 s3, s2  }
0x8d: {  	s2 =	sadd.s32 s2, s14  }
0x8e: {  	[smem:$0x3FBF] =	sst s2  }
0x8f: {  	_ = 	snop  }
0x90: {  	s2 =	sld [smem:$0x3FD0];
	_ =	sdelay $0x2  }
0x91: {  	s4 =	simm.s32 $0xA;
	s5 =	simm.s32 $0x10;
	s15 =	sld [smem:$0x3FC5]  }
0x92: {  	[smem:s5], [sflag:s4] =	dma.local [hbm:s2], $0x1  }
0x93: {  	_ =	swait.eq [sflag:s4], $0x1  }
0x94: {  	[sflag:s4] =	ssyncset.done $0x0  }
0x95: {  	[sflag:s4] =	ssyncadd.s32 $0xFFFFFFFF  }
0x96: {  	s16 =	sld [smem:$0x10];
	(tm) =	ssettm $0x1  }
0x97: {  	s17 =	sld [smem:$0x3FFB];
	_ =	sdelay $0x3  }
0x98: {  	_ =	strace s17  }
0x99: {  	s4 =	sld [smem:$0x3FFC];
	_ =	sdelay $0x3  }
0x9a: {  	_ =	strace s4  }
0x9b: {  	s4 =	sld [smem:$0x3FFD];
	_ =	sdelay $0x3  }
0x9c: {  	_ =	strace s4  }
0x9d: {  	_ =	strace $0x8FFFFFFF  }
0x9e: {  	s18 =	sld [smem:$0x3FDB];
	_ =	sdelay $0x1  }
0x9f: {  	s19 =	simm.s32 $_scs_section_size  }
0xa0: {  	s6 =	simm.s32 $_size__tile_overlayer_lowered;
	s7 =	simm.s32 $_tile_overlayer_lowered  }
0xa1: {  	s22 =	simm.s32 $0x1BFF;
	s21 =	sshll.u32 s7, $0x1;
	s4 =	sadd.s32 s19, s18  }
0xa2: {  	s8 =	simm.s32 $0x0;
	s20 =	sshll.u32 s6, $0x1;
	s6 =	sadd.s32 s21, s4  }
0xa3: {  	[timem:s8], [sflag:s22] =	dma.local [hbm:s6], s20  }
0xa4: {  	_ =	swait.ge [sflag:s22], s20  }
0xa5: {  	s5 =	ssub.s32 $0x0, s20;
	[sflag:s22] =	ssyncset.done $0x0  }
0xa6: {  	[sflag:s22] =	ssyncadd.s32 s5;
	_ =	sdelay $0x1  }
0xa7: {  	s23 =	simm.s32 $0x1B8B  }
0xa8: {  	_ =	swait.ge [sflag:s23], $0x1  }
0xa9: {  	[sflag:s23] =	ssyncset.done $0x0  }
0xaa: {  	s25 =	simm.s32 $0x1B8E;
	s24 =	sld [smem:$0x3FFE];
	[sflag:s23] =	ssyncadd.s32 $0xFFFFFFFF  }
0xab: {  	s26 =	simm.s32 $execute0_lowered;
	[smem:$0x3FD2] =	sst s25  }
0xac: {  	s6 =	sshll.u32 s26, $0x1;
	_ =	strace $0x80000046;
	[dreg:$0x1] =	wrdreg $0xFFFFFFFF  }
0xad: {  	s28 =	simm.s32 $_size_execute0_lowered;
	s4 =	sadd.s32 s4, s6;
	[dreg:$0x0] =	wrdreg $0x0  }
0xae: {  	s6 =	sshll.u32 s28, $0x1;
	[dreg:$0x2] =	wrdreg s4  }
0xaf: {  	[dreg:$0x3] =	wrdreg s6  }
0xb0: {  	[dreg:$0x4] =	wrdreg $0xC0  }
0xb1: {  	_ =	task [dreg:s8], $0x5FFFF  }
0xb2: {  	[dreg:$0x1] =	wrdreg $0xFFFFFFFF  }
0xb3: {  	[dreg:$0x0] =	wrdreg $0x60  }
0xb4: {  	[dreg:$0x2] =	wrdreg s15  }
0xb5: {  	[dreg:$0x3] =	wrdreg s24  }
0xb6: {  	[dreg:$0x4] =	wrdreg s16  }
0xb7: {  	[dreg:$0x5] =	wrdreg $0x9  }
0xb8: {  	_ =	task.clear_ibuf [dreg:s8], $0x6FFFF;
	_ =	strace $0x90000046  }
0xb9: {  	s29 =	simm.s32 $0x9;
	_ =	strace $0x80000048  }
0xba: {  	_ =	swait.ge [sflag:s29], $0x1  }
0xbb: {  	[sflag:s29] =	ssyncadd.s32 $0xFFFFFFFF  }
0xbc: {  	_ =	strace $0x90000048  }
0xbd: {  	_ =	sfence  }
0xbe: {  	s30 =	sld [smem:$0x0];
	_ =	sdelay $0x2  }
0xbf: {  	s31 =	sshll.u32 s1, $0xD;
	s1 =	sshrl.u32 s1, $0x2  }
0xc0: {  	s3 =	sand.u32 $0x4000, s31;
	s1 =	sadd.s32 s1, s30  }
0xc1: {  	s0 =	sor.u32 s3, s0;
	s1 =	sshll.u32 s1, $0x11  }
0xc2: {  	s0 =	sor.u32 s1, s0  }
0xc3: {  	s0 =	sadd.s32 $0x8F2B, s0  }
0xc4: {  	[sflag:s0] =	ssyncadd.remote.s32 $0x1  }
0xc5: {  	_ =	sfence.sel $0xFFFF  }
0xc6: {  	[dreg:$0x0] =	wrdreg $0xFFFFFFFF;
	(pc) =	sbr.abs _section_cstart, $3  }
0xc7: {  	[dreg:$0x1] =	wrdreg $0xFFFFFFFF  }
0xc8: {  	_ =	task.clear_ibuf [dreg:s8], $0x2FFFF;
	_ =	strace $0x9FFFFFFF  }
0xc9: {  	(tm) =	ssettm $0x7FFFFFFF  }
tec
execute0_lowered:
.L_overlay_start_1:
0x0: {  	(tag) =	ssettag $0x1  }
0x1: {  	s3 =	rddreg [dreg:$0x0]  }
0x2: {  	s4 =	rddreg [dreg:$0x1];
	s1 =	srdreg.scid  }
0x3: {  	s0 =	stileid.u32;
	s5 =	rddreg [dreg:$0x2]  }
0x4: {  	s2 =	simm.s32 $0x0;
	s6 =	sand.u32 $0x1, s1;
	s7 =	sshll.u32 s0, $0x1  }
0x5: {  	s10 =	simm.s32 $0x0;
	s1 =	rddreg [dreg:$0x3];
	s7 =	sor.u32 s6, s7  }
0x6: {  	[smem:$0x7FF] =	sst s2;
	s6 =	ssub.s32 $0x2, s6;
	s8 =	smul.u32 $0x4E2, s7  }
0x7: {  	_ =	strace $0x80000047;
	s9 =	sshrl.u32 s6, $0x1;
	s7 =	smul.u32 $0x4F0, s7  }
0x8: {  	s6 =	ssub.s32 s6, s9;
	s9 =	simm.s32 $0x4F00;
	s4 =	sadd.s32 s8, s4  }
0x9: {  	s3 =	sadd.s32 s3, s8;
	s5 =	sadd.s32 s5, s7;
	s6 =	smax.u32 s6, $0x1  }
0xa: {  	v0 =	vimm.f32 $0.0e+00;
	s7 =	simm.s32 $0x1;
	s8 =	simm.s32 $0x2780;
	s4 =	sadd.s32 $0x5E00, s4  }
.LBB2_1:
0xb: {  	[tilespmem:s2], [sflag:$0x1] =	stream.linear.gather [hbm4b:s3+s2], $0x2710, $0x38;
	[tilespmem:$0x7680] =	vst v63  }
0xc: {  	_ =	swait.ge [sflag:s7], $0x2710  }
0xd: {  	[sflag:s7] =	ssyncset.done $0x0  }
0xe: {  	[sflag:s7] =	ssyncadd.s32 $0xFFFFD8F0  }
0xf: {  	[tilespmem:s8], [sflag:$0x1] =	stream.linear.gather [hbm4b:s4+s2], $0x2710, $0x38;
	[tilespmem:$0x7680] =	vst v63  }
0x10: {  	_ =	swait.ge [sflag:s7], $0x2710  }
0x11: {  	[sflag:s7] =	ssyncset.done $0x0  }
0x12: {  	s11 =	simm.s32 $0x0;
	[sflag:s7] =	ssyncadd.s32 $0xFFFFD8F0  }
.LBB2_2:
0x13: {  	p0 =	sne.s32 s11, $0x9DC0  }
.Ltmp0:
0x14: {  	_ = 	snop;
	(pc) =	sbr.rel @p0 .LBB2_2-.Ltmp0, $3  }
0x15: {  	_ =	sdelay $0x1  }
0x16: {  	s12 =	sshra.s32 s11, $0x2  }
0x17: {  	s11 =	sadd.s32 $0x40, s11;
	[tilespmem:s12+$0x4F00] =	vst v0  }
0x18: {  	s12 =	simm.s32 $0x0;
	s11 =	simm.s32 $0x40  }
.LBB2_4:
0x19: {  	p0 =	sne.s32 s11, $0x9C00;
	v1 =	vld [tilespmem:s12+$0x2780];
	_ =	sdelay $0x2  }
0x1a: {  	v2 =	vld [tilespmem:s12+$0x0]  }
.Ltmp1:
0x1b: {  	(pc) =	sbr.rel @p0 .LBB2_4-.Ltmp1, $2  }
0x1c: {  	_ =	sdelay $0x2  }
0x1d: {  	s12 =	sshra.s32 s11, $0x2;
	s11 =	sadd.s32 $0x40, s11;
	[tilespmem:v1+s9+$0x0] =	vst.idx.add.f32.msk $0xffff, v2  }
0x1e: {  	v1 =	vld [tilespmem:s12+$0x2780];
	_ =	sdelay $0x2  }
0x1f: {  	v2 =	vld [tilespmem:s12+$0x0];
	_ =	sdelay $0x2  }
0x20: {  	s10 =	sadd.s32 $0x1, s10  }
0x21: {  	p0 =	sne.s32 s10, s6  }
.Ltmp2:
0x22: {  	[tilespmem:v1+s9+$0x0] =	vst.idx.add.f32.msk $0xffff, v2;
	(pc) =	sbr.rel @p0 .LBB2_1-.Ltmp2, $4  }
0x23: {  	[hbm4b:s5+s2] =	stream.linear.scatter [tilespmem:s9], [sflag:$0x1], $0x2780, $0x38;
	[tilespmem:$0x7680] =	vst v63  }
0x24: {  	_ =	swait.ge [sflag:s7], $0x2780  }
0x25: {  	[sflag:s7] =	ssyncset.done $0x0  }
0x26: {  	[sflag:s7] =	ssyncadd.s32 $0xFFFFD880  }
0x27: {  	_ =	sfence.sel $0x180000  }
0x28: {  	[bflag:$0x0] =	sbarrier.arrive $0xFFFF  }
0x29: {  	p0 =	sne.s32 s0, $0x0;
	_ =	strace $0x90000047  }
0x2a: {  	s0 =	sadd.s32 @!p0 $0x100000, s1;
	[bflag:$0x2] =	sbarrier.arrive $0xFFFF  }
0x2b: {  	[sflag:s0] =	ssyncadd.tile.s32 @!p0 $0x1;
	_ =	shalt  }
.Lfunc_end2:
_tile_overlayer_lowered:
.L_overlay_start_2:
0x2c: {  	(tag) =	ssettag $0x2  }
0x2d: {  	s0 =	rddreg [dreg:$0x0];
	s2 =	stileid.u32  }
0x2e: {  	s1 =	rddreg [dreg:$0x1];
	p0 =	sne.s32 s2, $0x0  }
0x2f: {  	s3 =	rddreg [dreg:$0x2];
	[bflag:$0x3] =	sbarrier.arrive $0xFFFF;
	s2 =	simm.s32 @!p0 $0x1C01  }
0x30: {  	[timem:s3], [sflag:s2] =	dma.local @!p0 [hbm:s0], s1  }
0x31: {  	s0 =	simm.s32 @!p0 $0x1  }
0x32: {  	_ =	swait.ge @!p0 [sflag:s0], s1  }
0x33: {  	s1 =	ssub.s32 @!p0 $0x0, s1;
	[sflag:s0] =	ssyncset.done @!p0 $0x0  }
0x34: {  	[sflag:s0] =	ssyncadd.s32 @!p0 s1  }
0x35: {  	[bflag:$0x3] =	sbarrier.arrive $0xFFFF  }
0x36: {  	_ =	shalt  }

</sc_bundles>
